<compile_context>
chip_gen: v7x
topology: tpu7x:2x2x1
jax: 0.10.2.dev20260603
libtpu: 0.0.44.dev20260713+nightly
codegen_flags: <defaults>
</compile_context>

<pallas_src>
import dataclasses
import functools

import jax
import jax.numpy as jnp
from jax import lax
from jax.experimental import pallas as pl
from jax.experimental.pallas import tpu as pltpu
from jax.experimental.pallas import tpu_sc as plsc

N = 10000
E = 320000
NP = 10240
NC = 2
NS = 16
NW = NC * NS
B = 128
D = 128
NCHUNK = E // B
BASE_CH = NCHUNK // NW
EXTRA = NCHUNK % NW
RPS = NP // NS


def _fill(buf, rows, width, value):
    @pl.loop(0, rows)
    def _(r):
        @pl.loop(0, width // 16)
        def _(c):
            buf.at[r, pl.ds(c * 16, 16)][...] = jnp.full((16,), value, jnp.float32)


def _zero_acc(rows, acc, base_row, sem):
    for i in range(RPS // B):
        pltpu.async_copy(rows, acc.at[pl.ds(base_row + i * B, B)], sem)
    for i in range(RPS // B):
        pltpu.make_async_copy(rows, acc.at[pl.ds(base_row + i * B, B)],
                              sem).wait()


def _copy_out(acc, out_hbm, cid, base_row, sem):
    for i in range(RPS // B):
        r0 = base_row + i * B
        pltpu.async_copy(acc.at[pl.ds(r0, B)], out_hbm.at[cid, pl.ds(r0, B)],
                         sem)
    for i in range(RPS // B):
        r0 = base_row + i * B
        pltpu.make_async_copy(acc.at[pl.ds(r0, B)],
                              out_hbm.at[cid, pl.ds(r0, B)], sem).wait()


@functools.cache
def _make_edge_scatter():
    mesh = plsc.VectorSubcoreMesh(core_axis_name="c", subcore_axis_name="s")

    @functools.partial(
        pl.kernel,
        out_type=jax.ShapeDtypeStruct((NC, NP, D), jnp.float32),
        mesh=mesh,
        scratch_types=[
            pltpu.VMEM((EPW,), jnp.int32),
            pltpu.VMEM((B,), jnp.int32),
            pltpu.VMEM((B,), jnp.int32),
            pltpu.VMEM((B, D), jnp.float32),
            pltpu.VMEM((B, D), jnp.float32),
            pltpu.VMEM_SHARED((NP, D), jnp.float32),
            pltpu.SemaphoreType.DMA,
            pltpu.SemaphoreType.DMA,
            pltpu.SemaphoreType.DMA,
        ],
    )
    def scat(src_hbm, dst_hbm, g_hbm, out_hbm,
             sseg, di0, di1, rows0, rows1, acc,
             semi, semg0, semg1):
        cid = lax.axis_index("c")
        sid = lax.axis_index("s")
        wid = cid * NS + sid
        base_row = sid * RPS

        pltpu.async_copy(src_hbm.at[pl.ds(wid * EPW, EPW)], sseg, semi)
        _fill(rows0, B, D, 0.0)
        _zero_acc(rows0, acc, base_row, semg1)
        pltpu.make_async_copy(src_hbm.at[pl.ds(wid * EPW, EPW)], sseg,
                              semi).wait()
        plsc.subcore_barrier()

        def cbase(t):
            return (wid * BASE_CH + t) * B

        def dst_start(t, di):
            pltpu.async_copy(dst_hbm.at[pl.ds(cbase(t), B)], di, semi)

        def dst_wait(t, di):
            pltpu.make_async_copy(dst_hbm.at[pl.ds(cbase(t), B)], di, semi).wait()

        def g_start(t, rbuf, sem):
            pltpu.async_copy(g_hbm.at[sseg.at[pl.ds(t * B, B)]], rbuf, sem)

        def g_wait(t, rbuf, sem):
            pltpu.make_async_copy(g_hbm.at[sseg.at[pl.ds(t * B, B)]], rbuf,
                                  sem).wait()

        def scatter(rbuf, di):
            pltpu.sync_copy(rbuf, acc.at[di], add=True)

        dst_start(0, di0)
        dst_start(1, di1)
        g_start(0, rows0, semg0)
        g_start(1, rows1, semg1)
        dst_wait(0, di0)
        dst_wait(1, di1)

        @pl.loop(0, BASE_CH // 2 - 1)
        def _(u):
            t = 2 * u
            g_wait(t, rows0, semg0)
            scatter(rows0, di0)
            dst_start(t + 2, di0)
            g_start(t + 2, rows0, semg0)
            g_wait(t + 1, rows1, semg1)
            scatter(rows1, di1)
            dst_start(t + 3, di1)
            g_start(t + 3, rows1, semg1)
            dst_wait(t + 2, di0)
            dst_wait(t + 3, di1)

        g_wait(BASE_CH - 2, rows0, semg0)
        scatter(rows0, di0)
        g_wait(BASE_CH - 1, rows1, semg1)
        scatter(rows1, di1)

        @pl.when(wid < EXTRA)
        def _():
            eb = (NW * BASE_CH + wid) * B
            pltpu.sync_copy(src_hbm.at[pl.ds(eb, B)], sseg.at[pl.ds(0, B)])
            pltpu.sync_copy(dst_hbm.at[pl.ds(eb, B)], di0)
            pltpu.sync_copy(g_hbm.at[sseg.at[pl.ds(0, B)]], rows0)
            scatter(rows0, di0)

        plsc.subcore_barrier()
        _copy_out(acc, out_hbm, cid, base_row, semg1)

    return scat


NR = NP // 128
EPW = BASE_CH * B


@functools.cache
def _make_deg():
    mesh = plsc.VectorSubcoreMesh(core_axis_name="c", subcore_axis_name="s")
    cp = pltpu.CompilerParams()
    if "needs_layout_passes" in pltpu.CompilerParams.__dataclass_fields__:
        cp = dataclasses.replace(cp, needs_layout_passes=False)

    @functools.partial(
        pl.kernel,
        out_type=jax.ShapeDtypeStruct((NC, NR, 128), jnp.float32),
        mesh=mesh,
        compiler_params=cp,
        scratch_types=[
            pltpu.VMEM((EPW,), jnp.int32),
            pltpu.VMEM((NR, 128), jnp.float32),
            pltpu.VMEM((NR,), jnp.int32),
            pltpu.VMEM_SHARED((NR, 128), jnp.float32),
        ],
    )
    def deg(dst_hbm, out_hbm, dseg, cnt, iid, acc):
        cid = lax.axis_index("c")
        sid = lax.axis_index("s")
        wid = cid * NS + sid

        @pl.loop(0, NR)
        def _(r):
            @pl.loop(0, 8)
            def _(c):
                cnt.at[r, pl.ds(c * 16, 16)][...] = jnp.zeros((16,), jnp.float32)

        @pl.when(sid == 0)
        def _():
            pltpu.sync_copy(cnt, acc)

        @pl.loop(0, NR // 16)
        def _(i):
            iid.at[pl.ds(i * 16, 16)][...] = (
                lax.iota(jnp.int32, 16) + i * 16)

        pltpu.sync_copy(dst_hbm.at[pl.ds(wid * EPW, EPW)], dseg)
        ones16 = jnp.ones((16,), jnp.float32)

        def count16(idx16):
            r = lax.shift_right_logical(idx16, 7)
            c = lax.bitwise_and(idx16, 127)
            plsc.addupdate_scatter(cnt, [r, c], ones16)

        @pl.loop(0, EPW // 16)
        def _(k):
            count16(dseg[pl.ds(k * 16, 16)])

        @pl.when(wid < EXTRA)
        def _():
            eb = (NW * BASE_CH + wid) * B
            pltpu.sync_copy(dst_hbm.at[pl.ds(eb, B)], dseg.at[pl.ds(0, B)])

            @pl.loop(0, B // 16)
            def _(k):
                count16(dseg[pl.ds(k * 16, 16)])

        plsc.subcore_barrier()
        pltpu.sync_copy(cnt, acc.at[iid], add=True)
        plsc.subcore_barrier()

        @pl.when(sid == 0)
        def _():
            pltpu.sync_copy(acc, out_hbm.at[cid])

    return deg


BN = 2000
_GRID = N // BN


def _tc1_body(pdeg_ref, x_ref, w_ref, g_ref, dinv_ref):
    deg = pdeg_ref[0] + pdeg_ref[1] + 1.0
    dinv = jnp.broadcast_to(jax.lax.rsqrt(deg), (BN, 128))
    h = jnp.dot(x_ref[...], w_ref[...], preferred_element_type=jnp.float32)
    g_ref[...] = dinv * h
    dinv_ref[...] = dinv


def _tc1(pdeg, x, W1):
    return pl.pallas_call(
        _tc1_body,
        grid=(_GRID,),
        in_specs=[
            pl.BlockSpec((NC, BN, 1), lambda i: (0, i, 0)),
            pl.BlockSpec((BN, 128), lambda i: (i, 0)),
            pl.BlockSpec((128, 128), lambda i: (0, 0)),
        ],
        out_specs=[
            pl.BlockSpec((BN, 128), lambda i: (i, 0)),
            pl.BlockSpec((BN, 128), lambda i: (i, 0)),
        ],
        out_shape=[
            jax.ShapeDtypeStruct((N, 128), jnp.float32),
            jax.ShapeDtypeStruct((N, 128), jnp.float32),
        ],
    )(pdeg, x, W1)


def _make_tc_mid(dw):
    def body(s_ref, g_ref, dinv_ref, w_ref, b_ref, o_ref):
        dinv = dinv_ref[...]
        tot = s_ref[0] + s_ref[1] + g_ref[...]
        h = jnp.tanh(dinv * tot + b_ref[...])
        hw = jnp.dot(h, w_ref[...], preferred_element_type=jnp.float32)
        if dw < 128:
            hw = jnp.concatenate(
                [hw, jnp.zeros((BN, 128 - dw), jnp.float32)], axis=1)
        o_ref[...] = dinv * hw

    def run(s, g, dinv, W, b):
        return pl.pallas_call(
            body,
            grid=(_GRID,),
            in_specs=[
                pl.BlockSpec((NC, BN, 128), lambda i: (0, i, 0)),
                pl.BlockSpec((BN, 128), lambda i: (i, 0)),
                pl.BlockSpec((BN, 128), lambda i: (i, 0)),
                pl.BlockSpec((128, dw), lambda i: (0, 0)),
                pl.BlockSpec((1, 128), lambda i: (0, 0)),
            ],
            out_specs=pl.BlockSpec((BN, 128), lambda i: (i, 0)),
            out_shape=jax.ShapeDtypeStruct((N, 128), jnp.float32),
        )(s, g, dinv, W, b.reshape(1, -1))

    return run


_tc_mid = _make_tc_mid(128)
_tc_mid64 = _make_tc_mid(64)


def _tc_fin_body(s_ref, g_ref, dinv_ref, b_ref, o_ref):
    dinv = dinv_ref[...][:, :64]
    tot = s_ref[0, :, :64] + s_ref[1, :, :64] + g_ref[...][:, :64]
    o_ref[...] = dinv * tot + b_ref[...]


def _tc_fin(s, g, dinv, b):
    return pl.pallas_call(
        _tc_fin_body,
        grid=(_GRID,),
        in_specs=[
            pl.BlockSpec((NC, BN, 128), lambda i: (0, i, 0)),
            pl.BlockSpec((BN, 128), lambda i: (i, 0)),
            pl.BlockSpec((BN, 128), lambda i: (i, 0)),
            pl.BlockSpec((1, 64), lambda i: (0, 0)),
        ],
        out_specs=pl.BlockSpec((BN, 64), lambda i: (i, 0)),
        out_shape=jax.ShapeDtypeStruct((N, 64), jnp.float32),
    )(s, g, dinv, b.reshape(1, -1))


def kernel(x, edge_index, W1, b1, W2, b2, W3, b3):
    src2 = edge_index[0]
    dst2 = edge_index[1]
    scat = _make_edge_scatter()
    pdeg = _make_deg()(dst2).reshape(NC, NP, 1)
    g1, dinv = _tc1(pdeg, x, W1)
    s1 = scat(src2, dst2, g1)
    g2 = _tc_mid(s1, g1, dinv, W2, b1)
    s2 = scat(src2, dst2, g2)
    g3 = _tc_mid64(s2, g2, dinv, W3, b2)
    s3 = scat(src2, dst2, g3)
    return _tc_fin(s3, g3, dinv, b3)

# --- scband reference (transcript-rebuilt; emitter-appended) ---
"""Pipeline reference for scband-combined-hidden-gcaeencoder-16286515987226 (READ-ONLY COPY).

The authoritative reference and input builder live on the scoring server;
editing this copy changes nothing except your own understanding.
"""

import jax, jax.numpy as jnp
import numpy as np

N = 10000
E = 320000
D_IN = 128
D_HID = 128
D_LAT = 64


def _gcn_conv(x, edge_index, W, b):
    n = x.shape[0]
    loop = jnp.arange(n, dtype=edge_index.dtype)
    src = jnp.concatenate([edge_index[0], loop])
    dst = jnp.concatenate([edge_index[1], loop])
    deg = jax.ops.segment_sum(jnp.ones(src.shape[0], dtype=x.dtype), dst, num_segments=n)
    dinv = jnp.where(deg > 0, 1.0 / jnp.sqrt(deg), 0.0)
    norm = dinv[src] * dinv[dst]
    h = x @ W
    msg = h[src] * norm[:, None]
    out = jax.ops.segment_sum(msg, dst, num_segments=n)
    return out + b


def setup_inputs(seed: int = 0):
    key = jax.random.key(seed)
    ks = jax.random.split(key, 9)
    x = jax.random.normal(ks[0], (N, D_IN), dtype=jnp.float32)
    edge_index = jax.random.randint(ks[1], (2, E), 0, N, dtype=jnp.int32)
    W1 = jax.random.normal(ks[2], (D_IN, D_HID), dtype=jnp.float32) * (1.0 / np.sqrt(D_IN))
    b1 = jnp.zeros((D_HID,), dtype=jnp.float32)
    W2 = jax.random.normal(ks[3], (D_HID, D_HID), dtype=jnp.float32) * (1.0 / np.sqrt(D_HID))
    b2 = jnp.zeros((D_HID,), dtype=jnp.float32)
    W3 = jax.random.normal(ks[4], (D_HID, D_LAT), dtype=jnp.float32) * (1.0 / np.sqrt(D_HID))
    b3 = jnp.zeros((D_LAT,), dtype=jnp.float32)
    return {"x": x, "edge_index": edge_index, "W1": W1, "b1": b1, "W2": W2, "b2": b2, "W3": W3, "b3": b3}


def reference(x, edge_index, W1, b1, W2, b2, W3, b3):
    h = jnp.tanh(_gcn_conv(x, edge_index, W1, b1))
    h = jnp.tanh(_gcn_conv(h, edge_index, W2, b2))
    z = _gcn_conv(h, edge_index, W3, b3)
    return z

if __name__ == "__main__":
    import jax
    _d = setup_inputs()
    print(jax.jit(kernel)(*tuple(_d.values())))

</pallas_src>

<mosaic_0001>
#map = affine_map<(d0, d1) -> (0)>
#map1 = affine_map<(d0, d1) -> (0, 0)>
#map2 = affine_map<(d0, d1) -> (0, 0, 0)>
module attributes {stable_mosaic.version = 14 : i64} {
  func.func @scat(%arg0: i32, %arg1: i32, %arg2: memref<320000xi32, #tpu.memory_space<hbm>>, %arg3: memref<320000xi32, #tpu.memory_space<hbm>>, %arg4: memref<10000x128xf32, #tpu.memory_space<hbm>>, %arg5: memref<2x10240x128xf32, #tpu.memory_space<hbm>>, %arg6: memref<9984xi32, #tpu.memory_space<vmem>>, %arg7: memref<128xi32, #tpu.memory_space<vmem>>, %arg8: memref<128xi32, #tpu.memory_space<vmem>>, %arg9: memref<128x128xf32, #tpu.memory_space<vmem>>, %arg10: memref<128x128xf32, #tpu.memory_space<vmem>>, %arg11: memref<10240x128xf32, #tpu.memory_space<vmem_shared>>, %arg12: memref<!tpu.dma_semaphore, #tpu.memory_space<semaphore_mem>>, %arg13: memref<!tpu.dma_semaphore, #tpu.memory_space<semaphore_mem>>, %arg14: memref<!tpu.dma_semaphore, #tpu.memory_space<semaphore_mem>>) attributes {dimension_semantics = [#tpu.dimension_semantics<core_parallel>, #tpu.dimension_semantics<subcore_parallel>], iteration_bounds = array<i64: 2, 16>, scalar_prefetch = 0 : i64, scratch_operands = 9 : i64, tpu.core_type = #tpu.core_type<sc_vector_subcore>, window_params = [{transform_indices = #map}, {transform_indices = #map}, {transform_indices = #map1}, {transform_indices = #map2}]} {
    %mul3A = arith.constant 16 : i32
    %mul3A_0 = arith.muli %arg0, %mul3A : i32
    %add3A = arith.addi %mul3A_0, %arg1 : i32
    %mul3A_1 = arith.constant 640 : i32
    %mul3A_2 = arith.muli %arg1, %mul3A_1 : i32
    %mul3A_3 = arith.constant 9984 : i32
    %mul3A_4 = arith.muli %add3A, %mul3A_3 : i32
    %dma_start3A = tpu.memref_slice %arg2[%mul3A_4] : memref<320000xi32, #tpu.memory_space<hbm>> -> memref<9984xi32, #tpu.memory_space<hbm>>
    %dma_start3A_5 = tpu.memref_slice %arg2[%mul3A_4] : memref<320000xi32, #tpu.memory_space<hbm>> -> memref<9984xi32, #tpu.memory_space<hbm>>
    tpu.enqueue_dma source(%dma_start3A_5 : memref<9984xi32, #tpu.memory_space<hbm>>) target(%arg6 : memref<9984xi32, #tpu.memory_space<vmem>>) target_semaphore(%arg12 : memref<!tpu.dma_semaphore, #tpu.memory_space<semaphore_mem>>)
    %scan3A = arith.constant 0 : i32
    %scan3A_6 = arith.constant 128 : i32
    %scan3A_7 = arith.addi %scan3A, %scan3A_6 : i32
    %scan3A_8 = arith.constant 1 : i32
    scf.for %scan3A_203 = %scan3A to %scan3A_7 step %scan3A_8  : i32 {
      %mul3A_204 = arith.constant 1 : i32
      %mul3A_205 = arith.muli %scan3A_203, %mul3A_204 : i32
      %add3A_206 = arith.constant 0 : i32
      %add3A_207 = arith.addi %add3A_206, %mul3A_205 : i32
      %scan3A_208 = arith.constant 0 : i32
      %scan3A_209 = arith.constant 8 : i32
      %scan3A_210 = arith.addi %scan3A_208, %scan3A_209 : i32
      %scan3A_211 = arith.constant 1 : i32
      scf.for %scan3A_213 = %scan3A_208 to %scan3A_210 step %scan3A_211  : i32 {
        %mul3A_214 = arith.constant 1 : i32
        %mul3A_215 = arith.muli %scan3A_213, %mul3A_214 : i32
        %add3A_216 = arith.constant 0 : i32
        %add3A_217 = arith.addi %add3A_216, %mul3A_215 : i32
        %broadcast_in_dim3A = arith.constant 0.000000e+00 : f32
        %broadcast_in_dim3A_218 = vector.broadcast %broadcast_in_dim3A : f32 to vector<16xf32>
        %mul3A_219 = arith.constant 16 : i32
        %mul3A_220 = arith.muli %add3A_217, %mul3A_219 : i32
        %swap3A = arith.index_cast %add3A_207 : i32 to index
        %swap3A_221 = arith.index_cast %mul3A_220 : i32 to index
        %swap3A_222 = tpu.vector_load %arg9[%swap3A, %swap3A_221] {strides = array<i32>} : memref<128x128xf32, #tpu.memory_space<vmem>>, vector<1x16xf32>,
        %swap3A_223 = vector.shape_cast %swap3A_222 : vector<1x16xf32> to vector<16xf32>
        %swap3A_224 = vector.shape_cast %broadcast_in_dim3A_218 : vector<16xf32> to vector<1x16xf32>
        tpu.vector_store %arg9[%swap3A, %swap3A_221], %swap3A_224 {strides = array<i32>} : memref<128x128xf32, #tpu.memory_space<vmem>>, vector<1x16xf32>,
      }
      %scan3A_212 = arith.constant 8 : i32
    }
    %scan3A_9 = arith.constant 128 : i32
    %add3A_10 = arith.constant 0 : i32
    %add3A_11 = arith.addi %mul3A_2, %add3A_10 : i32
    %dma_start3A_12 = arith.constant 0 : i32
    %dma_start3A_13 = tpu.memref_slice %arg11[%add3A_11, %dma_start3A_12] : memref<10240x128xf32, #tpu.memory_space<vmem_shared>> -> memref<128x128xf32, #tpu.memory_space<vmem_shared>>
    %dma_start3A_14 = arith.constant 0 : i32
    %dma_start3A_15 = tpu.memref_slice %arg11[%add3A_11, %dma_start3A_14] : memref<10240x128xf32, #tpu.memory_space<vmem_shared>> -> memref<128x128xf32, #tpu.memory_space<vmem_shared>>
    tpu.enqueue_dma source(%arg9 : memref<128x128xf32, #tpu.memory_space<vmem>>) target(%dma_start3A_15 : memref<128x128xf32, #tpu.memory_space<vmem_shared>>) target_semaphore(%arg14 : memref<!tpu.dma_semaphore, #tpu.memory_space<semaphore_mem>>)
    %add3A_16 = arith.constant 128 : i32
    %add3A_17 = arith.addi %mul3A_2, %add3A_16 : i32
    %dma_start3A_18 = arith.constant 0 : i32
    %dma_start3A_19 = tpu.memref_slice %arg11[%add3A_17, %dma_start3A_18] : memref<10240x128xf32, #tpu.memory_space<vmem_shared>> -> memref<128x128xf32, #tpu.memory_space<vmem_shared>>
    %dma_start3A_20 = arith.constant 0 : i32
    %dma_start3A_21 = tpu.memref_slice %arg11[%add3A_17, %dma_start3A_20] : memref<10240x128xf32, #tpu.memory_space<vmem_shared>> -> memref<128x128xf32, #tpu.memory_space<vmem_shared>>
    tpu.enqueue_dma source(%arg9 : memref<128x128xf32, #tpu.memory_space<vmem>>) target(%dma_start3A_21 : memref<128x128xf32, #tpu.memory_space<vmem_shared>>) target_semaphore(%arg14 : memref<!tpu.dma_semaphore, #tpu.memory_space<semaphore_mem>>)
    %add3A_22 = arith.constant 256 : i32
    %add3A_23 = arith.addi %mul3A_2, %add3A_22 : i32
    %dma_start3A_24 = arith.constant 0 : i32
    %dma_start3A_25 = tpu.memref_slice %arg11[%add3A_23, %dma_start3A_24] : memref<10240x128xf32, #tpu.memory_space<vmem_shared>> -> memref<128x128xf32, #tpu.memory_space<vmem_shared>>
    %dma_start3A_26 = arith.constant 0 : i32
    %dma_start3A_27 = tpu.memref_slice %arg11[%add3A_23, %dma_start3A_26] : memref<10240x128xf32, #tpu.memory_space<vmem_shared>> -> memref<128x128xf32, #tpu.memory_space<vmem_shared>>
    tpu.enqueue_dma source(%arg9 : memref<128x128xf32, #tpu.memory_space<vmem>>) target(%dma_start3A_27 : memref<128x128xf32, #tpu.memory_space<vmem_shared>>) target_semaphore(%arg14 : memref<!tpu.dma_semaphore, #tpu.memory_space<semaphore_mem>>)
    %add3A_28 = arith.constant 384 : i32
    %add3A_29 = arith.addi %mul3A_2, %add3A_28 : i32
    %dma_start3A_30 = arith.constant 0 : i32
    %dma_start3A_31 = tpu.memref_slice %arg11[%add3A_29, %dma_start3A_30] : memref<10240x128xf32, #tpu.memory_space<vmem_shared>> -> memref<128x128xf32, #tpu.memory_space<vmem_shared>>
    %dma_start3A_32 = arith.constant 0 : i32
    %dma_start3A_33 = tpu.memref_slice %arg11[%add3A_29, %dma_start3A_32] : memref<10240x128xf32, #tpu.memory_space<vmem_shared>> -> memref<128x128xf32, #tpu.memory_space<vmem_shared>>
    tpu.enqueue_dma source(%arg9 : memref<128x128xf32, #tpu.memory_space<vmem>>) target(%dma_start3A_33 : memref<128x128xf32, #tpu.memory_space<vmem_shared>>) target_semaphore(%arg14 : memref<!tpu.dma_semaphore, #tpu.memory_space<semaphore_mem>>)
    %add3A_34 = arith.constant 512 : i32
    %add3A_35 = arith.addi %mul3A_2, %add3A_34 : i32
    %dma_start3A_36 = arith.constant 0 : i32
    %dma_start3A_37 = tpu.memref_slice %arg11[%add3A_35, %dma_start3A_36] : memref<10240x128xf32, #tpu.memory_space<vmem_shared>> -> memref<128x128xf32, #tpu.memory_space<vmem_shared>>
    %dma_start3A_38 = arith.constant 0 : i32
    %dma_start3A_39 = tpu.memref_slice %arg11[%add3A_35, %dma_start3A_38] : memref<10240x128xf32, #tpu.memory_space<vmem_shared>> -> memref<128x128xf32, #tpu.memory_space<vmem_shared>>
    tpu.enqueue_dma source(%arg9 : memref<128x128xf32, #tpu.memory_space<vmem>>) target(%dma_start3A_39 : memref<128x128xf32, #tpu.memory_space<vmem_shared>>) target_semaphore(%arg14 : memref<!tpu.dma_semaphore, #tpu.memory_space<semaphore_mem>>)
    %add3A_40 = arith.constant 0 : i32
    %add3A_41 = arith.addi %mul3A_2, %add3A_40 : i32
    %dma_wait3A = arith.constant 0 : i32
    %dma_wait3A_42 = tpu.memref_slice %arg11[%add3A_41, %dma_wait3A] : memref<10240x128xf32, #tpu.memory_space<vmem_shared>> -> memref<128x128xf32, #tpu.memory_space<vmem_shared>>
    %dma_wait3A_43 = arith.constant 0 : i32
    %dma_wait3A_44 = tpu.memref_slice %arg11[%add3A_41, %dma_wait3A_43] : memref<10240x128xf32, #tpu.memory_space<vmem_shared>> -> memref<128x128xf32, #tpu.memory_space<vmem_shared>>
    tpu.wait_dma2 semaphore(%arg14 : memref<!tpu.dma_semaphore, #tpu.memory_space<semaphore_mem>>) src(%arg9 : memref<128x128xf32, #tpu.memory_space<vmem>>) dst(%dma_wait3A_44 : memref<128x128xf32, #tpu.memory_space<vmem_shared>>)
    %add3A_45 = arith.constant 128 : i32
    %add3A_46 = arith.addi %mul3A_2, %add3A_45 : i32
    %dma_wait3A_47 = arith.constant 0 : i32
    %dma_wait3A_48 = tpu.memref_slice %arg11[%add3A_46, %dma_wait3A_47] : memref<10240x128xf32, #tpu.memory_space<vmem_shared>> -> memref<128x128xf32, #tpu.memory_space<vmem_shared>>
    %dma_wait3A_49 = arith.constant 0 : i32
    %dma_wait3A_50 = tpu.memref_slice %arg11[%add3A_46, %dma_wait3A_49] : memref<10240x128xf32, #tpu.memory_space<vmem_shared>> -> memref<128x128xf32, #tpu.memory_space<vmem_shared>>
    tpu.wait_dma2 semaphore(%arg14 : memref<!tpu.dma_semaphore, #tpu.memory_space<semaphore_mem>>) src(%arg9 : memref<128x128xf32, #tpu.memory_space<vmem>>) dst(%dma_wait3A_50 : memref<128x128xf32, #tpu.memory_space<vmem_shared>>)
    %add3A_51 = arith.constant 256 : i32
    %add3A_52 = arith.addi %mul3A_2, %add3A_51 : i32
    %dma_wait3A_53 = arith.constant 0 : i32
    %dma_wait3A_54 = tpu.memref_slice %arg11[%add3A_52, %dma_wait3A_53] : memref<10240x128xf32, #tpu.memory_space<vmem_shared>> -> memref<128x128xf32, #tpu.memory_space<vmem_shared>>
    %dma_wait3A_55 = arith.constant 0 : i32
    %dma_wait3A_56 = tpu.memref_slice %arg11[%add3A_52, %dma_wait3A_55] : memref<10240x128xf32, #tpu.memory_space<vmem_shared>> -> memref<128x128xf32, #tpu.memory_space<vmem_shared>>
    tpu.wait_dma2 semaphore(%arg14 : memref<!tpu.dma_semaphore, #tpu.memory_space<semaphore_mem>>) src(%arg9 : memref<128x128xf32, #tpu.memory_space<vmem>>) dst(%dma_wait3A_56 : memref<128x128xf32, #tpu.memory_space<vmem_shared>>)
    %add3A_57 = arith.constant 384 : i32
    %add3A_58 = arith.addi %mul3A_2, %add3A_57 : i32
    %dma_wait3A_59 = arith.constant 0 : i32
    %dma_wait3A_60 = tpu.memref_slice %arg11[%add3A_58, %dma_wait3A_59] : memref<10240x128xf32, #tpu.memory_space<vmem_shared>> -> memref<128x128xf32, #tpu.memory_space<vmem_shared>>
    %dma_wait3A_61 = arith.constant 0 : i32
    %dma_wait3A_62 = tpu.memref_slice %arg11[%add3A_58, %dma_wait3A_61] : memref<10240x128xf32, #tpu.memory_space<vmem_shared>> -> memref<128x128xf32, #tpu.memory_space<vmem_shared>>
    tpu.wait_dma2 semaphore(%arg14 : memref<!tpu.dma_semaphore, #tpu.memory_space<semaphore_mem>>) src(%arg9 : memref<128x128xf32, #tpu.memory_space<vmem>>) dst(%dma_wait3A_62 : memref<128x128xf32, #tpu.memory_space<vmem_shared>>)
    %add3A_63 = arith.constant 512 : i32
    %add3A_64 = arith.addi %mul3A_2, %add3A_63 : i32
    %dma_wait3A_65 = arith.constant 0 : i32
    %dma_wait3A_66 = tpu.memref_slice %arg11[%add3A_64, %dma_wait3A_65] : memref<10240x128xf32, #tpu.memory_space<vmem_shared>> -> memref<128x128xf32, #tpu.memory_space<vmem_shared>>
    %dma_wait3A_67 = arith.constant 0 : i32
    %dma_wait3A_68 = tpu.memref_slice %arg11[%add3A_64, %dma_wait3A_67] : memref<10240x128xf32, #tpu.memory_space<vmem_shared>> -> memref<128x128xf32, #tpu.memory_space<vmem_shared>>
    tpu.wait_dma2 semaphore(%arg14 : memref<!tpu.dma_semaphore, #tpu.memory_space<semaphore_mem>>) src(%arg9 : memref<128x128xf32, #tpu.memory_space<vmem>>) dst(%dma_wait3A_68 : memref<128x128xf32, #tpu.memory_space<vmem_shared>>)
    %mul3A_69 = arith.constant 9984 : i32
    %mul3A_70 = arith.muli %add3A, %mul3A_69 : i32
    %dma_wait3A_71 = tpu.memref_slice %arg2[%mul3A_70] : memref<320000xi32, #tpu.memory_space<hbm>> -> memref<9984xi32, #tpu.memory_space<hbm>>
    %dma_wait3A_72 = tpu.memref_slice %arg2[%mul3A_70] : memref<320000xi32, #tpu.memory_space<hbm>> -> memref<9984xi32, #tpu.memory_space<hbm>>
    tpu.wait_dma2 semaphore(%arg12 : memref<!tpu.dma_semaphore, #tpu.memory_space<semaphore_mem>>) src(%dma_wait3A_72 : memref<9984xi32, #tpu.memory_space<hbm>>) dst(%arg6 : memref<9984xi32, #tpu.memory_space<vmem>>)
    %barrier3A = arith.constant 0 : index
    tpu.barrier barrier_id(%barrier3A)
    %mul3A_73 = arith.constant 78 : i32
    %mul3A_74 = arith.muli %add3A, %mul3A_73 : i32
    %add3A_75 = arith.constant 0 : i32
    %add3A_76 = arith.addi %mul3A_74, %add3A_75 : i32
    %mul3A_77 = arith.constant 128 : i32
    %mul3A_78 = arith.muli %add3A_76, %mul3A_77 : i32
    %dma_start3A_79 = tpu.memref_slice %arg3[%mul3A_78] : memref<320000xi32, #tpu.memory_space<hbm>> -> memref<128xi32, #tpu.memory_space<hbm>>
    %dma_start3A_80 = tpu.memref_slice %arg3[%mul3A_78] : memref<320000xi32, #tpu.memory_space<hbm>> -> memref<128xi32, #tpu.memory_space<hbm>>
    tpu.enqueue_dma source(%dma_start3A_80 : memref<128xi32, #tpu.memory_space<hbm>>) target(%arg7 : memref<128xi32, #tpu.memory_space<vmem>>) target_semaphore(%arg12 : memref<!tpu.dma_semaphore, #tpu.memory_space<semaphore_mem>>)
    %mul3A_81 = arith.constant 78 : i32
    %mul3A_82 = arith.muli %add3A, %mul3A_81 : i32
    %add3A_83 = arith.constant 1 : i32
    %add3A_84 = arith.addi %mul3A_82, %add3A_83 : i32
    %mul3A_85 = arith.constant 128 : i32
    %mul3A_86 = arith.muli %add3A_84, %mul3A_85 : i32
    %dma_start3A_87 = tpu.memref_slice %arg3[%mul3A_86] : memref<320000xi32, #tpu.memory_space<hbm>> -> memref<128xi32, #tpu.memory_space<hbm>>
    %dma_start3A_88 = tpu.memref_slice %arg3[%mul3A_86] : memref<320000xi32, #tpu.memory_space<hbm>> -> memref<128xi32, #tpu.memory_space<hbm>>
    tpu.enqueue_dma source(%dma_start3A_88 : memref<128xi32, #tpu.memory_space<hbm>>) target(%arg8 : memref<128xi32, #tpu.memory_space<vmem>>) target_semaphore(%arg12 : memref<!tpu.dma_semaphore, #tpu.memory_space<semaphore_mem>>)
    %dma_start3A_89 = arith.constant 0 : i32
    %dma_start3A_90 = tpu.memref_slice %arg6[%dma_start3A_89] : memref<9984xi32, #tpu.memory_space<vmem>> -> memref<128xi32, #tpu.memory_space<vmem>>
    %dma_start3A_91 = arith.constant 0 : i32
    %dma_start3A_92 = arith.constant 0 : i32
    %dma_start3A_93 = tpu.memref_slice %arg4[%dma_start3A_91, %dma_start3A_92] : memref<10000x128xf32, #tpu.memory_space<hbm>> -> memref<10000x128xf32, #tpu.memory_space<hbm>>
    tpu.enqueue_indirect_dma source(%dma_start3A_93 : memref<10000x128xf32, #tpu.memory_space<hbm>>) target(%arg9 : memref<128x128xf32, #tpu.memory_space<vmem>>) offsets(%dma_start3A_90 : memref<128xi32, #tpu.memory_space<vmem>>) semaphore(%arg13 : memref<!tpu.dma_semaphore, #tpu.memory_space<semaphore_mem>>)
    %dma_start3A_94 = arith.constant 128 : i32
    %dma_start3A_95 = tpu.memref_slice %arg6[%dma_start3A_94] : memref<9984xi32, #tpu.memory_space<vmem>> -> memref<128xi32, #tpu.memory_space<vmem>>
    %dma_start3A_96 = arith.constant 0 : i32
    %dma_start3A_97 = arith.constant 0 : i32
    %dma_start3A_98 = tpu.memref_slice %arg4[%dma_start3A_96, %dma_start3A_97] : memref<10000x128xf32, #tpu.memory_space<hbm>> -> memref<10000x128xf32, #tpu.memory_space<hbm>>
    tpu.enqueue_indirect_dma source(%dma_start3A_98 : memref<10000x128xf32, #tpu.memory_space<hbm>>) target(%arg10 : memref<128x128xf32, #tpu.memory_space<vmem>>) offsets(%dma_start3A_95 : memref<128xi32, #tpu.memory_space<vmem>>) semaphore(%arg14 : memref<!tpu.dma_semaphore, #tpu.memory_space<semaphore_mem>>)
    %mul3A_99 = arith.constant 78 : i32
    %mul3A_100 = arith.muli %add3A, %mul3A_99 : i32
    %add3A_101 = arith.constant 0 : i32
    %add3A_102 = arith.addi %mul3A_100, %add3A_101 : i32
    %mul3A_103 = arith.constant 128 : i32
    %mul3A_104 = arith.muli %add3A_102, %mul3A_103 : i32
    %dma_wait3A_105 = tpu.memref_slice %arg3[%mul3A_104] : memref<320000xi32, #tpu.memory_space<hbm>> -> memref<128xi32, #tpu.memory_space<hbm>>
    %dma_wait3A_106 = tpu.memref_slice %arg3[%mul3A_104] : memref<320000xi32, #tpu.memory_space<hbm>> -> memref<128xi32, #tpu.memory_space<hbm>>
    tpu.wait_dma2 semaphore(%arg12 : memref<!tpu.dma_semaphore, #tpu.memory_space<semaphore_mem>>) src(%dma_wait3A_106 : memref<128xi32, #tpu.memory_space<hbm>>) dst(%arg7 : memref<128xi32, #tpu.memory_space<vmem>>)
    %mul3A_107 = arith.constant 78 : i32
    %mul3A_108 = arith.muli %add3A, %mul3A_107 : i32
    %add3A_109 = arith.constant 1 : i32
    %add3A_110 = arith.addi %mul3A_108, %add3A_109 : i32
    %mul3A_111 = arith.constant 128 : i32
    %mul3A_112 = arith.muli %add3A_110, %mul3A_111 : i32
    %dma_wait3A_113 = tpu.memref_slice %arg3[%mul3A_112] : memref<320000xi32, #tpu.memory_space<hbm>> -> memref<128xi32, #tpu.memory_space<hbm>>
    %dma_wait3A_114 = tpu.memref_slice %arg3[%mul3A_112] : memref<320000xi32, #tpu.memory_space<hbm>> -> memref<128xi32, #tpu.memory_space<hbm>>
    tpu.wait_dma2 semaphore(%arg12 : memref<!tpu.dma_semaphore, #tpu.memory_space<semaphore_mem>>) src(%dma_wait3A_114 : memref<128xi32, #tpu.memory_space<hbm>>) dst(%arg8 : memref<128xi32, #tpu.memory_space<vmem>>)
    %scan3A_115 = arith.constant 0 : i32
    %scan3A_116 = arith.constant 38 : i32
    %scan3A_117 = arith.addi %scan3A_115, %scan3A_116 : i32
    %scan3A_118 = arith.constant 1 : i32
    scf.for %scan3A_203 = %scan3A_115 to %scan3A_117 step %scan3A_118  : i32 {
      %mul3A_204 = arith.constant 1 : i32
      %mul3A_205 = arith.muli %scan3A_203, %mul3A_204 : i32
      %add3A_206 = arith.constant 0 : i32
      %add3A_207 = arith.addi %add3A_206, %mul3A_205 : i32
      %mul3A_208 = arith.constant 2 : i32
      %mul3A_209 = arith.muli %mul3A_208, %add3A_207 : i32
      %mul3A_210 = arith.constant 128 : i32
      %mul3A_211 = arith.muli %mul3A_209, %mul3A_210 : i32
      %dma_wait3A_212 = tpu.memref_slice %arg6[%mul3A_211] : memref<9984xi32, #tpu.memory_space<vmem>> -> memref<128xi32, #tpu.memory_space<vmem>>
      %dma_wait3A_213 = arith.constant 0 : i32
      %dma_wait3A_214 = arith.constant 0 : i32
      %dma_wait3A_215 = tpu.memref_slice %arg4[%dma_wait3A_213, %dma_wait3A_214] : memref<10000x128xf32, #tpu.memory_space<hbm>> -> memref<10000x128xf32, #tpu.memory_space<hbm>>
      tpu.wait_indirect_dma semaphore(%arg13 : memref<!tpu.dma_semaphore, #tpu.memory_space<semaphore_mem>>) src(%dma_wait3A_215 : memref<10000x128xf32, #tpu.memory_space<hbm>>) dst(%arg9 : memref<128x128xf32, #tpu.memory_space<vmem>>)
      "tpu.region"() ({
        %run_scoped3A = tpu.sem_alloc : memref<!tpu.dma_semaphore, #tpu.memory_space<semaphore_mem>>
        %dma_start3A_276 = arith.constant 0 : i32
        %dma_start3A_277 = arith.constant 0 : i32
        %dma_start3A_278 = tpu.memref_slice %arg11[%dma_start3A_276, %dma_start3A_277] : memref<10240x128xf32, #tpu.memory_space<vmem_shared>> -> memref<10240x128xf32, #tpu.memory_space<vmem_shared>>
        tpu.enqueue_indirect_dma source(%arg9 : memref<128x128xf32, #tpu.memory_space<vmem>>) target(%dma_start3A_278 : memref<10240x128xf32, #tpu.memory_space<vmem_shared>>) offsets(%arg7 : memref<128xi32, #tpu.memory_space<vmem>>) semaphore(%run_scoped3A : memref<!tpu.dma_semaphore, #tpu.memory_space<semaphore_mem>>) {add = true}
        %dma_wait3A_279 = arith.constant 0 : i32
        %dma_wait3A_280 = arith.constant 0 : i32
        %dma_wait3A_281 = tpu.memref_slice %arg11[%dma_wait3A_279, %dma_wait3A_280] : memref<10240x128xf32, #tpu.memory_space<vmem_shared>> -> memref<10240x128xf32, #tpu.memory_space<vmem_shared>>
        tpu.wait_indirect_dma semaphore(%run_scoped3A : memref<!tpu.dma_semaphore, #tpu.memory_space<semaphore_mem>>) src(%arg9 : memref<128x128xf32, #tpu.memory_space<vmem>>) dst(%dma_wait3A_281 : memref<10240x128xf32, #tpu.memory_space<vmem_shared>>)
        tpu.yield
      }) : () -> ()
      %add3A_216 = arith.constant 2 : i32
      %add3A_217 = arith.addi %mul3A_209, %add3A_216 : i32
      %mul3A_218 = arith.constant 78 : i32
      %mul3A_219 = arith.muli %add3A, %mul3A_218 : i32
      %add3A_220 = arith.addi %mul3A_219, %add3A_217 : i32
      %mul3A_221 = arith.constant 128 : i32
      %mul3A_222 = arith.muli %add3A_220, %mul3A_221 : i32
      %dma_start3A_223 = tpu.memref_slice %arg3[%mul3A_222] : memref<320000xi32, #tpu.memory_space<hbm>> -> memref<128xi32, #tpu.memory_space<hbm>>
      %dma_start3A_224 = tpu.memref_slice %arg3[%mul3A_222] : memref<320000xi32, #tpu.memory_space<hbm>> -> memref<128xi32, #tpu.memory_space<hbm>>
      tpu.enqueue_dma source(%dma_start3A_224 : memref<128xi32, #tpu.memory_space<hbm>>) target(%arg7 : memref<128xi32, #tpu.memory_space<vmem>>) target_semaphore(%arg12 : memref<!tpu.dma_semaphore, #tpu.memory_space<semaphore_mem>>)
      %add3A_225 = arith.constant 2 : i32
      %add3A_226 = arith.addi %mul3A_209, %add3A_225 : i32
      %mul3A_227 = arith.constant 128 : i32
      %mul3A_228 = arith.muli %add3A_226, %mul3A_227 : i32
      %dma_start3A_229 = tpu.memref_slice %arg6[%mul3A_228] : memref<9984xi32, #tpu.memory_space<vmem>> -> memref<128xi32, #tpu.memory_space<vmem>>
      %dma_start3A_230 = arith.constant 0 : i32
      %dma_start3A_231 = arith.constant 0 : i32
      %dma_start3A_232 = tpu.memref_slice %arg4[%dma_start3A_230, %dma_start3A_231] : memref<10000x128xf32, #tpu.memory_space<hbm>> -> memref<10000x128xf32, #tpu.memory_space<hbm>>
      tpu.enqueue_indirect_dma source(%dma_start3A_232 : memref<10000x128xf32, #tpu.memory_space<hbm>>) target(%arg9 : memref<128x128xf32, #tpu.memory_space<vmem>>) offsets(%dma_start3A_229 : memref<128xi32, #tpu.memory_space<vmem>>) semaphore(%arg13 : memref<!tpu.dma_semaphore, #tpu.memory_space<semaphore_mem>>)
      %add3A_233 = arith.constant 1 : i32
      %add3A_234 = arith.addi %mul3A_209, %add3A_233 : i32
      %mul3A_235 = arith.constant 128 : i32
      %mul3A_236 = arith.muli %add3A_234, %mul3A_235 : i32
      %dma_wait3A_237 = tpu.memref_slice %arg6[%mul3A_236] : memref<9984xi32, #tpu.memory_space<vmem>> -> memref<128xi32, #tpu.memory_space<vmem>>
      %dma_wait3A_238 = arith.constant 0 : i32
      %dma_wait3A_239 = arith.constant 0 : i32
      %dma_wait3A_240 = tpu.memref_slice %arg4[%dma_wait3A_238, %dma_wait3A_239] : memref<10000x128xf32, #tpu.memory_space<hbm>> -> memref<10000x128xf32, #tpu.memory_space<hbm>>
      tpu.wait_indirect_dma semaphore(%arg14 : memref<!tpu.dma_semaphore, #tpu.memory_space<semaphore_mem>>) src(%dma_wait3A_240 : memref<10000x128xf32, #tpu.memory_space<hbm>>) dst(%arg10 : memref<128x128xf32, #tpu.memory_space<vmem>>)
      "tpu.region"() ({
        %run_scoped3A = tpu.sem_alloc : memref<!tpu.dma_semaphore, #tpu.memory_space<semaphore_mem>>
        %dma_start3A_276 = arith.constant 0 : i32
        %dma_start3A_277 = arith.constant 0 : i32
        %dma_start3A_278 = tpu.memref_slice %arg11[%dma_start3A_276, %dma_start3A_277] : memref<10240x128xf32, #tpu.memory_space<vmem_shared>> -> memref<10240x128xf32, #tpu.memory_space<vmem_shared>>
        tpu.enqueue_indirect_dma source(%arg10 : memref<128x128xf32, #tpu.memory_space<vmem>>) target(%dma_start3A_278 : memref<10240x128xf32, #tpu.memory_space<vmem_shared>>) offsets(%arg8 : memref<128xi32, #tpu.memory_space<vmem>>) semaphore(%run_scoped3A : memref<!tpu.dma_semaphore, #tpu.memory_space<semaphore_mem>>) {add = true}
        %dma_wait3A_279 = arith.constant 0 : i32
        %dma_wait3A_280 = arith.constant 0 : i32
        %dma_wait3A_281 = tpu.memref_slice %arg11[%dma_wait3A_279, %dma_wait3A_280] : memref<10240x128xf32, #tpu.memory_space<vmem_shared>> -> memref<10240x128xf32, #tpu.memory_space<vmem_shared>>
        tpu.wait_indirect_dma semaphore(%run_scoped3A : memref<!tpu.dma_semaphore, #tpu.memory_space<semaphore_mem>>) src(%arg10 : memref<128x128xf32, #tpu.memory_space<vmem>>) dst(%dma_wait3A_281 : memref<10240x128xf32, #tpu.memory_space<vmem_shared>>)
        tpu.yield
      }) : () -> ()
      %add3A_241 = arith.constant 3 : i32
      %add3A_242 = arith.addi %mul3A_209, %add3A_241 : i32
      %mul3A_243 = arith.constant 78 : i32
      %mul3A_244 = arith.muli %add3A, %mul3A_243 : i32
      %add3A_245 = arith.addi %mul3A_244, %add3A_242 : i32
      %mul3A_246 = arith.constant 128 : i32
      %mul3A_247 = arith.muli %add3A_245, %mul3A_246 : i32
      %dma_start3A_248 = tpu.memref_slice %arg3[%mul3A_247] : memref<320000xi32, #tpu.memory_space<hbm>> -> memref<128xi32, #tpu.memory_space<hbm>>
      %dma_start3A_249 = tpu.memref_slice %arg3[%mul3A_247] : memref<320000xi32, #tpu.memory_space<hbm>> -> memref<128xi32, #tpu.memory_space<hbm>>
      tpu.enqueue_dma source(%dma_start3A_249 : memref<128xi32, #tpu.memory_space<hbm>>) target(%arg8 : memref<128xi32, #tpu.memory_space<vmem>>) target_semaphore(%arg12 : memref<!tpu.dma_semaphore, #tpu.memory_space<semaphore_mem>>)
      %add3A_250 = arith.constant 3 : i32
      %add3A_251 = arith.addi %mul3A_209, %add3A_250 : i32
      %mul3A_252 = arith.constant 128 : i32
      %mul3A_253 = arith.muli %add3A_251, %mul3A_252 : i32
      %dma_start3A_254 = tpu.memref_slice %arg6[%mul3A_253] : memref<9984xi32, #tpu.memory_space<vmem>> -> memref<128xi32, #tpu.memory_space<vmem>>
      %dma_start3A_255 = arith.constant 0 : i32
      %dma_start3A_256 = arith.constant 0 : i32
      %dma_start3A_257 = tpu.memref_slice %arg4[%dma_start3A_255, %dma_start3A_256] : memref<10000x128xf32, #tpu.memory_space<hbm>> -> memref<10000x128xf32, #tpu.memory_space<hbm>>
      tpu.enqueue_indirect_dma source(%dma_start3A_257 : memref<10000x128xf32, #tpu.memory_space<hbm>>) target(%arg10 : memref<128x128xf32, #tpu.memory_space<vmem>>) offsets(%dma_start3A_254 : memref<128xi32, #tpu.memory_space<vmem>>) semaphore(%arg14 : memref<!tpu.dma_semaphore, #tpu.memory_space<semaphore_mem>>)
      %add3A_258 = arith.constant 2 : i32
      %add3A_259 = arith.addi %mul3A_209, %add3A_258 : i32
      %mul3A_260 = arith.constant 78 : i32
      %mul3A_261 = arith.muli %add3A, %mul3A_260 : i32
      %add3A_262 = arith.addi %mul3A_261, %add3A_259 : i32
      %mul3A_263 = arith.constant 128 : i32
      %mul3A_264 = arith.muli %add3A_262, %mul3A_263 : i32
      %dma_wait3A_265 = tpu.memref_slice %arg3[%mul3A_264] : memref<320000xi32, #tpu.memory_space<hbm>> -> memref<128xi32, #tpu.memory_space<hbm>>
      %dma_wait3A_266 = tpu.memref_slice %arg3[%mul3A_264] : memref<320000xi32, #tpu.memory_space<hbm>> -> memref<128xi32, #tpu.memory_space<hbm>>
      tpu.wait_dma2 semaphore(%arg12 : memref<!tpu.dma_semaphore, #tpu.memory_space<semaphore_mem>>) src(%dma_wait3A_266 : memref<128xi32, #tpu.memory_space<hbm>>) dst(%arg7 : memref<128xi32, #tpu.memory_space<vmem>>)
      %add3A_267 = arith.constant 3 : i32
      %add3A_268 = arith.addi %mul3A_209, %add3A_267 : i32
      %mul3A_269 = arith.constant 78 : i32
      %mul3A_270 = arith.muli %add3A, %mul3A_269 : i32
      %add3A_271 = arith.addi %mul3A_270, %add3A_268 : i32
      %mul3A_272 = arith.constant 128 : i32
      %mul3A_273 = arith.muli %add3A_271, %mul3A_272 : i32
      %dma_wait3A_274 = tpu.memref_slice %arg3[%mul3A_273] : memref<320000xi32, #tpu.memory_space<hbm>> -> memref<128xi32, #tpu.memory_space<hbm>>
      %dma_wait3A_275 = tpu.memref_slice %arg3[%mul3A_273] : memref<320000xi32, #tpu.memory_space<hbm>> -> memref<128xi32, #tpu.memory_space<hbm>>
      tpu.wait_dma2 semaphore(%arg12 : memref<!tpu.dma_semaphore, #tpu.memory_space<semaphore_mem>>) src(%dma_wait3A_275 : memref<128xi32, #tpu.memory_space<hbm>>) dst(%arg8 : memref<128xi32, #tpu.memory_space<vmem>>)
    }
    %scan3A_119 = arith.constant 38 : i32
    %dma_wait3A_120 = arith.constant 9728 : i32
    %dma_wait3A_121 = tpu.memref_slice %arg6[%dma_wait3A_120] : memref<9984xi32, #tpu.memory_space<vmem>> -> memref<128xi32, #tpu.memory_space<vmem>>
    %dma_wait3A_122 = arith.constant 0 : i32
    %dma_wait3A_123 = arith.constant 0 : i32
    %dma_wait3A_124 = tpu.memref_slice %arg4[%dma_wait3A_122, %dma_wait3A_123] : memref<10000x128xf32, #tpu.memory_space<hbm>> -> memref<10000x128xf32, #tpu.memory_space<hbm>>
    tpu.wait_indirect_dma semaphore(%arg13 : memref<!tpu.dma_semaphore, #tpu.memory_space<semaphore_mem>>) src(%dma_wait3A_124 : memref<10000x128xf32, #tpu.memory_space<hbm>>) dst(%arg9 : memref<128x128xf32, #tpu.memory_space<vmem>>)
    "tpu.region"() ({
      %run_scoped3A = tpu.sem_alloc : memref<!tpu.dma_semaphore, #tpu.memory_space<semaphore_mem>>
      %dma_start3A_203 = arith.constant 0 : i32
      %dma_start3A_204 = arith.constant 0 : i32
      %dma_start3A_205 = tpu.memref_slice %arg11[%dma_start3A_203, %dma_start3A_204] : memref<10240x128xf32, #tpu.memory_space<vmem_shared>> -> memref<10240x128xf32, #tpu.memory_space<vmem_shared>>
      tpu.enqueue_indirect_dma source(%arg9 : memref<128x128xf32, #tpu.memory_space<vmem>>) target(%dma_start3A_205 : memref<10240x128xf32, #tpu.memory_space<vmem_shared>>) offsets(%arg7 : memref<128xi32, #tpu.memory_space<vmem>>) semaphore(%run_scoped3A : memref<!tpu.dma_semaphore, #tpu.memory_space<semaphore_mem>>) {add = true}
      %dma_wait3A_206 = arith.constant 0 : i32
      %dma_wait3A_207 = arith.constant 0 : i32
      %dma_wait3A_208 = tpu.memref_slice %arg11[%dma_wait3A_206, %dma_wait3A_207] : memref<10240x128xf32, #tpu.memory_space<vmem_shared>> -> memref<10240x128xf32, #tpu.memory_space<vmem_shared>>
      tpu.wait_indirect_dma semaphore(%run_scoped3A : memref<!tpu.dma_semaphore, #tpu.memory_space<semaphore_mem>>) src(%arg9 : memref<128x128xf32, #tpu.memory_space<vmem>>) dst(%dma_wait3A_208 : memref<10240x128xf32, #tpu.memory_space<vmem_shared>>)
      tpu.yield
    }) : () -> ()
    %dma_wait3A_125 = arith.constant 9856 : i32
    %dma_wait3A_126 = tpu.memref_slice %arg6[%dma_wait3A_125] : memref<9984xi32, #tpu.memory_space<vmem>> -> memref<128xi32, #tpu.memory_space<vmem>>
    %dma_wait3A_127 = arith.constant 0 : i32
    %dma_wait3A_128 = arith.constant 0 : i32
    %dma_wait3A_129 = tpu.memref_slice %arg4[%dma_wait3A_127, %dma_wait3A_128] : memref<10000x128xf32, #tpu.memory_space<hbm>> -> memref<10000x128xf32, #tpu.memory_space<hbm>>
    tpu.wait_indirect_dma semaphore(%arg14 : memref<!tpu.dma_semaphore, #tpu.memory_space<semaphore_mem>>) src(%dma_wait3A_129 : memref<10000x128xf32, #tpu.memory_space<hbm>>) dst(%arg10 : memref<128x128xf32, #tpu.memory_space<vmem>>)
    "tpu.region"() ({
      %run_scoped3A = tpu.sem_alloc : memref<!tpu.dma_semaphore, #tpu.memory_space<semaphore_mem>>
      %dma_start3A_203 = arith.constant 0 : i32
      %dma_start3A_204 = arith.constant 0 : i32
      %dma_start3A_205 = tpu.memref_slice %arg11[%dma_start3A_203, %dma_start3A_204] : memref<10240x128xf32, #tpu.memory_space<vmem_shared>> -> memref<10240x128xf32, #tpu.memory_space<vmem_shared>>
      tpu.enqueue_indirect_dma source(%arg10 : memref<128x128xf32, #tpu.memory_space<vmem>>) target(%dma_start3A_205 : memref<10240x128xf32, #tpu.memory_space<vmem_shared>>) offsets(%arg8 : memref<128xi32, #tpu.memory_space<vmem>>) semaphore(%run_scoped3A : memref<!tpu.dma_semaphore, #tpu.memory_space<semaphore_mem>>) {add = true}
      %dma_wait3A_206 = arith.constant 0 : i32
      %dma_wait3A_207 = arith.constant 0 : i32
      %dma_wait3A_208 = tpu.memref_slice %arg11[%dma_wait3A_206, %dma_wait3A_207] : memref<10240x128xf32, #tpu.memory_space<vmem_shared>> -> memref<10240x128xf32, #tpu.memory_space<vmem_shared>>
      tpu.wait_indirect_dma semaphore(%run_scoped3A : memref<!tpu.dma_semaphore, #tpu.memory_space<semaphore_mem>>) src(%arg10 : memref<128x128xf32, #tpu.memory_space<vmem>>) dst(%dma_wait3A_208 : memref<10240x128xf32, #tpu.memory_space<vmem_shared>>)
      tpu.yield
    }) : () -> ()
    %lt3A = arith.constant 4 : i32
    %lt3A_130 = arith.cmpi slt, %add3A, %lt3A : i32
    %convert_element_type3A = arith.extui %lt3A_130 : i1 to i32
    %cond3A = arith.constant 0 : i32
    %cond3A_131 = arith.cmpi ne, %convert_element_type3A, %cond3A : i32
    scf.if %cond3A_131 {
      %add3A_203 = arith.constant 2496 : i32
      %add3A_204 = arith.addi %add3A_203, %add3A : i32
      %mul3A_205 = arith.constant 128 : i32
      %mul3A_206 = arith.muli %add3A_204, %mul3A_205 : i32
      "tpu.region"() ({
        %run_scoped3A = tpu.sem_alloc : memref<!tpu.dma_semaphore, #tpu.memory_space<semaphore_mem>>
        %dma_start3A_207 = arith.constant 0 : i32
        %dma_start3A_208 = tpu.memref_slice %arg6[%dma_start3A_207] : memref<9984xi32, #tpu.memory_space<vmem>> -> memref<128xi32, #tpu.memory_space<vmem>>
        %dma_start3A_209 = tpu.memref_slice %arg2[%mul3A_206] : memref<320000xi32, #tpu.memory_space<hbm>> -> memref<128xi32, #tpu.memory_space<hbm>>
        %dma_start3A_210 = arith.constant 0 : i32
        %dma_start3A_211 = tpu.memref_slice %arg6[%dma_start3A_210] : memref<9984xi32, #tpu.memory_space<vmem>> -> memref<128xi32, #tpu.memory_space<vmem>>
        %dma_start3A_212 = tpu.memref_slice %arg2[%mul3A_206] : memref<320000xi32, #tpu.memory_space<hbm>> -> memref<128xi32, #tpu.memory_space<hbm>>
        tpu.enqueue_dma source(%dma_start3A_212 : memref<128xi32, #tpu.memory_space<hbm>>) target(%dma_start3A_211 : memref<128xi32, #tpu.memory_space<vmem>>) target_semaphore(%run_scoped3A : memref<!tpu.dma_semaphore, #tpu.memory_space<semaphore_mem>>)
        %dma_wait3A_213 = arith.constant 0 : i32
        %dma_wait3A_214 = tpu.memref_slice %arg6[%dma_wait3A_213] : memref<9984xi32, #tpu.memory_space<vmem>> -> memref<128xi32, #tpu.memory_space<vmem>>
        %dma_wait3A_215 = tpu.memref_slice %arg2[%mul3A_206] : memref<320000xi32, #tpu.memory_space<hbm>> -> memref<128xi32, #tpu.memory_space<hbm>>
        %dma_wait3A_216 = arith.constant 0 : i32
        %dma_wait3A_217 = tpu.memref_slice %arg6[%dma_wait3A_216] : memref<9984xi32, #tpu.memory_space<vmem>> -> memref<128xi32, #tpu.memory_space<vmem>>
        %dma_wait3A_218 = tpu.memref_slice %arg2[%mul3A_206] : memref<320000xi32, #tpu.memory_space<hbm>> -> memref<128xi32, #tpu.memory_space<hbm>>
        tpu.wait_dma2 semaphore(%run_scoped3A : memref<!tpu.dma_semaphore, #tpu.memory_space<semaphore_mem>>) src(%dma_wait3A_218 : memref<128xi32, #tpu.memory_space<hbm>>) dst(%dma_wait3A_217 : memref<128xi32, #tpu.memory_space<vmem>>)
        tpu.yield
      }) : () -> ()
      "tpu.region"() ({
        %run_scoped3A = tpu.sem_alloc : memref<!tpu.dma_semaphore, #tpu.memory_space<semaphore_mem>>
        %dma_start3A_207 = tpu.memref_slice %arg3[%mul3A_206] : memref<320000xi32, #tpu.memory_space<hbm>> -> memref<128xi32, #tpu.memory_space<hbm>>
        %dma_start3A_208 = tpu.memref_slice %arg3[%mul3A_206] : memref<320000xi32, #tpu.memory_space<hbm>> -> memref<128xi32, #tpu.memory_space<hbm>>
        tpu.enqueue_dma source(%dma_start3A_208 : memref<128xi32, #tpu.memory_space<hbm>>) target(%arg7 : memref<128xi32, #tpu.memory_space<vmem>>) target_semaphore(%run_scoped3A : memref<!tpu.dma_semaphore, #tpu.memory_space<semaphore_mem>>)
        %dma_wait3A_209 = tpu.memref_slice %arg3[%mul3A_206] : memref<320000xi32, #tpu.memory_space<hbm>> -> memref<128xi32, #tpu.memory_space<hbm>>
        %dma_wait3A_210 = tpu.memref_slice %arg3[%mul3A_206] : memref<320000xi32, #tpu.memory_space<hbm>> -> memref<128xi32, #tpu.memory_space<hbm>>
        tpu.wait_dma2 semaphore(%run_scoped3A : memref<!tpu.dma_semaphore, #tpu.memory_space<semaphore_mem>>) src(%dma_wait3A_210 : memref<128xi32, #tpu.memory_space<hbm>>) dst(%arg7 : memref<128xi32, #tpu.memory_space<vmem>>)
        tpu.yield
      }) : () -> ()
      "tpu.region"() ({
        %run_scoped3A = tpu.sem_alloc : memref<!tpu.dma_semaphore, #tpu.memory_space<semaphore_mem>>
        %dma_start3A_207 = arith.constant 0 : i32
        %dma_start3A_208 = tpu.memref_slice %arg6[%dma_start3A_207] : memref<9984xi32, #tpu.memory_space<vmem>> -> memref<128xi32, #tpu.memory_space<vmem>>
        %dma_start3A_209 = arith.constant 0 : i32
        %dma_start3A_210 = arith.constant 0 : i32
        %dma_start3A_211 = tpu.memref_slice %arg4[%dma_start3A_209, %dma_start3A_210] : memref<10000x128xf32, #tpu.memory_space<hbm>> -> memref<10000x128xf32, #tpu.memory_space<hbm>>
        tpu.enqueue_indirect_dma source(%dma_start3A_211 : memref<10000x128xf32, #tpu.memory_space<hbm>>) target(%arg9 : memref<128x128xf32, #tpu.memory_space<vmem>>) offsets(%dma_start3A_208 : memref<128xi32, #tpu.memory_space<vmem>>) semaphore(%run_scoped3A : memref<!tpu.dma_semaphore, #tpu.memory_space<semaphore_mem>>)
        %dma_wait3A_212 = arith.constant 0 : i32
        %dma_wait3A_213 = tpu.memref_slice %arg6[%dma_wait3A_212] : memref<9984xi32, #tpu.memory_space<vmem>> -> memref<128xi32, #tpu.memory_space<vmem>>
        %dma_wait3A_214 = arith.constant 0 : i32
        %dma_wait3A_215 = arith.constant 0 : i32
        %dma_wait3A_216 = tpu.memref_slice %arg4[%dma_wait3A_214, %dma_wait3A_215] : memref<10000x128xf32, #tpu.memory_space<hbm>> -> memref<10000x128xf32, #tpu.memory_space<hbm>>
        tpu.wait_indirect_dma semaphore(%run_scoped3A : memref<!tpu.dma_semaphore, #tpu.memory_space<semaphore_mem>>) src(%dma_wait3A_216 : memref<10000x128xf32, #tpu.memory_space<hbm>>) dst(%arg9 : memref<128x128xf32, #tpu.memory_space<vmem>>)
        tpu.yield
      }) : () -> ()
      "tpu.region"() ({
        %run_scoped3A = tpu.sem_alloc : memref<!tpu.dma_semaphore, #tpu.memory_space<semaphore_mem>>
        %dma_start3A_207 = arith.constant 0 : i32
        %dma_start3A_208 = arith.constant 0 : i32
        %dma_start3A_209 = tpu.memref_slice %arg11[%dma_start3A_207, %dma_start3A_208] : memref<10240x128xf32, #tpu.memory_space<vmem_shared>> -> memref<10240x128xf32, #tpu.memory_space<vmem_shared>>
        tpu.enqueue_indirect_dma source(%arg9 : memref<128x128xf32, #tpu.memory_space<vmem>>) target(%dma_start3A_209 : memref<10240x128xf32, #tpu.memory_space<vmem_shared>>) offsets(%arg7 : memref<128xi32, #tpu.memory_space<vmem>>) semaphore(%run_scoped3A : memref<!tpu.dma_semaphore, #tpu.memory_space<semaphore_mem>>) {add = true}
        %dma_wait3A_210 = arith.constant 0 : i32
        %dma_wait3A_211 = arith.constant 0 : i32
        %dma_wait3A_212 = tpu.memref_slice %arg11[%dma_wait3A_210, %dma_wait3A_211] : memref<10240x128xf32, #tpu.memory_space<vmem_shared>> -> memref<10240x128xf32, #tpu.memory_space<vmem_shared>>
        tpu.wait_indirect_dma semaphore(%run_scoped3A : memref<!tpu.dma_semaphore, #tpu.memory_space<semaphore_mem>>) src(%arg9 : memref<128x128xf32, #tpu.memory_space<vmem>>) dst(%dma_wait3A_212 : memref<10240x128xf32, #tpu.memory_space<vmem_shared>>)
        tpu.yield
      }) : () -> ()
    } else {
    }
    %barrier3A_132 = arith.constant 0 : index
    tpu.barrier barrier_id(%barrier3A_132)
    %add3A_133 = arith.constant 0 : i32
    %add3A_134 = arith.addi %mul3A_2, %add3A_133 : i32
    %dma_start3A_135 = arith.constant 0 : i32
    %dma_start3A_136 = tpu.memref_slice %arg5[%arg0, %add3A_134, %dma_start3A_135] : memref<2x10240x128xf32, #tpu.memory_space<hbm>> -> memref<1x128x128xf32, #tpu.memory_space<hbm>>
    %dma_start3A_137 = tpu.memref_squeeze %dma_start3A_136 : memref<1x128x128xf32, #tpu.memory_space<hbm>> -> memref<128x128xf32, #tpu.memory_space<hbm>>
    %dma_start3A_138 = arith.constant 0 : i32
    %dma_start3A_139 = tpu.memref_slice %arg11[%add3A_134, %dma_start3A_138] : memref<10240x128xf32, #tpu.memory_space<vmem_shared>> -> memref<128x128xf32, #tpu.memory_space<vmem_shared>>
    tpu.enqueue_dma source(%dma_start3A_139 : memref<128x128xf32, #tpu.memory_space<vmem_shared>>) target(%dma_start3A_137 : memref<128x128xf32, #tpu.memory_space<hbm>>) target_semaphore(%arg14 : memref<!tpu.dma_semaphore, #tpu.memory_space<semaphore_mem>>)
    %add3A_140 = arith.constant 128 : i32
    %add3A_141 = arith.addi %mul3A_2, %add3A_140 : i32
    %dma_start3A_142 = arith.constant 0 : i32
    %dma_start3A_143 = tpu.memref_slice %arg5[%arg0, %add3A_141, %dma_start3A_142] : memref<2x10240x128xf32, #tpu.memory_space<hbm>> -> memref<1x128x128xf32, #tpu.memory_space<hbm>>
    %dma_start3A_144 = tpu.memref_squeeze %dma_start3A_143 : memref<1x128x128xf32, #tpu.memory_space<hbm>> -> memref<128x128xf32, #tpu.memory_space<hbm>>
    %dma_start3A_145 = arith.constant 0 : i32
    %dma_start3A_146 = tpu.memref_slice %arg11[%add3A_141, %dma_start3A_145] : memref<10240x128xf32, #tpu.memory_space<vmem_shared>> -> memref<128x128xf32, #tpu.memory_space<vmem_shared>>
    tpu.enqueue_dma source(%dma_start3A_146 : memref<128x128xf32, #tpu.memory_space<vmem_shared>>) target(%dma_start3A_144 : memref<128x128xf32, #tpu.memory_space<hbm>>) target_semaphore(%arg14 : memref<!tpu.dma_semaphore, #tpu.memory_space<semaphore_mem>>)
    %add3A_147 = arith.constant 256 : i32
    %add3A_148 = arith.addi %mul3A_2, %add3A_147 : i32
    %dma_start3A_149 = arith.constant 0 : i32
    %dma_start3A_150 = tpu.memref_slice %arg5[%arg0, %add3A_148, %dma_start3A_149] : memref<2x10240x128xf32, #tpu.memory_space<hbm>> -> memref<1x128x128xf32, #tpu.memory_space<hbm>>
    %dma_start3A_151 = tpu.memref_squeeze %dma_start3A_150 : memref<1x128x128xf32, #tpu.memory_space<hbm>> -> memref<128x128xf32, #tpu.memory_space<hbm>>
    %dma_start3A_152 = arith.constant 0 : i32
    %dma_start3A_153 = tpu.memref_slice %arg11[%add3A_148, %dma_start3A_152] : memref<10240x128xf32, #tpu.memory_space<vmem_shared>> -> memref<128x128xf32, #tpu.memory_space<vmem_shared>>
    tpu.enqueue_dma source(%dma_start3A_153 : memref<128x128xf32, #tpu.memory_space<vmem_shared>>) target(%dma_start3A_151 : memref<128x128xf32, #tpu.memory_space<hbm>>) target_semaphore(%arg14 : memref<!tpu.dma_semaphore, #tpu.memory_space<semaphore_mem>>)
    %add3A_154 = arith.constant 384 : i32
    %add3A_155 = arith.addi %mul3A_2, %add3A_154 : i32
    %dma_start3A_156 = arith.constant 0 : i32
    %dma_start3A_157 = tpu.memref_slice %arg5[%arg0, %add3A_155, %dma_start3A_156] : memref<2x10240x128xf32, #tpu.memory_space<hbm>> -> memref<1x128x128xf32, #tpu.memory_space<hbm>>
    %dma_start3A_158 = tpu.memref_squeeze %dma_start3A_157 : memref<1x128x128xf32, #tpu.memory_space<hbm>> -> memref<128x128xf32, #tpu.memory_space<hbm>>
    %dma_start3A_159 = arith.constant 0 : i32
    %dma_start3A_160 = tpu.memref_slice %arg11[%add3A_155, %dma_start3A_159] : memref<10240x128xf32, #tpu.memory_space<vmem_shared>> -> memref<128x128xf32, #tpu.memory_space<vmem_shared>>
    tpu.enqueue_dma source(%dma_start3A_160 : memref<128x128xf32, #tpu.memory_space<vmem_shared>>) target(%dma_start3A_158 : memref<128x128xf32, #tpu.memory_space<hbm>>) target_semaphore(%arg14 : memref<!tpu.dma_semaphore, #tpu.memory_space<semaphore_mem>>)
    %add3A_161 = arith.constant 512 : i32
    %add3A_162 = arith.addi %mul3A_2, %add3A_161 : i32
    %dma_start3A_163 = arith.constant 0 : i32
    %dma_start3A_164 = tpu.memref_slice %arg5[%arg0, %add3A_162, %dma_start3A_163] : memref<2x10240x128xf32, #tpu.memory_space<hbm>> -> memref<1x128x128xf32, #tpu.memory_space<hbm>>
    %dma_start3A_165 = tpu.memref_squeeze %dma_start3A_164 : memref<1x128x128xf32, #tpu.memory_space<hbm>> -> memref<128x128xf32, #tpu.memory_space<hbm>>
    %dma_start3A_166 = arith.constant 0 : i32
    %dma_start3A_167 = tpu.memref_slice %arg11[%add3A_162, %dma_start3A_166] : memref<10240x128xf32, #tpu.memory_space<vmem_shared>> -> memref<128x128xf32, #tpu.memory_space<vmem_shared>>
    tpu.enqueue_dma source(%dma_start3A_167 : memref<128x128xf32, #tpu.memory_space<vmem_shared>>) target(%dma_start3A_165 : memref<128x128xf32, #tpu.memory_space<hbm>>) target_semaphore(%arg14 : memref<!tpu.dma_semaphore, #tpu.memory_space<semaphore_mem>>)
    %add3A_168 = arith.constant 0 : i32
    %add3A_169 = arith.addi %mul3A_2, %add3A_168 : i32
    %dma_wait3A_170 = arith.constant 0 : i32
    %dma_wait3A_171 = tpu.memref_slice %arg5[%arg0, %add3A_169, %dma_wait3A_170] : memref<2x10240x128xf32, #tpu.memory_space<hbm>> -> memref<1x128x128xf32, #tpu.memory_space<hbm>>
    %dma_wait3A_172 = tpu.memref_squeeze %dma_wait3A_171 : memref<1x128x128xf32, #tpu.memory_space<hbm>> -> memref<128x128xf32, #tpu.memory_space<hbm>>
    %dma_wait3A_173 = arith.constant 0 : i32
    %dma_wait3A_174 = tpu.memref_slice %arg11[%add3A_169, %dma_wait3A_173] : memref<10240x128xf32, #tpu.memory_space<vmem_shared>> -> memref<128x128xf32, #tpu.memory_space<vmem_shared>>
    tpu.wait_dma2 semaphore(%arg14 : memref<!tpu.dma_semaphore, #tpu.memory_space<semaphore_mem>>) src(%dma_wait3A_174 : memref<128x128xf32, #tpu.memory_space<vmem_shared>>) dst(%dma_wait3A_172 : memref<128x128xf32, #tpu.memory_space<hbm>>)
    %add3A_175 = arith.constant 128 : i32
    %add3A_176 = arith.addi %mul3A_2, %add3A_175 : i32
    %dma_wait3A_177 = arith.constant 0 : i32
    %dma_wait3A_178 = tpu.memref_slice %arg5[%arg0, %add3A_176, %dma_wait3A_177] : memref<2x10240x128xf32, #tpu.memory_space<hbm>> -> memref<1x128x128xf32, #tpu.memory_space<hbm>>
    %dma_wait3A_179 = tpu.memref_squeeze %dma_wait3A_178 : memref<1x128x128xf32, #tpu.memory_space<hbm>> -> memref<128x128xf32, #tpu.memory_space<hbm>>
    %dma_wait3A_180 = arith.constant 0 : i32
    %dma_wait3A_181 = tpu.memref_slice %arg11[%add3A_176, %dma_wait3A_180] : memref<10240x128xf32, #tpu.memory_space<vmem_shared>> -> memref<128x128xf32, #tpu.memory_space<vmem_shared>>
    tpu.wait_dma2 semaphore(%arg14 : memref<!tpu.dma_semaphore, #tpu.memory_space<semaphore_mem>>) src(%dma_wait3A_181 : memref<128x128xf32, #tpu.memory_space<vmem_shared>>) dst(%dma_wait3A_179 : memref<128x128xf32, #tpu.memory_space<hbm>>)
    %add3A_182 = arith.constant 256 : i32
    %add3A_183 = arith.addi %mul3A_2, %add3A_182 : i32
    %dma_wait3A_184 = arith.constant 0 : i32
    %dma_wait3A_185 = tpu.memref_slice %arg5[%arg0, %add3A_183, %dma_wait3A_184] : memref<2x10240x128xf32, #tpu.memory_space<hbm>> -> memref<1x128x128xf32, #tpu.memory_space<hbm>>
    %dma_wait3A_186 = tpu.memref_squeeze %dma_wait3A_185 : memref<1x128x128xf32, #tpu.memory_space<hbm>> -> memref<128x128xf32, #tpu.memory_space<hbm>>
    %dma_wait3A_187 = arith.constant 0 : i32
    %dma_wait3A_188 = tpu.memref_slice %arg11[%add3A_183, %dma_wait3A_187] : memref<10240x128xf32, #tpu.memory_space<vmem_shared>> -> memref<128x128xf32, #tpu.memory_space<vmem_shared>>
    tpu.wait_dma2 semaphore(%arg14 : memref<!tpu.dma_semaphore, #tpu.memory_space<semaphore_mem>>) src(%dma_wait3A_188 : memref<128x128xf32, #tpu.memory_space<vmem_shared>>) dst(%dma_wait3A_186 : memref<128x128xf32, #tpu.memory_space<hbm>>)
    %add3A_189 = arith.constant 384 : i32
    %add3A_190 = arith.addi %mul3A_2, %add3A_189 : i32
    %dma_wait3A_191 = arith.constant 0 : i32
    %dma_wait3A_192 = tpu.memref_slice %arg5[%arg0, %add3A_190, %dma_wait3A_191] : memref<2x10240x128xf32, #tpu.memory_space<hbm>> -> memref<1x128x128xf32, #tpu.memory_space<hbm>>
    %dma_wait3A_193 = tpu.memref_squeeze %dma_wait3A_192 : memref<1x128x128xf32, #tpu.memory_space<hbm>> -> memref<128x128xf32, #tpu.memory_space<hbm>>
    %dma_wait3A_194 = arith.constant 0 : i32
    %dma_wait3A_195 = tpu.memref_slice %arg11[%add3A_190, %dma_wait3A_194] : memref<10240x128xf32, #tpu.memory_space<vmem_shared>> -> memref<128x128xf32, #tpu.memory_space<vmem_shared>>
    tpu.wait_dma2 semaphore(%arg14 : memref<!tpu.dma_semaphore, #tpu.memory_space<semaphore_mem>>) src(%dma_wait3A_195 : memref<128x128xf32, #tpu.memory_space<vmem_shared>>) dst(%dma_wait3A_193 : memref<128x128xf32, #tpu.memory_space<hbm>>)
    %add3A_196 = arith.constant 512 : i32
    %add3A_197 = arith.addi %mul3A_2, %add3A_196 : i32
    %dma_wait3A_198 = arith.constant 0 : i32
    %dma_wait3A_199 = tpu.memref_slice %arg5[%arg0, %add3A_197, %dma_wait3A_198] : memref<2x10240x128xf32, #tpu.memory_space<hbm>> -> memref<1x128x128xf32, #tpu.memory_space<hbm>>
    %dma_wait3A_200 = tpu.memref_squeeze %dma_wait3A_199 : memref<1x128x128xf32, #tpu.memory_space<hbm>> -> memref<128x128xf32, #tpu.memory_space<hbm>>
    %dma_wait3A_201 = arith.constant 0 : i32
    %dma_wait3A_202 = tpu.memref_slice %arg11[%add3A_197, %dma_wait3A_201] : memref<10240x128xf32, #tpu.memory_space<vmem_shared>> -> memref<128x128xf32, #tpu.memory_space<vmem_shared>>
    tpu.wait_dma2 semaphore(%arg14 : memref<!tpu.dma_semaphore, #tpu.memory_space<semaphore_mem>>) src(%dma_wait3A_202 : memref<128x128xf32, #tpu.memory_space<vmem_shared>>) dst(%dma_wait3A_200 : memref<128x128xf32, #tpu.memory_space<hbm>>)
    return
  }
}

#map = affine_map<(d0, d1) -> (0)>
#map1 = affine_map<(d0, d1) -> (0, 0)>
#map2 = affine_map<(d0, d1) -> (0, 0, 0)>
module attributes {stable_mosaic.version = 14 : i64} {
  func.func @scat(%arg0: i32, %arg1: i32, %arg2: memref<320000xi32, #tpu.memory_space<hbm>>, %arg3: memref<320000xi32, #tpu.memory_space<hbm>>, %arg4: memref<10000x128xf32, #tpu.memory_space<hbm>>, %arg5: memref<2x10240x128xf32, #tpu.memory_space<hbm>>, %arg6: memref<9984xi32, #tpu.memory_space<vmem>>, %arg7: memref<128xi32, #tpu.memory_space<vmem>>, %arg8: memref<128xi32, #tpu.memory_space<vmem>>, %arg9: memref<128x128xf32, #tpu.memory_space<vmem>>, %arg10: memref<128x128xf32, #tpu.memory_space<vmem>>, %arg11: memref<10240x128xf32, #tpu.memory_space<vmem_shared>>, %arg12: memref<!tpu.dma_semaphore, #tpu.memory_space<semaphore_mem>>, %arg13: memref<!tpu.dma_semaphore, #tpu.memory_space<semaphore_mem>>, %arg14: memref<!tpu.dma_semaphore, #tpu.memory_space<semaphore_mem>>) attributes {dimension_semantics = [#tpu.dimension_semantics<core_parallel>, #tpu.dimension_semantics<subcore_parallel>], iteration_bounds = array<i64: 2, 16>, scalar_prefetch = 0 : i64, scratch_operands = 9 : i64, tpu.core_type = #tpu.core_type<sc_vector_subcore>, window_params = [{transform_indices = #map}, {transform_indices = #map}, {transform_indices = #map1}, {transform_indices = #map2}]} {
    %mul3A = arith.constant 16 : i32
    %mul3A_0 = arith.muli %arg0, %mul3A : i32
    %add3A = arith.addi %mul3A_0, %arg1 : i32
    %mul3A_1 = arith.constant 640 : i32
    %mul3A_2 = arith.muli %arg1, %mul3A_1 : i32
    %mul3A_3 = arith.constant 9984 : i32
    %mul3A_4 = arith.muli %add3A, %mul3A_3 : i32
    %dma_start3A = tpu.memref_slice %arg2[%mul3A_4] : memref<320000xi32, #tpu.memory_space<hbm>> -> memref<9984xi32, #tpu.memory_space<hbm>>
    %dma_start3A_5 = tpu.memref_slice %arg2[%mul3A_4] : memref<320000xi32, #tpu.memory_space<hbm>> -> memref<9984xi32, #tpu.memory_space<hbm>>
    tpu.enqueue_dma source(%dma_start3A_5 : memref<9984xi32, #tpu.memory_space<hbm>>) target(%arg6 : memref<9984xi32, #tpu.memory_space<vmem>>) target_semaphore(%arg12 : memref<!tpu.dma_semaphore, #tpu.memory_space<semaphore_mem>>)
    %scan3A = arith.constant 0 : i32
    %scan3A_6 = arith.constant 128 : i32
    %scan3A_7 = arith.addi %scan3A, %scan3A_6 : i32
    %scan3A_8 = arith.constant 1 : i32
    scf.for %scan3A_203 = %scan3A to %scan3A_7 step %scan3A_8  : i32 {
      %mul3A_204 = arith.constant 1 : i32
      %mul3A_205 = arith.muli %scan3A_203, %mul3A_204 : i32
      %add3A_206 = arith.constant 0 : i32
      %add3A_207 = arith.addi %add3A_206, %mul3A_205 : i32
      %scan3A_208 = arith.constant 0 : i32
      %scan3A_209 = arith.constant 8 : i32
      %scan3A_210 = arith.addi %scan3A_208, %scan3A_209 : i32
      %scan3A_211 = arith.constant 1 : i32
      scf.for %scan3A_213 = %scan3A_208 to %scan3A_210 step %scan3A_211  : i32 {
        %mul3A_214 = arith.constant 1 : i32
        %mul3A_215 = arith.muli %scan3A_213, %mul3A_214 : i32
        %add3A_216 = arith.constant 0 : i32
        %add3A_217 = arith.addi %add3A_216, %mul3A_215 : i32
        %broadcast_in_dim3A = arith.constant 0.000000e+00 : f32
        %broadcast_in_dim3A_218 = vector.broadcast %broadcast_in_dim3A : f32 to vector<16xf32>
        %mul3A_219 = arith.constant 16 : i32
        %mul3A_220 = arith.muli %add3A_217, %mul3A_219 : i32
        %swap3A = arith.index_cast %add3A_207 : i32 to index
        %swap3A_221 = arith.index_cast %mul3A_220 : i32 to index
        %swap3A_222 = tpu.vector_load %arg9[%swap3A, %swap3A_221] {strides = array<i32>} : memref<128x128xf32, #tpu.memory_space<vmem>>, vector<1x16xf32>,
        %swap3A_223 = vector.shape_cast %swap3A_222 : vector<1x16xf32> to vector<16xf32>
        %swap3A_224 = vector.shape_cast %broadcast_in_dim3A_218 : vector<16xf32> to vector<1x16xf32>
        tpu.vector_store %arg9[%swap3A, %swap3A_221], %swap3A_224 {strides = array<i32>} : memref<128x128xf32, #tpu.memory_space<vmem>>, vector<1x16xf32>,
      }
      %scan3A_212 = arith.constant 8 : i32
    }
    %scan3A_9 = arith.constant 128 : i32
    %add3A_10 = arith.constant 0 : i32
    %add3A_11 = arith.addi %mul3A_2, %add3A_10 : i32
    %dma_start3A_12 = arith.constant 0 : i32
    %dma_start3A_13 = tpu.memref_slice %arg11[%add3A_11, %dma_start3A_12] : memref<10240x128xf32, #tpu.memory_space<vmem_shared>> -> memref<128x128xf32, #tpu.memory_space<vmem_shared>>
    %dma_start3A_14 = arith.constant 0 : i32
    %dma_start3A_15 = tpu.memref_slice %arg11[%add3A_11, %dma_start3A_14] : memref<10240x128xf32, #tpu.memory_space<vmem_shared>> -> memref<128x128xf32, #tpu.memory_space<vmem_shared>>
    tpu.enqueue_dma source(%arg9 : memref<128x128xf32, #tpu.memory_space<vmem>>) target(%dma_start3A_15 : memref<128x128xf32, #tpu.memory_space<vmem_shared>>) target_semaphore(%arg14 : memref<!tpu.dma_semaphore, #tpu.memory_space<semaphore_mem>>)
    %add3A_16 = arith.constant 128 : i32
    %add3A_17 = arith.addi %mul3A_2, %add3A_16 : i32
    %dma_start3A_18 = arith.constant 0 : i32
    %dma_start3A_19 = tpu.memref_slice %arg11[%add3A_17, %dma_start3A_18] : memref<10240x128xf32, #tpu.memory_space<vmem_shared>> -> memref<128x128xf32, #tpu.memory_space<vmem_shared>>
    %dma_start3A_20 = arith.constant 0 : i32
    %dma_start3A_21 = tpu.memref_slice %arg11[%add3A_17, %dma_start3A_20] : memref<10240x128xf32, #tpu.memory_space<vmem_shared>> -> memref<128x128xf32, #tpu.memory_space<vmem_shared>>
    tpu.enqueue_dma source(%arg9 : memref<128x128xf32, #tpu.memory_space<vmem>>) target(%dma_start3A_21 : memref<128x128xf32, #tpu.memory_space<vmem_shared>>) target_semaphore(%arg14 : memref<!tpu.dma_semaphore, #tpu.memory_space<semaphore_mem>>)
    %add3A_22 = arith.constant 256 : i32
    %add3A_23 = arith.addi %mul3A_2, %add3A_22 : i32
    %dma_start3A_24 = arith.constant 0 : i32
    %dma_start3A_25 = tpu.memref_slice %arg11[%add3A_23, %dma_start3A_24] : memref<10240x128xf32, #tpu.memory_space<vmem_shared>> -> memref<128x128xf32, #tpu.memory_space<vmem_shared>>
    %dma_start3A_26 = arith.constant 0 : i32
    %dma_start3A_27 = tpu.memref_slice %arg11[%add3A_23, %dma_start3A_26] : memref<10240x128xf32, #tpu.memory_space<vmem_shared>> -> memref<128x128xf32, #tpu.memory_space<vmem_shared>>
    tpu.enqueue_dma source(%arg9 : memref<128x128xf32, #tpu.memory_space<vmem>>) target(%dma_start3A_27 : memref<128x128xf32, #tpu.memory_space<vmem_shared>>) target_semaphore(%arg14 : memref<!tpu.dma_semaphore, #tpu.memory_space<semaphore_mem>>)
    %add3A_28 = arith.constant 384 : i32
    %add3A_29 = arith.addi %mul3A_2, %add3A_28 : i32
    %dma_start3A_30 = arith.constant 0 : i32
    %dma_start3A_31 = tpu.memref_slice %arg11[%add3A_29, %dma_start3A_30] : memref<10240x128xf32, #tpu.memory_space<vmem_shared>> -> memref<128x128xf32, #tpu.memory_space<vmem_shared>>
    %dma_start3A_32 = arith.constant 0 : i32
    %dma_start3A_33 = tpu.memref_slice %arg11[%add3A_29, %dma_start3A_32] : memref<10240x128xf32, #tpu.memory_space<vmem_shared>> -> memref<128x128xf32, #tpu.memory_space<vmem_shared>>
    tpu.enqueue_dma source(%arg9 : memref<128x128xf32, #tpu.memory_space<vmem>>) target(%dma_start3A_33 : memref<128x128xf32, #tpu.memory_space<vmem_shared>>) target_semaphore(%arg14 : memref<!tpu.dma_semaphore, #tpu.memory_space<semaphore_mem>>)
    %add3A_34 = arith.constant 512 : i32
    %add3A_35 = arith.addi %mul3A_2, %add3A_34 : i32
    %dma_start3A_36 = arith.constant 0 : i32
    %dma_start3A_37 = tpu.memref_slice %arg11[%add3A_35, %dma_start3A_36] : memref<10240x128xf32, #tpu.memory_space<vmem_shared>> -> memref<128x128xf32, #tpu.memory_space<vmem_shared>>
    %dma_start3A_38 = arith.constant 0 : i32
    %dma_start3A_39 = tpu.memref_slice %arg11[%add3A_35, %dma_start3A_38] : memref<10240x128xf32, #tpu.memory_space<vmem_shared>> -> memref<128x128xf32, #tpu.memory_space<vmem_shared>>
    tpu.enqueue_dma source(%arg9 : memref<128x128xf32, #tpu.memory_space<vmem>>) target(%dma_start3A_39 : memref<128x128xf32, #tpu.memory_space<vmem_shared>>) target_semaphore(%arg14 : memref<!tpu.dma_semaphore, #tpu.memory_space<semaphore_mem>>)
    %add3A_40 = arith.constant 0 : i32
    %add3A_41 = arith.addi %mul3A_2, %add3A_40 : i32
    %dma_wait3A = arith.constant 0 : i32
    %dma_wait3A_42 = tpu.memref_slice %arg11[%add3A_41, %dma_wait3A] : memref<10240x128xf32, #tpu.memory_space<vmem_shared>> -> memref<128x128xf32, #tpu.memory_space<vmem_shared>>
    %dma_wait3A_43 = arith.constant 0 : i32
    %dma_wait3A_44 = tpu.memref_slice %arg11[%add3A_41, %dma_wait3A_43] : memref<10240x128xf32, #tpu.memory_space<vmem_shared>> -> memref<128x128xf32, #tpu.memory_space<vmem_shared>>
    tpu.wait_dma2 semaphore(%arg14 : memref<!tpu.dma_semaphore, #tpu.memory_space<semaphore_mem>>) src(%arg9 : memref<128x128xf32, #tpu.memory_space<vmem>>) dst(%dma_wait3A_44 : memref<128x128xf32, #tpu.memory_space<vmem_shared>>)
    %add3A_45 = arith.constant 128 : i32
    %add3A_46 = arith.addi %mul3A_2, %add3A_45 : i32
    %dma_wait3A_47 = arith.constant 0 : i32
    %dma_wait3A_48 = tpu.memref_slice %arg11[%add3A_46, %dma_wait3A_47] : memref<10240x128xf32, #tpu.memory_space<vmem_shared>> -> memref<128x128xf32, #tpu.memory_space<vmem_shared>>
    %dma_wait3A_49 = arith.constant 0 : i32
    %dma_wait3A_50 = tpu.memref_slice %arg11[%add3A_46, %dma_wait3A_49] : memref<10240x128xf32, #tpu.memory_space<vmem_shared>> -> memref<128x128xf32, #tpu.memory_space<vmem_shared>>
    tpu.wait_dma2 semaphore(%arg14 : memref<!tpu.dma_semaphore, #tpu.memory_space<semaphore_mem>>) src(%arg9 : memref<128x128xf32, #tpu.memory_space<vmem>>) dst(%dma_wait3A_50 : memref<128x128xf32, #tpu.memory_space<vmem_shared>>)
    %add3A_51 = arith.constant 256 : i32
    %add3A_52 = arith.addi %mul3A_2, %add3A_51 : i32
    %dma_wait3A_53 = arith.constant 0 : i32
    %dma_wait3A_54 = tpu.memref_slice %arg11[%add3A_52, %dma_wait3A_53] : memref<10240x128xf32, #tpu.memory_space<vmem_shared>> -> memref<128x128xf32, #tpu.memory_space<vmem_shared>>
    %dma_wait3A_55 = arith.constant 0 : i32
    %dma_wait3A_56 = tpu.memref_slice %arg11[%add3A_52, %dma_wait3A_55] : memref<10240x128xf32, #tpu.memory_space<vmem_shared>> -> memref<128x128xf32, #tpu.memory_space<vmem_shared>>
    tpu.wait_dma2 semaphore(%arg14 : memref<!tpu.dma_semaphore, #tpu.memory_space<semaphore_mem>>) src(%arg9 : memref<128x128xf32, #tpu.memory_space<vmem>>) dst(%dma_wait3A_56 : memref<128x128xf32, #tpu.memory_space<vmem_shared>>)
    %add3A_57 = arith.constant 384 : i32
    %add3A_58 = arith.addi %mul3A_2, %add3A_57 : i32
    %dma_wait3A_59 = arith.constant 0 : i32
    %dma_wait3A_60 = tpu.memref_slice %arg11[%add3A_58, %dma_wait3A_59] : memref<10240x128xf32, #tpu.memory_space<vmem_shared>> -> memref<128x128xf32, #tpu.memory_space<vmem_shared>>
    %dma_wait3A_61 = arith.constant 0 : i32
    %dma_wait3A_62 = tpu.memref_slice %arg11[%add3A_58, %dma_wait3A_61] : memref<10240x128xf32, #tpu.memory_space<vmem_shared>> -> memref<128x128xf32, #tpu.memory_space<vmem_shared>>
    tpu.wait_dma2 semaphore(%arg14 : memref<!tpu.dma_semaphore, #tpu.memory_space<semaphore_mem>>) src(%arg9 : memref<128x128xf32, #tpu.memory_space<vmem>>) dst(%dma_wait3A_62 : memref<128x128xf32, #tpu.memory_space<vmem_shared>>)
    %add3A_63 = arith.constant 512 : i32
    %add3A_64 = arith.addi %mul3A_2, %add3A_63 : i32
    %dma_wait3A_65 = arith.constant 0 : i32
    %dma_wait3A_66 = tpu.memref_slice %arg11[%add3A_64, %dma_wait3A_65] : memref<10240x128xf32, #tpu.memory_space<vmem_shared>> -> memref<128x128xf32, #tpu.memory_space<vmem_shared>>
    %dma_wait3A_67 = arith.constant 0 : i32
    %dma_wait3A_68 = tpu.memref_slice %arg11[%add3A_64, %dma_wait3A_67] : memref<10240x128xf32, #tpu.memory_space<vmem_shared>> -> memref<128x128xf32, #tpu.memory_space<vmem_shared>>
    tpu.wait_dma2 semaphore(%arg14 : memref<!tpu.dma_semaphore, #tpu.memory_space<semaphore_mem>>) src(%arg9 : memref<128x128xf32, #tpu.memory_space<vmem>>) dst(%dma_wait3A_68 : memref<128x128xf32, #tpu.memory_space<vmem_shared>>)
    %mul3A_69 = arith.constant 9984 : i32
    %mul3A_70 = arith.muli %add3A, %mul3A_69 : i32
    %dma_wait3A_71 = tpu.memref_slice %arg2[%mul3A_70] : memref<320000xi32, #tpu.memory_space<hbm>> -> memref<9984xi32, #tpu.memory_space<hbm>>
    %dma_wait3A_72 = tpu.memref_slice %arg2[%mul3A_70] : memref<320000xi32, #tpu.memory_space<hbm>> -> memref<9984xi32, #tpu.memory_space<hbm>>
    tpu.wait_dma2 semaphore(%arg12 : memref<!tpu.dma_semaphore, #tpu.memory_space<semaphore_mem>>) src(%dma_wait3A_72 : memref<9984xi32, #tpu.memory_space<hbm>>) dst(%arg6 : memref<9984xi32, #tpu.memory_space<vmem>>)
    %barrier3A = arith.constant 0 : index
    tpu.barrier barrier_id(%barrier3A)
    %mul3A_73 = arith.constant 78 : i32
    %mul3A_74 = arith.muli %add3A, %mul3A_73 : i32
    %add3A_75 = arith.constant 0 : i32
    %add3A_76 = arith.addi %mul3A_74, %add3A_75 : i32
    %mul3A_77 = arith.constant 128 : i32
    %mul3A_78 = arith.muli %add3A_76, %mul3A_77 : i32
    %dma_start3A_79 = tpu.memref_slice %arg3[%mul3A_78] : memref<320000xi32, #tpu.memory_space<hbm>> -> memref<128xi32, #tpu.memory_space<hbm>>
    %dma_start3A_80 = tpu.memref_slice %arg3[%mul3A_78] : memref<320000xi32, #tpu.memory_space<hbm>> -> memref<128xi32, #tpu.memory_space<hbm>>
    tpu.enqueue_dma source(%dma_start3A_80 : memref<128xi32, #tpu.memory_space<hbm>>) target(%arg7 : memref<128xi32, #tpu.memory_space<vmem>>) target_semaphore(%arg12 : memref<!tpu.dma_semaphore, #tpu.memory_space<semaphore_mem>>)
    %mul3A_81 = arith.constant 78 : i32
    %mul3A_82 = arith.muli %add3A, %mul3A_81 : i32
    %add3A_83 = arith.constant 1 : i32
    %add3A_84 = arith.addi %mul3A_82, %add3A_83 : i32
    %mul3A_85 = arith.constant 128 : i32
    %mul3A_86 = arith.muli %add3A_84, %mul3A_85 : i32
    %dma_start3A_87 = tpu.memref_slice %arg3[%mul3A_86] : memref<320000xi32, #tpu.memory_space<hbm>> -> memref<128xi32, #tpu.memory_space<hbm>>
    %dma_start3A_88 = tpu.memref_slice %arg3[%mul3A_86] : memref<320000xi32, #tpu.memory_space<hbm>> -> memref<128xi32, #tpu.memory_space<hbm>>
    tpu.enqueue_dma source(%dma_start3A_88 : memref<128xi32, #tpu.memory_space<hbm>>) target(%arg8 : memref<128xi32, #tpu.memory_space<vmem>>) target_semaphore(%arg12 : memref<!tpu.dma_semaphore, #tpu.memory_space<semaphore_mem>>)
    %dma_start3A_89 = arith.constant 0 : i32
    %dma_start3A_90 = tpu.memref_slice %arg6[%dma_start3A_89] : memref<9984xi32, #tpu.memory_space<vmem>> -> memref<128xi32, #tpu.memory_space<vmem>>
    %dma_start3A_91 = arith.constant 0 : i32
    %dma_start3A_92 = arith.constant 0 : i32
    %dma_start3A_93 = tpu.memref_slice %arg4[%dma_start3A_91, %dma_start3A_92] : memref<10000x128xf32, #tpu.memory_space<hbm>> -> memref<10000x128xf32, #tpu.memory_space<hbm>>
    tpu.enqueue_indirect_dma source(%dma_start3A_93 : memref<10000x128xf32, #tpu.memory_space<hbm>>) target(%arg9 : memref<128x128xf32, #tpu.memory_space<vmem>>) offsets(%dma_start3A_90 : memref<128xi32, #tpu.memory_space<vmem>>) semaphore(%arg13 : memref<!tpu.dma_semaphore, #tpu.memory_space<semaphore_mem>>)
    %dma_start3A_94 = arith.constant 128 : i32
    %dma_start3A_95 = tpu.memref_slice %arg6[%dma_start3A_94] : memref<9984xi32, #tpu.memory_space<vmem>> -> memref<128xi32, #tpu.memory_space<vmem>>
    %dma_start3A_96 = arith.constant 0 : i32
    %dma_start3A_97 = arith.constant 0 : i32
    %dma_start3A_98 = tpu.memref_slice %arg4[%dma_start3A_96, %dma_start3A_97] : memref<10000x128xf32, #tpu.memory_space<hbm>> -> memref<10000x128xf32, #tpu.memory_space<hbm>>
    tpu.enqueue_indirect_dma source(%dma_start3A_98 : memref<10000x128xf32, #tpu.memory_space<hbm>>) target(%arg10 : memref<128x128xf32, #tpu.memory_space<vmem>>) offsets(%dma_start3A_95 : memref<128xi32, #tpu.memory_space<vmem>>) semaphore(%arg14 : memref<!tpu.dma_semaphore, #tpu.memory_space<semaphore_mem>>)
    %mul3A_99 = arith.constant 78 : i32
    %mul3A_100 = arith.muli %add3A, %mul3A_99 : i32
    %add3A_101 = arith.constant 0 : i32
    %add3A_102 = arith.addi %mul3A_100, %add3A_101 : i32
    %mul3A_103 = arith.constant 128 : i32
    %mul3A_104 = arith.muli %add3A_102, %mul3A_103 : i32
    %dma_wait3A_105 = tpu.memref_slice %arg3[%mul3A_104] : memref<320000xi32, #tpu.memory_space<hbm>> -> memref<128xi32, #tpu.memory_space<hbm>>
    %dma_wait3A_106 = tpu.memref_slice %arg3[%mul3A_104] : memref<320000xi32, #tpu.memory_space<hbm>> -> memref<128xi32, #tpu.memory_space<hbm>>
    tpu.wait_dma2 semaphore(%arg12 : memref<!tpu.dma_semaphore, #tpu.memory_space<semaphore_mem>>) src(%dma_wait3A_106 : memref<128xi32, #tpu.memory_space<hbm>>) dst(%arg7 : memref<128xi32, #tpu.memory_space<vmem>>)
    %mul3A_107 = arith.constant 78 : i32
    %mul3A_108 = arith.muli %add3A, %mul3A_107 : i32
    %add3A_109 = arith.constant 1 : i32
    %add3A_110 = arith.addi %mul3A_108, %add3A_109 : i32
    %mul3A_111 = arith.constant 128 : i32
    %mul3A_112 = arith.muli %add3A_110, %mul3A_111 : i32
    %dma_wait3A_113 = tpu.memref_slice %arg3[%mul3A_112] : memref<320000xi32, #tpu.memory_space<hbm>> -> memref<128xi32, #tpu.memory_space<hbm>>
    %dma_wait3A_114 = tpu.memref_slice %arg3[%mul3A_112] : memref<320000xi32, #tpu.memory_space<hbm>> -> memref<128xi32, #tpu.memory_space<hbm>>
    tpu.wait_dma2 semaphore(%arg12 : memref<!tpu.dma_semaphore, #tpu.memory_space<semaphore_mem>>) src(%dma_wait3A_114 : memref<128xi32, #tpu.memory_space<hbm>>) dst(%arg8 : memref<128xi32, #tpu.memory_space<vmem>>)
    %scan3A_115 = arith.constant 0 : i32
    %scan3A_116 = arith.constant 38 : i32
    %scan3A_117 = arith.addi %scan3A_115, %scan3A_116 : i32
    %scan3A_118 = arith.constant 1 : i32
    scf.for %scan3A_203 = %scan3A_115 to %scan3A_117 step %scan3A_118  : i32 {
      %mul3A_204 = arith.constant 1 : i32
      %mul3A_205 = arith.muli %scan3A_203, %mul3A_204 : i32
      %add3A_206 = arith.constant 0 : i32
      %add3A_207 = arith.addi %add3A_206, %mul3A_205 : i32
      %mul3A_208 = arith.constant 2 : i32
      %mul3A_209 = arith.muli %mul3A_208, %add3A_207 : i32
      %mul3A_210 = arith.constant 128 : i32
      %mul3A_211 = arith.muli %mul3A_209, %mul3A_210 : i32
      %dma_wait3A_212 = tpu.memref_slice %arg6[%mul3A_211] : memref<9984xi32, #tpu.memory_space<vmem>> -> memref<128xi32, #tpu.memory_space<vmem>>
      %dma_wait3A_213 = arith.constant 0 : i32
      %dma_wait3A_214 = arith.constant 0 : i32
      %dma_wait3A_215 = tpu.memref_slice %arg4[%dma_wait3A_213, %dma_wait3A_214] : memref<10000x128xf32, #tpu.memory_space<hbm>> -> memref<10000x128xf32, #tpu.memory_space<hbm>>
      tpu.wait_indirect_dma semaphore(%arg13 : memref<!tpu.dma_semaphore, #tpu.memory_space<semaphore_mem>>) src(%dma_wait3A_215 : memref<10000x128xf32, #tpu.memory_space<hbm>>) dst(%arg9 : memref<128x128xf32, #tpu.memory_space<vmem>>)
      "tpu.region"() ({
        %run_scoped3A = tpu.sem_alloc : memref<!tpu.dma_semaphore, #tpu.memory_space<semaphore_mem>>
        %dma_start3A_276 = arith.constant 0 : i32
        %dma_start3A_277 = arith.constant 0 : i32
        %dma_start3A_278 = tpu.memref_slice %arg11[%dma_start3A_276, %dma_start3A_277] : memref<10240x128xf32, #tpu.memory_space<vmem_shared>> -> memref<10240x128xf32, #tpu.memory_space<vmem_shared>>
        tpu.enqueue_indirect_dma source(%arg9 : memref<128x128xf32, #tpu.memory_space<vmem>>) target(%dma_start3A_278 : memref<10240x128xf32, #tpu.memory_space<vmem_shared>>) offsets(%arg7 : memref<128xi32, #tpu.memory_space<vmem>>) semaphore(%run_scoped3A : memref<!tpu.dma_semaphore, #tpu.memory_space<semaphore_mem>>) {add = true}
        %dma_wait3A_279 = arith.constant 0 : i32
        %dma_wait3A_280 = arith.constant 0 : i32
        %dma_wait3A_281 = tpu.memref_slice %arg11[%dma_wait3A_279, %dma_wait3A_280] : memref<10240x128xf32, #tpu.memory_space<vmem_shared>> -> memref<10240x128xf32, #tpu.memory_space<vmem_shared>>
        tpu.wait_indirect_dma semaphore(%run_scoped3A : memref<!tpu.dma_semaphore, #tpu.memory_space<semaphore_mem>>) src(%arg9 : memref<128x128xf32, #tpu.memory_space<vmem>>) dst(%dma_wait3A_281 : memref<10240x128xf32, #tpu.memory_space<vmem_shared>>)
        tpu.yield
      }) : () -> ()
      %add3A_216 = arith.constant 2 : i32
      %add3A_217 = arith.addi %mul3A_209, %add3A_216 : i32
      %mul3A_218 = arith.constant 78 : i32
      %mul3A_219 = arith.muli %add3A, %mul3A_218 : i32
      %add3A_220 = arith.addi %mul3A_219, %add3A_217 : i32
      %mul3A_221 = arith.constant 128 : i32
      %mul3A_222 = arith.muli %add3A_220, %mul3A_221 : i32
      %dma_start3A_223 = tpu.memref_slice %arg3[%mul3A_222] : memref<320000xi32, #tpu.memory_space<hbm>> -> memref<128xi32, #tpu.memory_space<hbm>>
      %dma_start3A_224 = tpu.memref_slice %arg3[%mul3A_222] : memref<320000xi32, #tpu.memory_space<hbm>> -> memref<128xi32, #tpu.memory_space<hbm>>
      tpu.enqueue_dma source(%dma_start3A_224 : memref<128xi32, #tpu.memory_space<hbm>>) target(%arg7 : memref<128xi32, #tpu.memory_space<vmem>>) target_semaphore(%arg12 : memref<!tpu.dma_semaphore, #tpu.memory_space<semaphore_mem>>)
      %add3A_225 = arith.constant 2 : i32
      %add3A_226 = arith.addi %mul3A_209, %add3A_225 : i32
      %mul3A_227 = arith.constant 128 : i32
      %mul3A_228 = arith.muli %add3A_226, %mul3A_227 : i32
      %dma_start3A_229 = tpu.memref_slice %arg6[%mul3A_228] : memref<9984xi32, #tpu.memory_space<vmem>> -> memref<128xi32, #tpu.memory_space<vmem>>
      %dma_start3A_230 = arith.constant 0 : i32
      %dma_start3A_231 = arith.constant 0 : i32
      %dma_start3A_232 = tpu.memref_slice %arg4[%dma_start3A_230, %dma_start3A_231] : memref<10000x128xf32, #tpu.memory_space<hbm>> -> memref<10000x128xf32, #tpu.memory_space<hbm>>
      tpu.enqueue_indirect_dma source(%dma_start3A_232 : memref<10000x128xf32, #tpu.memory_space<hbm>>) target(%arg9 : memref<128x128xf32, #tpu.memory_space<vmem>>) offsets(%dma_start3A_229 : memref<128xi32, #tpu.memory_space<vmem>>) semaphore(%arg13 : memref<!tpu.dma_semaphore, #tpu.memory_space<semaphore_mem>>)
      %add3A_233 = arith.constant 1 : i32
      %add3A_234 = arith.addi %mul3A_209, %add3A_233 : i32
      %mul3A_235 = arith.constant 128 : i32
      %mul3A_236 = arith.muli %add3A_234, %mul3A_235 : i32
      %dma_wait3A_237 = tpu.memref_slice %arg6[%mul3A_236] : memref<9984xi32, #tpu.memory_space<vmem>> -> memref<128xi32, #tpu.memory_space<vmem>>
      %dma_wait3A_238 = arith.constant 0 : i32
      %dma_wait3A_239 = arith.constant 0 : i32
      %dma_wait3A_240 = tpu.memref_slice %arg4[%dma_wait3A_238, %dma_wait3A_239] : memref<10000x128xf32, #tpu.memory_space<hbm>> -> memref<10000x128xf32, #tpu.memory_space<hbm>>
      tpu.wait_indirect_dma semaphore(%arg14 : memref<!tpu.dma_semaphore, #tpu.memory_space<semaphore_mem>>) src(%dma_wait3A_240 : memref<10000x128xf32, #tpu.memory_space<hbm>>) dst(%arg10 : memref<128x128xf32, #tpu.memory_space<vmem>>)
      "tpu.region"() ({
        %run_scoped3A = tpu.sem_alloc : memref<!tpu.dma_semaphore, #tpu.memory_space<semaphore_mem>>
        %dma_start3A_276 = arith.constant 0 : i32
        %dma_start3A_277 = arith.constant 0 : i32
        %dma_start3A_278 = tpu.memref_slice %arg11[%dma_start3A_276, %dma_start3A_277] : memref<10240x128xf32, #tpu.memory_space<vmem_shared>> -> memref<10240x128xf32, #tpu.memory_space<vmem_shared>>
        tpu.enqueue_indirect_dma source(%arg10 : memref<128x128xf32, #tpu.memory_space<vmem>>) target(%dma_start3A_278 : memref<10240x128xf32, #tpu.memory_space<vmem_shared>>) offsets(%arg8 : memref<128xi32, #tpu.memory_space<vmem>>) semaphore(%run_scoped3A : memref<!tpu.dma_semaphore, #tpu.memory_space<semaphore_mem>>) {add = true}
        %dma_wait3A_279 = arith.constant 0 : i32
        %dma_wait3A_280 = arith.constant 0 : i32
        %dma_wait3A_281 = tpu.memref_slice %arg11[%dma_wait3A_279, %dma_wait3A_280] : memref<10240x128xf32, #tpu.memory_space<vmem_shared>> -> memref<10240x128xf32, #tpu.memory_space<vmem_shared>>
        tpu.wait_indirect_dma semaphore(%run_scoped3A : memref<!tpu.dma_semaphore, #tpu.memory_space<semaphore_mem>>) src(%arg10 : memref<128x128xf32, #tpu.memory_space<vmem>>) dst(%dma_wait3A_281 : memref<10240x128xf32, #tpu.memory_space<vmem_shared>>)
        tpu.yield
      }) : () -> ()
      %add3A_241 = arith.constant 3 : i32
      %add3A_242 = arith.addi %mul3A_209, %add3A_241 : i32
      %mul3A_243 = arith.constant 78 : i32
      %mul3A_244 = arith.muli %add3A, %mul3A_243 : i32
      %add3A_245 = arith.addi %mul3A_244, %add3A_242 : i32
      %mul3A_246 = arith.constant 128 : i32
      %mul3A_247 = arith.muli %add3A_245, %mul3A_246 : i32
      %dma_start3A_248 = tpu.memref_slice %arg3[%mul3A_247] : memref<320000xi32, #tpu.memory_space<hbm>> -> memref<128xi32, #tpu.memory_space<hbm>>
      %dma_start3A_249 = tpu.memref_slice %arg3[%mul3A_247] : memref<320000xi32, #tpu.memory_space<hbm>> -> memref<128xi32, #tpu.memory_space<hbm>>
      tpu.enqueue_dma source(%dma_start3A_249 : memref<128xi32, #tpu.memory_space<hbm>>) target(%arg8 : memref<128xi32, #tpu.memory_space<vmem>>) target_semaphore(%arg12 : memref<!tpu.dma_semaphore, #tpu.memory_space<semaphore_mem>>)
      %add3A_250 = arith.constant 3 : i32
      %add3A_251 = arith.addi %mul3A_209, %add3A_250 : i32
      %mul3A_252 = arith.constant 128 : i32
      %mul3A_253 = arith.muli %add3A_251, %mul3A_252 : i32
      %dma_start3A_254 = tpu.memref_slice %arg6[%mul3A_253] : memref<9984xi32, #tpu.memory_space<vmem>> -> memref<128xi32, #tpu.memory_space<vmem>>
      %dma_start3A_255 = arith.constant 0 : i32
      %dma_start3A_256 = arith.constant 0 : i32
      %dma_start3A_257 = tpu.memref_slice %arg4[%dma_start3A_255, %dma_start3A_256] : memref<10000x128xf32, #tpu.memory_space<hbm>> -> memref<10000x128xf32, #tpu.memory_space<hbm>>
      tpu.enqueue_indirect_dma source(%dma_start3A_257 : memref<10000x128xf32, #tpu.memory_space<hbm>>) target(%arg10 : memref<128x128xf32, #tpu.memory_space<vmem>>) offsets(%dma_start3A_254 : memref<128xi32, #tpu.memory_space<vmem>>) semaphore(%arg14 : memref<!tpu.dma_semaphore, #tpu.memory_space<semaphore_mem>>)
      %add3A_258 = arith.constant 2 : i32
      %add3A_259 = arith.addi %mul3A_209, %add3A_258 : i32
      %mul3A_260 = arith.constant 78 : i32
      %mul3A_261 = arith.muli %add3A, %mul3A_260 : i32
      %add3A_262 = arith.addi %mul3A_261, %add3A_259 : i32
      %mul3A_263 = arith.constant 128 : i32
      %mul3A_264 = arith.muli %add3A_262, %mul3A_263 : i32
      %dma_wait3A_265 = tpu.memref_slice %arg3[%mul3A_264] : memref<320000xi32, #tpu.memory_space<hbm>> -> memref<128xi32, #tpu.memory_space<hbm>>
      %dma_wait3A_266 = tpu.memref_slice %arg3[%mul3A_264] : memref<320000xi32, #tpu.memory_space<hbm>> -> memref<128xi32, #tpu.memory_space<hbm>>
      tpu.wait_dma2 semaphore(%arg12 : memref<!tpu.dma_semaphore, #tpu.memory_space<semaphore_mem>>) src(%dma_wait3A_266 : memref<128xi32, #tpu.memory_space<hbm>>) dst(%arg7 : memref<128xi32, #tpu.memory_space<vmem>>)
      %add3A_267 = arith.constant 3 : i32
      %add3A_268 = arith.addi %mul3A_209, %add3A_267 : i32
      %mul3A_269 = arith.constant 78 : i32
      %mul3A_270 = arith.muli %add3A, %mul3A_269 : i32
      %add3A_271 = arith.addi %mul3A_270, %add3A_268 : i32
      %mul3A_272 = arith.constant 128 : i32
      %mul3A_273 = arith.muli %add3A_271, %mul3A_272 : i32
      %dma_wait3A_274 = tpu.memref_slice %arg3[%mul3A_273] : memref<320000xi32, #tpu.memory_space<hbm>> -> memref<128xi32, #tpu.memory_space<hbm>>
      %dma_wait3A_275 = tpu.memref_slice %arg3[%mul3A_273] : memref<320000xi32, #tpu.memory_space<hbm>> -> memref<128xi32, #tpu.memory_space<hbm>>
      tpu.wait_dma2 semaphore(%arg12 : memref<!tpu.dma_semaphore, #tpu.memory_space<semaphore_mem>>) src(%dma_wait3A_275 : memref<128xi32, #tpu.memory_space<hbm>>) dst(%arg8 : memref<128xi32, #tpu.memory_space<vmem>>)
    }
    %scan3A_119 = arith.constant 38 : i32
    %dma_wait3A_120 = arith.constant 9728 : i32
    %dma_wait3A_121 = tpu.memref_slice %arg6[%dma_wait3A_120] : memref<9984xi32, #tpu.memory_space<vmem>> -> memref<128xi32, #tpu.memory_space<vmem>>
    %dma_wait3A_122 = arith.constant 0 : i32
    %dma_wait3A_123 = arith.constant 0 : i32
    %dma_wait3A_124 = tpu.memref_slice %arg4[%dma_wait3A_122, %dma_wait3A_123] : memref<10000x128xf32, #tpu.memory_space<hbm>> -> memref<10000x128xf32, #tpu.memory_space<hbm>>
    tpu.wait_indirect_dma semaphore(%arg13 : memref<!tpu.dma_semaphore, #tpu.memory_space<semaphore_mem>>) src(%dma_wait3A_124 : memref<10000x128xf32, #tpu.memory_space<hbm>>) dst(%arg9 : memref<128x128xf32, #tpu.memory_space<vmem>>)
    "tpu.region"() ({
      %run_scoped3A = tpu.sem_alloc : memref<!tpu.dma_semaphore, #tpu.memory_space<semaphore_mem>>
      %dma_start3A_203 = arith.constant 0 : i32
      %dma_start3A_204 = arith.constant 0 : i32
      %dma_start3A_205 = tpu.memref_slice %arg11[%dma_start3A_203, %dma_start3A_204] : memref<10240x128xf32, #tpu.memory_space<vmem_shared>> -> memref<10240x128xf32, #tpu.memory_space<vmem_shared>>
      tpu.enqueue_indirect_dma source(%arg9 : memref<128x128xf32, #tpu.memory_space<vmem>>) target(%dma_start3A_205 : memref<10240x128xf32, #tpu.memory_space<vmem_shared>>) offsets(%arg7 : memref<128xi32, #tpu.memory_space<vmem>>) semaphore(%run_scoped3A : memref<!tpu.dma_semaphore, #tpu.memory_space<semaphore_mem>>) {add = true}
      %dma_wait3A_206 = arith.constant 0 : i32
      %dma_wait3A_207 = arith.constant 0 : i32
      %dma_wait3A_208 = tpu.memref_slice %arg11[%dma_wait3A_206, %dma_wait3A_207] : memref<10240x128xf32, #tpu.memory_space<vmem_shared>> -> memref<10240x128xf32, #tpu.memory_space<vmem_shared>>
      tpu.wait_indirect_dma semaphore(%run_scoped3A : memref<!tpu.dma_semaphore, #tpu.memory_space<semaphore_mem>>) src(%arg9 : memref<128x128xf32, #tpu.memory_space<vmem>>) dst(%dma_wait3A_208 : memref<10240x128xf32, #tpu.memory_space<vmem_shared>>)
      tpu.yield
    }) : () -> ()
    %dma_wait3A_125 = arith.constant 9856 : i32
    %dma_wait3A_126 = tpu.memref_slice %arg6[%dma_wait3A_125] : memref<9984xi32, #tpu.memory_space<vmem>> -> memref<128xi32, #tpu.memory_space<vmem>>
    %dma_wait3A_127 = arith.constant 0 : i32
    %dma_wait3A_128 = arith.constant 0 : i32
    %dma_wait3A_129 = tpu.memref_slice %arg4[%dma_wait3A_127, %dma_wait3A_128] : memref<10000x128xf32, #tpu.memory_space<hbm>> -> memref<10000x128xf32, #tpu.memory_space<hbm>>
    tpu.wait_indirect_dma semaphore(%arg14 : memref<!tpu.dma_semaphore, #tpu.memory_space<semaphore_mem>>) src(%dma_wait3A_129 : memref<10000x128xf32, #tpu.memory_space<hbm>>) dst(%arg10 : memref<128x128xf32, #tpu.memory_space<vmem>>)
    "tpu.region"() ({
      %run_scoped3A = tpu.sem_alloc : memref<!tpu.dma_semaphore, #tpu.memory_space<semaphore_mem>>
      %dma_start3A_203 = arith.constant 0 : i32
      %dma_start3A_204 = arith.constant 0 : i32
      %dma_start3A_205 = tpu.memref_slice %arg11[%dma_start3A_203, %dma_start3A_204] : memref<10240x128xf32, #tpu.memory_space<vmem_shared>> -> memref<10240x128xf32, #tpu.memory_space<vmem_shared>>
      tpu.enqueue_indirect_dma source(%arg10 : memref<128x128xf32, #tpu.memory_space<vmem>>) target(%dma_start3A_205 : memref<10240x128xf32, #tpu.memory_space<vmem_shared>>) offsets(%arg8 : memref<128xi32, #tpu.memory_space<vmem>>) semaphore(%run_scoped3A : memref<!tpu.dma_semaphore, #tpu.memory_space<semaphore_mem>>) {add = true}
      %dma_wait3A_206 = arith.constant 0 : i32
      %dma_wait3A_207 = arith.constant 0 : i32
      %dma_wait3A_208 = tpu.memref_slice %arg11[%dma_wait3A_206, %dma_wait3A_207] : memref<10240x128xf32, #tpu.memory_space<vmem_shared>> -> memref<10240x128xf32, #tpu.memory_space<vmem_shared>>
      tpu.wait_indirect_dma semaphore(%run_scoped3A : memref<!tpu.dma_semaphore, #tpu.memory_space<semaphore_mem>>) src(%arg10 : memref<128x128xf32, #tpu.memory_space<vmem>>) dst(%dma_wait3A_208 : memref<10240x128xf32, #tpu.memory_space<vmem_shared>>)
      tpu.yield
    }) : () -> ()
    %lt3A = arith.constant 4 : i32
    %lt3A_130 = arith.cmpi slt, %add3A, %lt3A : i32
    %convert_element_type3A = arith.extui %lt3A_130 : i1 to i32
    %cond3A = arith.constant 0 : i32
    %cond3A_131 = arith.cmpi ne, %convert_element_type3A, %cond3A : i32
    scf.if %cond3A_131 {
      %add3A_203 = arith.constant 2496 : i32
      %add3A_204 = arith.addi %add3A_203, %add3A : i32
      %mul3A_205 = arith.constant 128 : i32
      %mul3A_206 = arith.muli %add3A_204, %mul3A_205 : i32
      "tpu.region"() ({
        %run_scoped3A = tpu.sem_alloc : memref<!tpu.dma_semaphore, #tpu.memory_space<semaphore_mem>>
        %dma_start3A_207 = arith.constant 0 : i32
        %dma_start3A_208 = tpu.memref_slice %arg6[%dma_start3A_207] : memref<9984xi32, #tpu.memory_space<vmem>> -> memref<128xi32, #tpu.memory_space<vmem>>
        %dma_start3A_209 = tpu.memref_slice %arg2[%mul3A_206] : memref<320000xi32, #tpu.memory_space<hbm>> -> memref<128xi32, #tpu.memory_space<hbm>>
        %dma_start3A_210 = arith.constant 0 : i32
        %dma_start3A_211 = tpu.memref_slice %arg6[%dma_start3A_210] : memref<9984xi32, #tpu.memory_space<vmem>> -> memref<128xi32, #tpu.memory_space<vmem>>
        %dma_start3A_212 = tpu.memref_slice %arg2[%mul3A_206] : memref<320000xi32, #tpu.memory_space<hbm>> -> memref<128xi32, #tpu.memory_space<hbm>>
        tpu.enqueue_dma source(%dma_start3A_212 : memref<128xi32, #tpu.memory_space<hbm>>) target(%dma_start3A_211 : memref<128xi32, #tpu.memory_space<vmem>>) target_semaphore(%run_scoped3A : memref<!tpu.dma_semaphore, #tpu.memory_space<semaphore_mem>>)
        %dma_wait3A_213 = arith.constant 0 : i32
        %dma_wait3A_214 = tpu.memref_slice %arg6[%dma_wait3A_213] : memref<9984xi32, #tpu.memory_space<vmem>> -> memref<128xi32, #tpu.memory_space<vmem>>
        %dma_wait3A_215 = tpu.memref_slice %arg2[%mul3A_206] : memref<320000xi32, #tpu.memory_space<hbm>> -> memref<128xi32, #tpu.memory_space<hbm>>
        %dma_wait3A_216 = arith.constant 0 : i32
        %dma_wait3A_217 = tpu.memref_slice %arg6[%dma_wait3A_216] : memref<9984xi32, #tpu.memory_space<vmem>> -> memref<128xi32, #tpu.memory_space<vmem>>
        %dma_wait3A_218 = tpu.memref_slice %arg2[%mul3A_206] : memref<320000xi32, #tpu.memory_space<hbm>> -> memref<128xi32, #tpu.memory_space<hbm>>
        tpu.wait_dma2 semaphore(%run_scoped3A : memref<!tpu.dma_semaphore, #tpu.memory_space<semaphore_mem>>) src(%dma_wait3A_218 : memref<128xi32, #tpu.memory_space<hbm>>) dst(%dma_wait3A_217 : memref<128xi32, #tpu.memory_space<vmem>>)
        tpu.yield
      }) : () -> ()
      "tpu.region"() ({
        %run_scoped3A = tpu.sem_alloc : memref<!tpu.dma_semaphore, #tpu.memory_space<semaphore_mem>>
        %dma_start3A_207 = tpu.memref_slice %arg3[%mul3A_206] : memref<320000xi32, #tpu.memory_space<hbm>> -> memref<128xi32, #tpu.memory_space<hbm>>
        %dma_start3A_208 = tpu.memref_slice %arg3[%mul3A_206] : memref<320000xi32, #tpu.memory_space<hbm>> -> memref<128xi32, #tpu.memory_space<hbm>>
        tpu.enqueue_dma source(%dma_start3A_208 : memref<128xi32, #tpu.memory_space<hbm>>) target(%arg7 : memref<128xi32, #tpu.memory_space<vmem>>) target_semaphore(%run_scoped3A : memref<!tpu.dma_semaphore, #tpu.memory_space<semaphore_mem>>)
        %dma_wait3A_209 = tpu.memref_slice %arg3[%mul3A_206] : memref<320000xi32, #tpu.memory_space<hbm>> -> memref<128xi32, #tpu.memory_space<hbm>>
        %dma_wait3A_210 = tpu.memref_slice %arg3[%mul3A_206] : memref<320000xi32, #tpu.memory_space<hbm>> -> memref<128xi32, #tpu.memory_space<hbm>>
        tpu.wait_dma2 semaphore(%run_scoped3A : memref<!tpu.dma_semaphore, #tpu.memory_space<semaphore_mem>>) src(%dma_wait3A_210 : memref<128xi32, #tpu.memory_space<hbm>>) dst(%arg7 : memref<128xi32, #tpu.memory_space<vmem>>)
        tpu.yield
      }) : () -> ()
      "tpu.region"() ({
        %run_scoped3A = tpu.sem_alloc : memref<!tpu.dma_semaphore, #tpu.memory_space<semaphore_mem>>
        %dma_start3A_207 = arith.constant 0 : i32
        %dma_start3A_208 = tpu.memref_slice %arg6[%dma_start3A_207] : memref<9984xi32, #tpu.memory_space<vmem>> -> memref<128xi32, #tpu.memory_space<vmem>>
        %dma_start3A_209 = arith.constant 0 : i32
        %dma_start3A_210 = arith.constant 0 : i32
        %dma_start3A_211 = tpu.memref_slice %arg4[%dma_start3A_209, %dma_start3A_210] : memref<10000x128xf32, #tpu.memory_space<hbm>> -> memref<10000x128xf32, #tpu.memory_space<hbm>>
        tpu.enqueue_indirect_dma source(%dma_start3A_211 : memref<10000x128xf32, #tpu.memory_space<hbm>>) target(%arg9 : memref<128x128xf32, #tpu.memory_space<vmem>>) offsets(%dma_start3A_208 : memref<128xi32, #tpu.memory_space<vmem>>) semaphore(%run_scoped3A : memref<!tpu.dma_semaphore, #tpu.memory_space<semaphore_mem>>)
        %dma_wait3A_212 = arith.constant 0 : i32
        %dma_wait3A_213 = tpu.memref_slice %arg6[%dma_wait3A_212] : memref<9984xi32, #tpu.memory_space<vmem>> -> memref<128xi32, #tpu.memory_space<vmem>>
        %dma_wait3A_214 = arith.constant 0 : i32
        %dma_wait3A_215 = arith.constant 0 : i32
        %dma_wait3A_216 = tpu.memref_slice %arg4[%dma_wait3A_214, %dma_wait3A_215] : memref<10000x128xf32, #tpu.memory_space<hbm>> -> memref<10000x128xf32, #tpu.memory_space<hbm>>
        tpu.wait_indirect_dma semaphore(%run_scoped3A : memref<!tpu.dma_semaphore, #tpu.memory_space<semaphore_mem>>) src(%dma_wait3A_216 : memref<10000x128xf32, #tpu.memory_space<hbm>>) dst(%arg9 : memref<128x128xf32, #tpu.memory_space<vmem>>)
        tpu.yield
      }) : () -> ()
      "tpu.region"() ({
        %run_scoped3A = tpu.sem_alloc : memref<!tpu.dma_semaphore, #tpu.memory_space<semaphore_mem>>
        %dma_start3A_207 = arith.constant 0 : i32
        %dma_start3A_208 = arith.constant 0 : i32
        %dma_start3A_209 = tpu.memref_slice %arg11[%dma_start3A_207, %dma_start3A_208] : memref<10240x128xf32, #tpu.memory_space<vmem_shared>> -> memref<10240x128xf32, #tpu.memory_space<vmem_shared>>
        tpu.enqueue_indirect_dma source(%arg9 : memref<128x128xf32, #tpu.memory_space<vmem>>) target(%dma_start3A_209 : memref<10240x128xf32, #tpu.memory_space<vmem_shared>>) offsets(%arg7 : memref<128xi32, #tpu.memory_space<vmem>>) semaphore(%run_scoped3A : memref<!tpu.dma_semaphore, #tpu.memory_space<semaphore_mem>>) {add = true}
        %dma_wait3A_210 = arith.constant 0 : i32
        %dma_wait3A_211 = arith.constant 0 : i32
        %dma_wait3A_212 = tpu.memref_slice %arg11[%dma_wait3A_210, %dma_wait3A_211] : memref<10240x128xf32, #tpu.memory_space<vmem_shared>> -> memref<10240x128xf32, #tpu.memory_space<vmem_shared>>
        tpu.wait_indirect_dma semaphore(%run_scoped3A : memref<!tpu.dma_semaphore, #tpu.memory_space<semaphore_mem>>) src(%arg9 : memref<128x128xf32, #tpu.memory_space<vmem>>) dst(%dma_wait3A_212 : memref<10240x128xf32, #tpu.memory_space<vmem_shared>>)
        tpu.yield
      }) : () -> ()
    } else {
    }
    %barrier3A_132 = arith.constant 0 : index
    tpu.barrier barrier_id(%barrier3A_132)
    %add3A_133 = arith.constant 0 : i32
    %add3A_134 = arith.addi %mul3A_2, %add3A_133 : i32
    %dma_start3A_135 = arith.constant 0 : i32
    %dma_start3A_136 = tpu.memref_slice %arg5[%arg0, %add3A_134, %dma_start3A_135] : memref<2x10240x128xf32, #tpu.memory_space<hbm>> -> memref<1x128x128xf32, #tpu.memory_space<hbm>>
    %dma_start3A_137 = tpu.memref_squeeze %dma_start3A_136 : memref<1x128x128xf32, #tpu.memory_space<hbm>> -> memref<128x128xf32, #tpu.memory_space<hbm>>
    %dma_start3A_138 = arith.constant 0 : i32
    %dma_start3A_139 = tpu.memref_slice %arg11[%add3A_134, %dma_start3A_138] : memref<10240x128xf32, #tpu.memory_space<vmem_shared>> -> memref<128x128xf32, #tpu.memory_space<vmem_shared>>
    tpu.enqueue_dma source(%dma_start3A_139 : memref<128x128xf32, #tpu.memory_space<vmem_shared>>) target(%dma_start3A_137 : memref<128x128xf32, #tpu.memory_space<hbm>>) target_semaphore(%arg14 : memref<!tpu.dma_semaphore, #tpu.memory_space<semaphore_mem>>)
    %add3A_140 = arith.constant 128 : i32
    %add3A_141 = arith.addi %mul3A_2, %add3A_140 : i32
    %dma_start3A_142 = arith.constant 0 : i32
    %dma_start3A_143 = tpu.memref_slice %arg5[%arg0, %add3A_141, %dma_start3A_142] : memref<2x10240x128xf32, #tpu.memory_space<hbm>> -> memref<1x128x128xf32, #tpu.memory_space<hbm>>
    %dma_start3A_144 = tpu.memref_squeeze %dma_start3A_143 : memref<1x128x128xf32, #tpu.memory_space<hbm>> -> memref<128x128xf32, #tpu.memory_space<hbm>>
    %dma_start3A_145 = arith.constant 0 : i32
    %dma_start3A_146 = tpu.memref_slice %arg11[%add3A_141, %dma_start3A_145] : memref<10240x128xf32, #tpu.memory_space<vmem_shared>> -> memref<128x128xf32, #tpu.memory_space<vmem_shared>>
    tpu.enqueue_dma source(%dma_start3A_146 : memref<128x128xf32, #tpu.memory_space<vmem_shared>>) target(%dma_start3A_144 : memref<128x128xf32, #tpu.memory_space<hbm>>) target_semaphore(%arg14 : memref<!tpu.dma_semaphore, #tpu.memory_space<semaphore_mem>>)
    %add3A_147 = arith.constant 256 : i32
    %add3A_148 = arith.addi %mul3A_2, %add3A_147 : i32
    %dma_start3A_149 = arith.constant 0 : i32
    %dma_start3A_150 = tpu.memref_slice %arg5[%arg0, %add3A_148, %dma_start3A_149] : memref<2x10240x128xf32, #tpu.memory_space<hbm>> -> memref<1x128x128xf32, #tpu.memory_space<hbm>>
    %dma_start3A_151 = tpu.memref_squeeze %dma_start3A_150 : memref<1x128x128xf32, #tpu.memory_space<hbm>> -> memref<128x128xf32, #tpu.memory_space<hbm>>
    %dma_start3A_152 = arith.constant 0 : i32
    %dma_start3A_153 = tpu.memref_slice %arg11[%add3A_148, %dma_start3A_152] : memref<10240x128xf32, #tpu.memory_space<vmem_shared>> -> memref<128x128xf32, #tpu.memory_space<vmem_shared>>
    tpu.enqueue_dma source(%dma_start3A_153 : memref<128x128xf32, #tpu.memory_space<vmem_shared>>) target(%dma_start3A_151 : memref<128x128xf32, #tpu.memory_space<hbm>>) target_semaphore(%arg14 : memref<!tpu.dma_semaphore, #tpu.memory_space<semaphore_mem>>)
    %add3A_154 = arith.constant 384 : i32
    %add3A_155 = arith.addi %mul3A_2, %add3A_154 : i32
    %dma_start3A_156 = arith.constant 0 : i32
    %dma_start3A_157 = tpu.memref_slice %arg5[%arg0, %add3A_155, %dma_start3A_156] : memref<2x10240x128xf32, #tpu.memory_space<hbm>> -> memref<1x128x128xf32, #tpu.memory_space<hbm>>
    %dma_start3A_158 = tpu.memref_squeeze %dma_start3A_157 : memref<1x128x128xf32, #tpu.memory_space<hbm>> -> memref<128x128xf32, #tpu.memory_space<hbm>>
    %dma_start3A_159 = arith.constant 0 : i32
    %dma_start3A_160 = tpu.memref_slice %arg11[%add3A_155, %dma_start3A_159] : memref<10240x128xf32, #tpu.memory_space<vmem_shared>> -> memref<128x128xf32, #tpu.memory_space<vmem_shared>>
    tpu.enqueue_dma source(%dma_start3A_160 : memref<128x128xf32, #tpu.memory_space<vmem_shared>>) target(%dma_start3A_158 : memref<128x128xf32, #tpu.memory_space<hbm>>) target_semaphore(%arg14 : memref<!tpu.dma_semaphore, #tpu.memory_space<semaphore_mem>>)
    %add3A_161 = arith.constant 512 : i32
    %add3A_162 = arith.addi %mul3A_2, %add3A_161 : i32
    %dma_start3A_163 = arith.constant 0 : i32
    %dma_start3A_164 = tpu.memref_slice %arg5[%arg0, %add3A_162, %dma_start3A_163] : memref<2x10240x128xf32, #tpu.memory_space<hbm>> -> memref<1x128x128xf32, #tpu.memory_space<hbm>>
    %dma_start3A_165 = tpu.memref_squeeze %dma_start3A_164 : memref<1x128x128xf32, #tpu.memory_space<hbm>> -> memref<128x128xf32, #tpu.memory_space<hbm>>
    %dma_start3A_166 = arith.constant 0 : i32
    %dma_start3A_167 = tpu.memref_slice %arg11[%add3A_162, %dma_start3A_166] : memref<10240x128xf32, #tpu.memory_space<vmem_shared>> -> memref<128x128xf32, #tpu.memory_space<vmem_shared>>
    tpu.enqueue_dma source(%dma_start3A_167 : memref<128x128xf32, #tpu.memory_space<vmem_shared>>) target(%dma_start3A_165 : memref<128x128xf32, #tpu.memory_space<hbm>>) target_semaphore(%arg14 : memref<!tpu.dma_semaphore, #tpu.memory_space<semaphore_mem>>)
    %add3A_168 = arith.constant 0 : i32
    %add3A_169 = arith.addi %mul3A_2, %add3A_168 : i32
    %dma_wait3A_170 = arith.constant 0 : i32
    %dma_wait3A_171 = tpu.memref_slice %arg5[%arg0, %add3A_169, %dma_wait3A_170] : memref<2x10240x128xf32, #tpu.memory_space<hbm>> -> memref<1x128x128xf32, #tpu.memory_space<hbm>>
    %dma_wait3A_172 = tpu.memref_squeeze %dma_wait3A_171 : memref<1x128x128xf32, #tpu.memory_space<hbm>> -> memref<128x128xf32, #tpu.memory_space<hbm>>
    %dma_wait3A_173 = arith.constant 0 : i32
    %dma_wait3A_174 = tpu.memref_slice %arg11[%add3A_169, %dma_wait3A_173] : memref<10240x128xf32, #tpu.memory_space<vmem_shared>> -> memref<128x128xf32, #tpu.memory_space<vmem_shared>>
    tpu.wait_dma2 semaphore(%arg14 : memref<!tpu.dma_semaphore, #tpu.memory_space<semaphore_mem>>) src(%dma_wait3A_174 : memref<128x128xf32, #tpu.memory_space<vmem_shared>>) dst(%dma_wait3A_172 : memref<128x128xf32, #tpu.memory_space<hbm>>)
    %add3A_175 = arith.constant 128 : i32
    %add3A_176 = arith.addi %mul3A_2, %add3A_175 : i32
    %dma_wait3A_177 = arith.constant 0 : i32
    %dma_wait3A_178 = tpu.memref_slice %arg5[%arg0, %add3A_176, %dma_wait3A_177] : memref<2x10240x128xf32, #tpu.memory_space<hbm>> -> memref<1x128x128xf32, #tpu.memory_space<hbm>>
    %dma_wait3A_179 = tpu.memref_squeeze %dma_wait3A_178 : memref<1x128x128xf32, #tpu.memory_space<hbm>> -> memref<128x128xf32, #tpu.memory_space<hbm>>
    %dma_wait3A_180 = arith.constant 0 : i32
    %dma_wait3A_181 = tpu.memref_slice %arg11[%add3A_176, %dma_wait3A_180] : memref<10240x128xf32, #tpu.memory_space<vmem_shared>> -> memref<128x128xf32, #tpu.memory_space<vmem_shared>>
    tpu.wait_dma2 semaphore(%arg14 : memref<!tpu.dma_semaphore, #tpu.memory_space<semaphore_mem>>) src(%dma_wait3A_181 : memref<128x128xf32, #tpu.memory_space<vmem_shared>>) dst(%dma_wait3A_179 : memref<128x128xf32, #tpu.memory_space<hbm>>)
    %add3A_182 = arith.constant 256 : i32
    %add3A_183 = arith.addi %mul3A_2, %add3A_182 : i32
    %dma_wait3A_184 = arith.constant 0 : i32
    %dma_wait3A_185 = tpu.memref_slice %arg5[%arg0, %add3A_183, %dma_wait3A_184] : memref<2x10240x128xf32, #tpu.memory_space<hbm>> -> memref<1x128x128xf32, #tpu.memory_space<hbm>>
    %dma_wait3A_186 = tpu.memref_squeeze %dma_wait3A_185 : memref<1x128x128xf32, #tpu.memory_space<hbm>> -> memref<128x128xf32, #tpu.memory_space<hbm>>
    %dma_wait3A_187 = arith.constant 0 : i32
    %dma_wait3A_188 = tpu.memref_slice %arg11[%add3A_183, %dma_wait3A_187] : memref<10240x128xf32, #tpu.memory_space<vmem_shared>> -> memref<128x128xf32, #tpu.memory_space<vmem_shared>>
    tpu.wait_dma2 semaphore(%arg14 : memref<!tpu.dma_semaphore, #tpu.memory_space<semaphore_mem>>) src(%dma_wait3A_188 : memref<128x128xf32, #tpu.memory_space<vmem_shared>>) dst(%dma_wait3A_186 : memref<128x128xf32, #tpu.memory_space<hbm>>)
    %add3A_189 = arith.constant 384 : i32
    %add3A_190 = arith.addi %mul3A_2, %add3A_189 : i32
    %dma_wait3A_191 = arith.constant 0 : i32
    %dma_wait3A_192 = tpu.memref_slice %arg5[%arg0, %add3A_190, %dma_wait3A_191] : memref<2x10240x128xf32, #tpu.memory_space<hbm>> -> memref<1x128x128xf32, #tpu.memory_space<hbm>>
    %dma_wait3A_193 = tpu.memref_squeeze %dma_wait3A_192 : memref<1x128x128xf32, #tpu.memory_space<hbm>> -> memref<128x128xf32, #tpu.memory_space<hbm>>
    %dma_wait3A_194 = arith.constant 0 : i32
    %dma_wait3A_195 = tpu.memref_slice %arg11[%add3A_190, %dma_wait3A_194] : memref<10240x128xf32, #tpu.memory_space<vmem_shared>> -> memref<128x128xf32, #tpu.memory_space<vmem_shared>>
    tpu.wait_dma2 semaphore(%arg14 : memref<!tpu.dma_semaphore, #tpu.memory_space<semaphore_mem>>) src(%dma_wait3A_195 : memref<128x128xf32, #tpu.memory_space<vmem_shared>>) dst(%dma_wait3A_193 : memref<128x128xf32, #tpu.memory_space<hbm>>)
    %add3A_196 = arith.constant 512 : i32
    %add3A_197 = arith.addi %mul3A_2, %add3A_196 : i32
    %dma_wait3A_198 = arith.constant 0 : i32
    %dma_wait3A_199 = tpu.memref_slice %arg5[%arg0, %add3A_197, %dma_wait3A_198] : memref<2x10240x128xf32, #tpu.memory_space<hbm>> -> memref<1x128x128xf32, #tpu.memory_space<hbm>>
    %dma_wait3A_200 = tpu.memref_squeeze %dma_wait3A_199 : memref<1x128x128xf32, #tpu.memory_space<hbm>> -> memref<128x128xf32, #tpu.memory_space<hbm>>
    %dma_wait3A_201 = arith.constant 0 : i32
    %dma_wait3A_202 = tpu.memref_slice %arg11[%add3A_197, %dma_wait3A_201] : memref<10240x128xf32, #tpu.memory_space<vmem_shared>> -> memref<128x128xf32, #tpu.memory_space<vmem_shared>>
    tpu.wait_dma2 semaphore(%arg14 : memref<!tpu.dma_semaphore, #tpu.memory_space<semaphore_mem>>) src(%dma_wait3A_202 : memref<128x128xf32, #tpu.memory_space<vmem_shared>>) dst(%dma_wait3A_200 : memref<128x128xf32, #tpu.memory_space<hbm>>)
    return
  }
}

#map = affine_map<(d0, d1) -> (0)>
#map1 = affine_map<(d0, d1) -> (0, 0, 0)>
module attributes {stable_mosaic.version = 14 : i64} {
  func.func @deg(%arg0: i32, %arg1: i32, %arg2: memref<320000xi32, #tpu.memory_space<hbm>>, %arg3: memref<2x80x128xf32, #tpu.memory_space<hbm>>, %arg4: memref<9984xi32, #tpu.memory_space<vmem>>, %arg5: memref<80x128xf32, #tpu.memory_space<vmem>>, %arg6: memref<80xi32, #tpu.memory_space<vmem>>, %arg7: memref<80x128xf32, #tpu.memory_space<vmem_shared>>) attributes {dimension_semantics = [#tpu.dimension_semantics<core_parallel>, #tpu.dimension_semantics<subcore_parallel>], iteration_bounds = array<i64: 2, 16>, scalar_prefetch = 0 : i64, scratch_operands = 4 : i64, tpu.core_type = #tpu.core_type<sc_vector_subcore>, window_params = [{transform_indices = #map}, {transform_indices = #map1}]} {
    %mul3A = arith.constant 16 : i32
    %mul3A_0 = arith.muli %arg0, %mul3A : i32
    %add3A = arith.addi %mul3A_0, %arg1 : i32
    %scan3A = arith.constant 0 : i32
    %scan3A_1 = arith.constant 80 : i32
    %scan3A_2 = arith.addi %scan3A, %scan3A_1 : i32
    %scan3A_3 = arith.constant 1 : i32
    scf.for %scan3A_30 = %scan3A to %scan3A_2 step %scan3A_3  : i32 {
      %mul3A_31 = arith.constant 1 : i32
      %mul3A_32 = arith.muli %scan3A_30, %mul3A_31 : i32
      %add3A_33 = arith.constant 0 : i32
      %add3A_34 = arith.addi %add3A_33, %mul3A_32 : i32
      %scan3A_35 = arith.constant 0 : i32
      %scan3A_36 = arith.constant 8 : i32
      %scan3A_37 = arith.addi %scan3A_35, %scan3A_36 : i32
      %scan3A_38 = arith.constant 1 : i32
      scf.for %scan3A_40 = %scan3A_35 to %scan3A_37 step %scan3A_38  : i32 {
        %mul3A_41 = arith.constant 1 : i32
        %mul3A_42 = arith.muli %scan3A_40, %mul3A_41 : i32
        %add3A_43 = arith.constant 0 : i32
        %add3A_44 = arith.addi %add3A_43, %mul3A_42 : i32
        %broadcast_in_dim3A_45 = arith.constant 0.000000e+00 : f32
        %broadcast_in_dim3A_46 = vector.broadcast %broadcast_in_dim3A_45 : f32 to vector<16xf32>
        %mul3A_47 = arith.constant 16 : i32
        %mul3A_48 = arith.muli %add3A_44, %mul3A_47 : i32
        %swap3A = arith.index_cast %add3A_34 : i32 to index
        %swap3A_49 = arith.index_cast %mul3A_48 : i32 to index
        %swap3A_50 = tpu.vector_load %arg5[%swap3A, %swap3A_49] {strides = array<i32>} : memref<80x128xf32, #tpu.memory_space<vmem>>, vector<16xf32>,
        tpu.vector_store %arg5[%swap3A, %swap3A_49], %broadcast_in_dim3A_46 {strides = array<i32>} : memref<80x128xf32, #tpu.memory_space<vmem>>, vector<16xf32>,
      }
      %scan3A_39 = arith.constant 8 : i32
    }
    %scan3A_4 = arith.constant 80 : i32
    %eq3A = arith.constant 0 : i32
    %eq3A_5 = arith.cmpi eq, %arg1, %eq3A : i32
    %convert_element_type3A = arith.extui %eq3A_5 : i1 to i32
    %cond3A = arith.constant 0 : i32
    %cond3A_6 = arith.cmpi ne, %convert_element_type3A, %cond3A : i32
    scf.if %cond3A_6 {
      "tpu.region"() ({
        %run_scoped3A = tpu.sem_alloc : memref<!tpu.dma_semaphore, #tpu.memory_space<semaphore_mem>>
        tpu.enqueue_dma source(%arg5 : memref<80x128xf32, #tpu.memory_space<vmem>>) target(%arg7 : memref<80x128xf32, #tpu.memory_space<vmem_shared>>) target_semaphore(%run_scoped3A : memref<!tpu.dma_semaphore, #tpu.memory_space<semaphore_mem>>)
        tpu.wait_dma2 semaphore(%run_scoped3A : memref<!tpu.dma_semaphore, #tpu.memory_space<semaphore_mem>>) src(%arg5 : memref<80x128xf32, #tpu.memory_space<vmem>>) dst(%arg7 : memref<80x128xf32, #tpu.memory_space<vmem_shared>>)
        tpu.yield
      }) : () -> ()
    } else {
    }
    %scan3A_7 = arith.constant 0 : i32
    %scan3A_8 = arith.constant 5 : i32
    %scan3A_9 = arith.addi %scan3A_7, %scan3A_8 : i32
    %scan3A_10 = arith.constant 1 : i32
    scf.for %scan3A_30 = %scan3A_7 to %scan3A_9 step %scan3A_10  : i32 {
      %mul3A_31 = arith.constant 1 : i32
      %mul3A_32 = arith.muli %scan3A_30, %mul3A_31 : i32
      %add3A_33 = arith.constant 0 : i32
      %add3A_34 = arith.addi %add3A_33, %mul3A_32 : i32
      %iota3A = tpu.iota {dimensions = array<i32: 0>} : vector<16xi32>
      %mul3A_35 = arith.constant 16 : i32
      %mul3A_36 = arith.muli %add3A_34, %mul3A_35 : i32
      %add3A_37 = vector.broadcast %mul3A_36 : i32 to vector<16xi32>
      %add3A_38 = arith.addi %iota3A, %add3A_37 : vector<16xi32>
      %mul3A_39 = arith.constant 16 : i32
      %mul3A_40 = arith.muli %add3A_34, %mul3A_39 : i32
      %swap3A = arith.index_cast %mul3A_40 : i32 to index
      %swap3A_41 = tpu.vector_load %arg6[%swap3A] {strides = array<i32>} : memref<80xi32, #tpu.memory_space<vmem>>, vector<16xi32>,
      tpu.vector_store %arg6[%swap3A], %add3A_38 {strides = array<i32>} : memref<80xi32, #tpu.memory_space<vmem>>, vector<16xi32>,
    }
    %scan3A_11 = arith.constant 5 : i32
    %mul3A_12 = arith.constant 9984 : i32
    %mul3A_13 = arith.muli %add3A, %mul3A_12 : i32
    "tpu.region"() ({
      %run_scoped3A = tpu.sem_alloc : memref<!tpu.dma_semaphore, #tpu.memory_space<semaphore_mem>>
      %dma_start3A = tpu.memref_slice %arg2[%mul3A_13] : memref<320000xi32, #tpu.memory_space<hbm>> -> memref<9984xi32, #tpu.memory_space<hbm>>
      %dma_start3A_30 = tpu.memref_slice %arg2[%mul3A_13] : memref<320000xi32, #tpu.memory_space<hbm>> -> memref<9984xi32, #tpu.memory_space<hbm>>
      tpu.enqueue_dma source(%dma_start3A_30 : memref<9984xi32, #tpu.memory_space<hbm>>) target(%arg4 : memref<9984xi32, #tpu.memory_space<vmem>>) target_semaphore(%run_scoped3A : memref<!tpu.dma_semaphore, #tpu.memory_space<semaphore_mem>>)
      %dma_wait3A = tpu.memref_slice %arg2[%mul3A_13] : memref<320000xi32, #tpu.memory_space<hbm>> -> memref<9984xi32, #tpu.memory_space<hbm>>
      %dma_wait3A_31 = tpu.memref_slice %arg2[%mul3A_13] : memref<320000xi32, #tpu.memory_space<hbm>> -> memref<9984xi32, #tpu.memory_space<hbm>>
      tpu.wait_dma2 semaphore(%run_scoped3A : memref<!tpu.dma_semaphore, #tpu.memory_space<semaphore_mem>>) src(%dma_wait3A_31 : memref<9984xi32, #tpu.memory_space<hbm>>) dst(%arg4 : memref<9984xi32, #tpu.memory_space<vmem>>)
      tpu.yield
    }) : () -> ()
    %broadcast_in_dim3A = arith.constant 1.000000e+00 : f32
    %broadcast_in_dim3A_14 = vector.broadcast %broadcast_in_dim3A : f32 to vector<16xf32>
    %scan3A_15 = arith.constant 0 : i32
    %scan3A_16 = arith.constant 624 : i32
    %scan3A_17 = arith.addi %scan3A_15, %scan3A_16 : i32
    %scan3A_18 = arith.constant 1 : i32
    scf.for %scan3A_30 = %scan3A_15 to %scan3A_17 step %scan3A_18  : i32 {
      %mul3A_31 = arith.constant 1 : i32
      %mul3A_32 = arith.muli %scan3A_30, %mul3A_31 : i32
      %add3A_33 = arith.constant 0 : i32
      %add3A_34 = arith.addi %add3A_33, %mul3A_32 : i32
      %mul3A_35 = arith.constant 16 : i32
      %mul3A_36 = arith.muli %add3A_34, %mul3A_35 : i32
      %get3A = arith.index_cast %mul3A_36 : i32 to index
      %get3A_37 = tpu.vector_load %arg4[%get3A] {strides = array<i32>} : memref<9984xi32, #tpu.memory_space<vmem>>, vector<16xi32>,
      %shift_right_logical3A = arith.constant 7 : i32
      %shift_right_logical3A_38 = vector.broadcast %shift_right_logical3A : i32 to vector<16xi32>
      %shift_right_logical3A_39 = arith.shrui %get3A_37, %shift_right_logical3A_38 : vector<16xi32>
      %and3A = arith.constant 127 : i32
      %and3A_40 = vector.broadcast %and3A : i32 to vector<16xi32>
      %and3A_41 = arith.andi %get3A_37, %and3A_40 : vector<16xi32>
      tpu.vector_store_idx %arg5[%shift_right_logical3A_39, %and3A_41], %broadcast_in_dim3A_14 {add = true} : memref<80x128xf32, #tpu.memory_space<vmem>>[vector<16xi32>, vector<16xi32>], vector<16xf32>,
    }
    %scan3A_19 = arith.constant 624 : i32
    %lt3A = arith.constant 4 : i32
    %lt3A_20 = arith.cmpi slt, %add3A, %lt3A : i32
    %convert_element_type3A_21 = arith.extui %lt3A_20 : i1 to i32
    %cond3A_22 = arith.constant 0 : i32
    %cond3A_23 = arith.cmpi ne, %convert_element_type3A_21, %cond3A_22 : i32
    scf.if %cond3A_23 {
      %add3A_30 = arith.constant 2496 : i32
      %add3A_31 = arith.addi %add3A_30, %add3A : i32
      %mul3A_32 = arith.constant 128 : i32
      %mul3A_33 = arith.muli %add3A_31, %mul3A_32 : i32
      "tpu.region"() ({
        %run_scoped3A = tpu.sem_alloc : memref<!tpu.dma_semaphore, #tpu.memory_space<semaphore_mem>>
        %dma_start3A = arith.constant 0 : i32
        %dma_start3A_39 = tpu.memref_slice %arg4[%dma_start3A] : memref<9984xi32, #tpu.memory_space<vmem>> -> memref<128xi32, #tpu.memory_space<vmem>>
        %dma_start3A_40 = tpu.memref_slice %arg2[%mul3A_33] : memref<320000xi32, #tpu.memory_space<hbm>> -> memref<128xi32, #tpu.memory_space<hbm>>
        %dma_start3A_41 = arith.constant 0 : i32
        %dma_start3A_42 = tpu.memref_slice %arg4[%dma_start3A_41] : memref<9984xi32, #tpu.memory_space<vmem>> -> memref<128xi32, #tpu.memory_space<vmem>>
        %dma_start3A_43 = tpu.memref_slice %arg2[%mul3A_33] : memref<320000xi32, #tpu.memory_space<hbm>> -> memref<128xi32, #tpu.memory_space<hbm>>
        tpu.enqueue_dma source(%dma_start3A_43 : memref<128xi32, #tpu.memory_space<hbm>>) target(%dma_start3A_42 : memref<128xi32, #tpu.memory_space<vmem>>) target_semaphore(%run_scoped3A : memref<!tpu.dma_semaphore, #tpu.memory_space<semaphore_mem>>)
        %dma_wait3A = arith.constant 0 : i32
        %dma_wait3A_44 = tpu.memref_slice %arg4[%dma_wait3A] : memref<9984xi32, #tpu.memory_space<vmem>> -> memref<128xi32, #tpu.memory_space<vmem>>
        %dma_wait3A_45 = tpu.memref_slice %arg2[%mul3A_33] : memref<320000xi32, #tpu.memory_space<hbm>> -> memref<128xi32, #tpu.memory_space<hbm>>
        %dma_wait3A_46 = arith.constant 0 : i32
        %dma_wait3A_47 = tpu.memref_slice %arg4[%dma_wait3A_46] : memref<9984xi32, #tpu.memory_space<vmem>> -> memref<128xi32, #tpu.memory_space<vmem>>
        %dma_wait3A_48 = tpu.memref_slice %arg2[%mul3A_33] : memref<320000xi32, #tpu.memory_space<hbm>> -> memref<128xi32, #tpu.memory_space<hbm>>
        tpu.wait_dma2 semaphore(%run_scoped3A : memref<!tpu.dma_semaphore, #tpu.memory_space<semaphore_mem>>) src(%dma_wait3A_48 : memref<128xi32, #tpu.memory_space<hbm>>) dst(%dma_wait3A_47 : memref<128xi32, #tpu.memory_space<vmem>>)
        tpu.yield
      }) : () -> ()
      %scan3A_34 = arith.constant 0 : i32
      %scan3A_35 = arith.constant 8 : i32
      %scan3A_36 = arith.addi %scan3A_34, %scan3A_35 : i32
      %scan3A_37 = arith.constant 1 : i32
      scf.for %scan3A_39 = %scan3A_34 to %scan3A_36 step %scan3A_37  : i32 {
        %mul3A_40 = arith.constant 1 : i32
        %mul3A_41 = arith.muli %scan3A_39, %mul3A_40 : i32
        %add3A_42 = arith.constant 0 : i32
        %add3A_43 = arith.addi %add3A_42, %mul3A_41 : i32
        %mul3A_44 = arith.constant 16 : i32
        %mul3A_45 = arith.muli %add3A_43, %mul3A_44 : i32
        %get3A = arith.index_cast %mul3A_45 : i32 to index
        %get3A_46 = tpu.vector_load %arg4[%get3A] {strides = array<i32>} : memref<9984xi32, #tpu.memory_space<vmem>>, vector<16xi32>,
        %shift_right_logical3A = arith.constant 7 : i32
        %shift_right_logical3A_47 = vector.broadcast %shift_right_logical3A : i32 to vector<16xi32>
        %shift_right_logical3A_48 = arith.shrui %get3A_46, %shift_right_logical3A_47 : vector<16xi32>
        %and3A = arith.constant 127 : i32
        %and3A_49 = vector.broadcast %and3A : i32 to vector<16xi32>
        %and3A_50 = arith.andi %get3A_46, %and3A_49 : vector<16xi32>
        tpu.vector_store_idx %arg5[%shift_right_logical3A_48, %and3A_50], %broadcast_in_dim3A_14 {add = true} : memref<80x128xf32, #tpu.memory_space<vmem>>[vector<16xi32>, vector<16xi32>], vector<16xf32>,
      }
      %scan3A_38 = arith.constant 8 : i32
    } else {
    }
    %barrier3A = arith.constant 0 : index
    tpu.barrier barrier_id(%barrier3A)
    "tpu.region"() ({
      %run_scoped3A = tpu.sem_alloc : memref<!tpu.dma_semaphore, #tpu.memory_space<semaphore_mem>>
      %dma_start3A = arith.constant 0 : i32
      %dma_start3A_30 = arith.constant 0 : i32
      %dma_start3A_31 = tpu.memref_slice %arg7[%dma_start3A, %dma_start3A_30] : memref<80x128xf32, #tpu.memory_space<vmem_shared>> -> memref<80x128xf32, #tpu.memory_space<vmem_shared>>
      tpu.enqueue_indirect_dma source(%arg5 : memref<80x128xf32, #tpu.memory_space<vmem>>) target(%dma_start3A_31 : memref<80x128xf32, #tpu.memory_space<vmem_shared>>) offsets(%arg6 : memref<80xi32, #tpu.memory_space<vmem>>) semaphore(%run_scoped3A : memref<!tpu.dma_semaphore, #tpu.memory_space<semaphore_mem>>) {add = true}
      %dma_wait3A = arith.constant 0 : i32
      %dma_wait3A_32 = arith.constant 0 : i32
      %dma_wait3A_33 = tpu.memref_slice %arg7[%dma_wait3A, %dma_wait3A_32] : memref<80x128xf32, #tpu.memory_space<vmem_shared>> -> memref<80x128xf32, #tpu.memory_space<vmem_shared>>
      tpu.wait_indirect_dma semaphore(%run_scoped3A : memref<!tpu.dma_semaphore, #tpu.memory_space<semaphore_mem>>) src(%arg5 : memref<80x128xf32, #tpu.memory_space<vmem>>) dst(%dma_wait3A_33 : memref<80x128xf32, #tpu.memory_space<vmem_shared>>)
      tpu.yield
    }) : () -> ()
    %barrier3A_24 = arith.constant 0 : index
    tpu.barrier barrier_id(%barrier3A_24)
    %eq3A_25 = arith.constant 0 : i32
    %eq3A_26 = arith.cmpi eq, %arg1, %eq3A_25 : i32
    %convert_element_type3A_27 = arith.extui %eq3A_26 : i1 to i32
    %cond3A_28 = arith.constant 0 : i32
    %cond3A_29 = arith.cmpi ne, %convert_element_type3A_27, %cond3A_28 : i32
    scf.if %cond3A_29 {
      "tpu.region"() ({
        %run_scoped3A = tpu.sem_alloc : memref<!tpu.dma_semaphore, #tpu.memory_space<semaphore_mem>>
        %dma_start3A = arith.constant 0 : i32
        %dma_start3A_30 = arith.constant 0 : i32
        %dma_start3A_31 = tpu.memref_slice %arg3[%arg0, %dma_start3A, %dma_start3A_30] : memref<2x80x128xf32, #tpu.memory_space<hbm>> -> memref<1x80x128xf32, #tpu.memory_space<hbm>>
        %dma_start3A_32 = tpu.memref_squeeze %dma_start3A_31 : memref<1x80x128xf32, #tpu.memory_space<hbm>> -> memref<80x128xf32, #tpu.memory_space<hbm>>
        tpu.enqueue_dma source(%arg7 : memref<80x128xf32, #tpu.memory_space<vmem_shared>>) target(%dma_start3A_32 : memref<80x128xf32, #tpu.memory_space<hbm>>) target_semaphore(%run_scoped3A : memref<!tpu.dma_semaphore, #tpu.memory_space<semaphore_mem>>)
        %dma_wait3A = arith.constant 0 : i32
        %dma_wait3A_33 = arith.constant 0 : i32
        %dma_wait3A_34 = tpu.memref_slice %arg3[%arg0, %dma_wait3A, %dma_wait3A_33] : memref<2x80x128xf32, #tpu.memory_space<hbm>> -> memref<1x80x128xf32, #tpu.memory_space<hbm>>
        %dma_wait3A_35 = tpu.memref_squeeze %dma_wait3A_34 : memref<1x80x128xf32, #tpu.memory_space<hbm>> -> memref<80x128xf32, #tpu.memory_space<hbm>>
        tpu.wait_dma2 semaphore(%run_scoped3A : memref<!tpu.dma_semaphore, #tpu.memory_space<semaphore_mem>>) src(%arg7 : memref<80x128xf32, #tpu.memory_space<vmem_shared>>) dst(%dma_wait3A_35 : memref<80x128xf32, #tpu.memory_space<hbm>>)
        tpu.yield
      }) : () -> ()
    } else {
    }
    return
  }
}

#map = affine_map<(d0, d1) -> (0)>
#map1 = affine_map<(d0, d1) -> (0, 0)>
#map2 = affine_map<(d0, d1) -> (0, 0, 0)>
module attributes {stable_mosaic.version = 14 : i64} {
  func.func @scat(%arg0: i32, %arg1: i32, %arg2: memref<320000xi32, #tpu.memory_space<hbm>>, %arg3: memref<320000xi32, #tpu.memory_space<hbm>>, %arg4: memref<10000x128xf32, #tpu.memory_space<hbm>>, %arg5: memref<2x10240x128xf32, #tpu.memory_space<hbm>>, %arg6: memref<9984xi32, #tpu.memory_space<vmem>>, %arg7: memref<128xi32, #tpu.memory_space<vmem>>, %arg8: memref<128xi32, #tpu.memory_space<vmem>>, %arg9: memref<128x128xf32, #tpu.memory_space<vmem>>, %arg10: memref<128x128xf32, #tpu.memory_space<vmem>>, %arg11: memref<10240x128xf32, #tpu.memory_space<vmem_shared>>, %arg12: memref<!tpu.dma_semaphore, #tpu.memory_space<semaphore_mem>>, %arg13: memref<!tpu.dma_semaphore, #tpu.memory_space<semaphore_mem>>, %arg14: memref<!tpu.dma_semaphore, #tpu.memory_space<semaphore_mem>>) attributes {dimension_semantics = [#tpu.dimension_semantics<core_parallel>, #tpu.dimension_semantics<subcore_parallel>], iteration_bounds = array<i64: 2, 16>, scalar_prefetch = 0 : i64, scratch_operands = 9 : i64, tpu.core_type = #tpu.core_type<sc_vector_subcore>, window_params = [{transform_indices = #map}, {transform_indices = #map}, {transform_indices = #map1}, {transform_indices = #map2}]} {
    %mul3A = arith.constant 16 : i32
    %mul3A_0 = arith.muli %arg0, %mul3A : i32
    %add3A = arith.addi %mul3A_0, %arg1 : i32
    %mul3A_1 = arith.constant 640 : i32
    %mul3A_2 = arith.muli %arg1, %mul3A_1 : i32
    %mul3A_3 = arith.constant 9984 : i32
    %mul3A_4 = arith.muli %add3A, %mul3A_3 : i32
    %dma_start3A = tpu.memref_slice %arg2[%mul3A_4] : memref<320000xi32, #tpu.memory_space<hbm>> -> memref<9984xi32, #tpu.memory_space<hbm>>
    %dma_start3A_5 = tpu.memref_slice %arg2[%mul3A_4] : memref<320000xi32, #tpu.memory_space<hbm>> -> memref<9984xi32, #tpu.memory_space<hbm>>
    tpu.enqueue_dma source(%dma_start3A_5 : memref<9984xi32, #tpu.memory_space<hbm>>) target(%arg6 : memref<9984xi32, #tpu.memory_space<vmem>>) target_semaphore(%arg12 : memref<!tpu.dma_semaphore, #tpu.memory_space<semaphore_mem>>)
    %scan3A = arith.constant 0 : i32
    %scan3A_6 = arith.constant 128 : i32
    %scan3A_7 = arith.addi %scan3A, %scan3A_6 : i32
    %scan3A_8 = arith.constant 1 : i32
    scf.for %scan3A_203 = %scan3A to %scan3A_7 step %scan3A_8  : i32 {
      %mul3A_204 = arith.constant 1 : i32
      %mul3A_205 = arith.muli %scan3A_203, %mul3A_204 : i32
      %add3A_206 = arith.constant 0 : i32
      %add3A_207 = arith.addi %add3A_206, %mul3A_205 : i32
      %scan3A_208 = arith.constant 0 : i32
      %scan3A_209 = arith.constant 8 : i32
      %scan3A_210 = arith.addi %scan3A_208, %scan3A_209 : i32
      %scan3A_211 = arith.constant 1 : i32
      scf.for %scan3A_213 = %scan3A_208 to %scan3A_210 step %scan3A_211  : i32 {
        %mul3A_214 = arith.constant 1 : i32
        %mul3A_215 = arith.muli %scan3A_213, %mul3A_214 : i32
        %add3A_216 = arith.constant 0 : i32
        %add3A_217 = arith.addi %add3A_216, %mul3A_215 : i32
        %broadcast_in_dim3A = arith.constant 0.000000e+00 : f32
        %broadcast_in_dim3A_218 = vector.broadcast %broadcast_in_dim3A : f32 to vector<16xf32>
        %mul3A_219 = arith.constant 16 : i32
        %mul3A_220 = arith.muli %add3A_217, %mul3A_219 : i32
        %swap3A = arith.index_cast %add3A_207 : i32 to index
        %swap3A_221 = arith.index_cast %mul3A_220 : i32 to index
        %swap3A_222 = tpu.vector_load %arg9[%swap3A, %swap3A_221] {strides = array<i32>} : memref<128x128xf32, #tpu.memory_space<vmem>>, vector<1x16xf32>,
        %swap3A_223 = vector.shape_cast %swap3A_222 : vector<1x16xf32> to vector<16xf32>
        %swap3A_224 = vector.shape_cast %broadcast_in_dim3A_218 : vector<16xf32> to vector<1x16xf32>
        tpu.vector_store %arg9[%swap3A, %swap3A_221], %swap3A_224 {strides = array<i32>} : memref<128x128xf32, #tpu.memory_space<vmem>>, vector<1x16xf32>,
      }
      %scan3A_212 = arith.constant 8 : i32
    }
    %scan3A_9 = arith.constant 128 : i32
    %add3A_10 = arith.constant 0 : i32
    %add3A_11 = arith.addi %mul3A_2, %add3A_10 : i32
    %dma_start3A_12 = arith.constant 0 : i32
    %dma_start3A_13 = tpu.memref_slice %arg11[%add3A_11, %dma_start3A_12] : memref<10240x128xf32, #tpu.memory_space<vmem_shared>> -> memref<128x128xf32, #tpu.memory_space<vmem_shared>>
    %dma_start3A_14 = arith.constant 0 : i32
    %dma_start3A_15 = tpu.memref_slice %arg11[%add3A_11, %dma_start3A_14] : memref<10240x128xf32, #tpu.memory_space<vmem_shared>> -> memref<128x128xf32, #tpu.memory_space<vmem_shared>>
    tpu.enqueue_dma source(%arg9 : memref<128x128xf32, #tpu.memory_space<vmem>>) target(%dma_start3A_15 : memref<128x128xf32, #tpu.memory_space<vmem_shared>>) target_semaphore(%arg14 : memref<!tpu.dma_semaphore, #tpu.memory_space<semaphore_mem>>)
    %add3A_16 = arith.constant 128 : i32
    %add3A_17 = arith.addi %mul3A_2, %add3A_16 : i32
    %dma_start3A_18 = arith.constant 0 : i32
    %dma_start3A_19 = tpu.memref_slice %arg11[%add3A_17, %dma_start3A_18] : memref<10240x128xf32, #tpu.memory_space<vmem_shared>> -> memref<128x128xf32, #tpu.memory_space<vmem_shared>>
    %dma_start3A_20 = arith.constant 0 : i32
    %dma_start3A_21 = tpu.memref_slice %arg11[%add3A_17, %dma_start3A_20] : memref<10240x128xf32, #tpu.memory_space<vmem_shared>> -> memref<128x128xf32, #tpu.memory_space<vmem_shared>>
    tpu.enqueue_dma source(%arg9 : memref<128x128xf32, #tpu.memory_space<vmem>>) target(%dma_start3A_21 : memref<128x128xf32, #tpu.memory_space<vmem_shared>>) target_semaphore(%arg14 : memref<!tpu.dma_semaphore, #tpu.memory_space<semaphore_mem>>)
    %add3A_22 = arith.constant 256 : i32
    %add3A_23 = arith.addi %mul3A_2, %add3A_22 : i32
    %dma_start3A_24 = arith.constant 0 : i32
    %dma_start3A_25 = tpu.memref_slice %arg11[%add3A_23, %dma_start3A_24] : memref<10240x128xf32, #tpu.memory_space<vmem_shared>> -> memref<128x128xf32, #tpu.memory_space<vmem_shared>>
    %dma_start3A_26 = arith.constant 0 : i32
    %dma_start3A_27 = tpu.memref_slice %arg11[%add3A_23, %dma_start3A_26] : memref<10240x128xf32, #tpu.memory_space<vmem_shared>> -> memref<128x128xf32, #tpu.memory_space<vmem_shared>>
    tpu.enqueue_dma source(%arg9 : memref<128x128xf32, #tpu.memory_space<vmem>>) target(%dma_start3A_27 : memref<128x128xf32, #tpu.memory_space<vmem_shared>>) target_semaphore(%arg14 : memref<!tpu.dma_semaphore, #tpu.memory_space<semaphore_mem>>)
    %add3A_28 = arith.constant 384 : i32
    %add3A_29 = arith.addi %mul3A_2, %add3A_28 : i32
    %dma_start3A_30 = arith.constant 0 : i32
    %dma_start3A_31 = tpu.memref_slice %arg11[%add3A_29, %dma_start3A_30] : memref<10240x128xf32, #tpu.memory_space<vmem_shared>> -> memref<128x128xf32, #tpu.memory_space<vmem_shared>>
    %dma_start3A_32 = arith.constant 0 : i32
    %dma_start3A_33 = tpu.memref_slice %arg11[%add3A_29, %dma_start3A_32] : memref<10240x128xf32, #tpu.memory_space<vmem_shared>> -> memref<128x128xf32, #tpu.memory_space<vmem_shared>>
    tpu.enqueue_dma source(%arg9 : memref<128x128xf32, #tpu.memory_space<vmem>>) target(%dma_start3A_33 : memref<128x128xf32, #tpu.memory_space<vmem_shared>>) target_semaphore(%arg14 : memref<!tpu.dma_semaphore, #tpu.memory_space<semaphore_mem>>)
    %add3A_34 = arith.constant 512 : i32
    %add3A_35 = arith.addi %mul3A_2, %add3A_34 : i32
    %dma_start3A_36 = arith.constant 0 : i32
    %dma_start3A_37 = tpu.memref_slice %arg11[%add3A_35, %dma_start3A_36] : memref<10240x128xf32, #tpu.memory_space<vmem_shared>> -> memref<128x128xf32, #tpu.memory_space<vmem_shared>>
    %dma_start3A_38 = arith.constant 0 : i32
    %dma_start3A_39 = tpu.memref_slice %arg11[%add3A_35, %dma_start3A_38] : memref<10240x128xf32, #tpu.memory_space<vmem_shared>> -> memref<128x128xf32, #tpu.memory_space<vmem_shared>>
    tpu.enqueue_dma source(%arg9 : memref<128x128xf32, #tpu.memory_space<vmem>>) target(%dma_start3A_39 : memref<128x128xf32, #tpu.memory_space<vmem_shared>>) target_semaphore(%arg14 : memref<!tpu.dma_semaphore, #tpu.memory_space<semaphore_mem>>)
    %add3A_40 = arith.constant 0 : i32
    %add3A_41 = arith.addi %mul3A_2, %add3A_40 : i32
    %dma_wait3A = arith.constant 0 : i32
    %dma_wait3A_42 = tpu.memref_slice %arg11[%add3A_41, %dma_wait3A] : memref<10240x128xf32, #tpu.memory_space<vmem_shared>> -> memref<128x128xf32, #tpu.memory_space<vmem_shared>>
    %dma_wait3A_43 = arith.constant 0 : i32
    %dma_wait3A_44 = tpu.memref_slice %arg11[%add3A_41, %dma_wait3A_43] : memref<10240x128xf32, #tpu.memory_space<vmem_shared>> -> memref<128x128xf32, #tpu.memory_space<vmem_shared>>
    tpu.wait_dma2 semaphore(%arg14 : memref<!tpu.dma_semaphore, #tpu.memory_space<semaphore_mem>>) src(%arg9 : memref<128x128xf32, #tpu.memory_space<vmem>>) dst(%dma_wait3A_44 : memref<128x128xf32, #tpu.memory_space<vmem_shared>>)
    %add3A_45 = arith.constant 128 : i32
    %add3A_46 = arith.addi %mul3A_2, %add3A_45 : i32
    %dma_wait3A_47 = arith.constant 0 : i32
    %dma_wait3A_48 = tpu.memref_slice %arg11[%add3A_46, %dma_wait3A_47] : memref<10240x128xf32, #tpu.memory_space<vmem_shared>> -> memref<128x128xf32, #tpu.memory_space<vmem_shared>>
    %dma_wait3A_49 = arith.constant 0 : i32
    %dma_wait3A_50 = tpu.memref_slice %arg11[%add3A_46, %dma_wait3A_49] : memref<10240x128xf32, #tpu.memory_space<vmem_shared>> -> memref<128x128xf32, #tpu.memory_space<vmem_shared>>
    tpu.wait_dma2 semaphore(%arg14 : memref<!tpu.dma_semaphore, #tpu.memory_space<semaphore_mem>>) src(%arg9 : memref<128x128xf32, #tpu.memory_space<vmem>>) dst(%dma_wait3A_50 : memref<128x128xf32, #tpu.memory_space<vmem_shared>>)
    %add3A_51 = arith.constant 256 : i32
    %add3A_52 = arith.addi %mul3A_2, %add3A_51 : i32
    %dma_wait3A_53 = arith.constant 0 : i32
    %dma_wait3A_54 = tpu.memref_slice %arg11[%add3A_52, %dma_wait3A_53] : memref<10240x128xf32, #tpu.memory_space<vmem_shared>> -> memref<128x128xf32, #tpu.memory_space<vmem_shared>>
    %dma_wait3A_55 = arith.constant 0 : i32
    %dma_wait3A_56 = tpu.memref_slice %arg11[%add3A_52, %dma_wait3A_55] : memref<10240x128xf32, #tpu.memory_space<vmem_shared>> -> memref<128x128xf32, #tpu.memory_space<vmem_shared>>
    tpu.wait_dma2 semaphore(%arg14 : memref<!tpu.dma_semaphore, #tpu.memory_space<semaphore_mem>>) src(%arg9 : memref<128x128xf32, #tpu.memory_space<vmem>>) dst(%dma_wait3A_56 : memref<128x128xf32, #tpu.memory_space<vmem_shared>>)
    %add3A_57 = arith.constant 384 : i32
    %add3A_58 = arith.addi %mul3A_2, %add3A_57 : i32
    %dma_wait3A_59 = arith.constant 0 : i32
    %dma_wait3A_60 = tpu.memref_slice %arg11[%add3A_58, %dma_wait3A_59] : memref<10240x128xf32, #tpu.memory_space<vmem_shared>> -> memref<128x128xf32, #tpu.memory_space<vmem_shared>>
    %dma_wait3A_61 = arith.constant 0 : i32
    %dma_wait3A_62 = tpu.memref_slice %arg11[%add3A_58, %dma_wait3A_61] : memref<10240x128xf32, #tpu.memory_space<vmem_shared>> -> memref<128x128xf32, #tpu.memory_space<vmem_shared>>
    tpu.wait_dma2 semaphore(%arg14 : memref<!tpu.dma_semaphore, #tpu.memory_space<semaphore_mem>>) src(%arg9 : memref<128x128xf32, #tpu.memory_space<vmem>>) dst(%dma_wait3A_62 : memref<128x128xf32, #tpu.memory_space<vmem_shared>>)
    %add3A_63 = arith.constant 512 : i32
    %add3A_64 = arith.addi %mul3A_2, %add3A_63 : i32
    %dma_wait3A_65 = arith.constant 0 : i32
    %dma_wait3A_66 = tpu.memref_slice %arg11[%add3A_64, %dma_wait3A_65] : memref<10240x128xf32, #tpu.memory_space<vmem_shared>> -> memref<128x128xf32, #tpu.memory_space<vmem_shared>>
    %dma_wait3A_67 = arith.constant 0 : i32
    %dma_wait3A_68 = tpu.memref_slice %arg11[%add3A_64, %dma_wait3A_67] : memref<10240x128xf32, #tpu.memory_space<vmem_shared>> -> memref<128x128xf32, #tpu.memory_space<vmem_shared>>
    tpu.wait_dma2 semaphore(%arg14 : memref<!tpu.dma_semaphore, #tpu.memory_space<semaphore_mem>>) src(%arg9 : memref<128x128xf32, #tpu.memory_space<vmem>>) dst(%dma_wait3A_68 : memref<128x128xf32, #tpu.memory_space<vmem_shared>>)
    %mul3A_69 = arith.constant 9984 : i32
    %mul3A_70 = arith.muli %add3A, %mul3A_69 : i32
    %dma_wait3A_71 = tpu.memref_slice %arg2[%mul3A_70] : memref<320000xi32, #tpu.memory_space<hbm>> -> memref<9984xi32, #tpu.memory_space<hbm>>
    %dma_wait3A_72 = tpu.memref_slice %arg2[%mul3A_70] : memref<320000xi32, #tpu.memory_space<hbm>> -> memref<9984xi32, #tpu.memory_space<hbm>>
    tpu.wait_dma2 semaphore(%arg12 : memref<!tpu.dma_semaphore, #tpu.memory_space<semaphore_mem>>) src(%dma_wait3A_72 : memref<9984xi32, #tpu.memory_space<hbm>>) dst(%arg6 : memref<9984xi32, #tpu.memory_space<vmem>>)
    %barrier3A = arith.constant 0 : index
    tpu.barrier barrier_id(%barrier3A)
    %mul3A_73 = arith.constant 78 : i32
    %mul3A_74 = arith.muli %add3A, %mul3A_73 : i32
    %add3A_75 = arith.constant 0 : i32
    %add3A_76 = arith.addi %mul3A_74, %add3A_75 : i32
    %mul3A_77 = arith.constant 128 : i32
    %mul3A_78 = arith.muli %add3A_76, %mul3A_77 : i32
    %dma_start3A_79 = tpu.memref_slice %arg3[%mul3A_78] : memref<320000xi32, #tpu.memory_space<hbm>> -> memref<128xi32, #tpu.memory_space<hbm>>
    %dma_start3A_80 = tpu.memref_slice %arg3[%mul3A_78] : memref<320000xi32, #tpu.memory_space<hbm>> -> memref<128xi32, #tpu.memory_space<hbm>>
    tpu.enqueue_dma source(%dma_start3A_80 : memref<128xi32, #tpu.memory_space<hbm>>) target(%arg7 : memref<128xi32, #tpu.memory_space<vmem>>) target_semaphore(%arg12 : memref<!tpu.dma_semaphore, #tpu.memory_space<semaphore_mem>>)
    %mul3A_81 = arith.constant 78 : i32
    %mul3A_82 = arith.muli %add3A, %mul3A_81 : i32
    %add3A_83 = arith.constant 1 : i32
    %add3A_84 = arith.addi %mul3A_82, %add3A_83 : i32
    %mul3A_85 = arith.constant 128 : i32
    %mul3A_86 = arith.muli %add3A_84, %mul3A_85 : i32
    %dma_start3A_87 = tpu.memref_slice %arg3[%mul3A_86] : memref<320000xi32, #tpu.memory_space<hbm>> -> memref<128xi32, #tpu.memory_space<hbm>>
    %dma_start3A_88 = tpu.memref_slice %arg3[%mul3A_86] : memref<320000xi32, #tpu.memory_space<hbm>> -> memref<128xi32, #tpu.memory_space<hbm>>
    tpu.enqueue_dma source(%dma_start3A_88 : memref<128xi32, #tpu.memory_space<hbm>>) target(%arg8 : memref<128xi32, #tpu.memory_space<vmem>>) target_semaphore(%arg12 : memref<!tpu.dma_semaphore, #tpu.memory_space<semaphore_mem>>)
    %dma_start3A_89 = arith.constant 0 : i32
    %dma_start3A_90 = tpu.memref_slice %arg6[%dma_start3A_89] : memref<9984xi32, #tpu.memory_space<vmem>> -> memref<128xi32, #tpu.memory_space<vmem>>
    %dma_start3A_91 = arith.constant 0 : i32
    %dma_start3A_92 = arith.constant 0 : i32
    %dma_start3A_93 = tpu.memref_slice %arg4[%dma_start3A_91, %dma_start3A_92] : memref<10000x128xf32, #tpu.memory_space<hbm>> -> memref<10000x128xf32, #tpu.memory_space<hbm>>
    tpu.enqueue_indirect_dma source(%dma_start3A_93 : memref<10000x128xf32, #tpu.memory_space<hbm>>) target(%arg9 : memref<128x128xf32, #tpu.memory_space<vmem>>) offsets(%dma_start3A_90 : memref<128xi32, #tpu.memory_space<vmem>>) semaphore(%arg13 : memref<!tpu.dma_semaphore, #tpu.memory_space<semaphore_mem>>)
    %dma_start3A_94 = arith.constant 128 : i32
    %dma_start3A_95 = tpu.memref_slice %arg6[%dma_start3A_94] : memref<9984xi32, #tpu.memory_space<vmem>> -> memref<128xi32, #tpu.memory_space<vmem>>
    %dma_start3A_96 = arith.constant 0 : i32
    %dma_start3A_97 = arith.constant 0 : i32
    %dma_start3A_98 = tpu.memref_slice %arg4[%dma_start3A_96, %dma_start3A_97] : memref<10000x128xf32, #tpu.memory_space<hbm>> -> memref<10000x128xf32, #tpu.memory_space<hbm>>
    tpu.enqueue_indirect_dma source(%dma_start3A_98 : memref<10000x128xf32, #tpu.memory_space<hbm>>) target(%arg10 : memref<128x128xf32, #tpu.memory_space<vmem>>) offsets(%dma_start3A_95 : memref<128xi32, #tpu.memory_space<vmem>>) semaphore(%arg14 : memref<!tpu.dma_semaphore, #tpu.memory_space<semaphore_mem>>)
    %mul3A_99 = arith.constant 78 : i32
    %mul3A_100 = arith.muli %add3A, %mul3A_99 : i32
    %add3A_101 = arith.constant 0 : i32
    %add3A_102 = arith.addi %mul3A_100, %add3A_101 : i32
    %mul3A_103 = arith.constant 128 : i32
    %mul3A_104 = arith.muli %add3A_102, %mul3A_103 : i32
    %dma_wait3A_105 = tpu.memref_slice %arg3[%mul3A_104] : memref<320000xi32, #tpu.memory_space<hbm>> -> memref<128xi32, #tpu.memory_space<hbm>>
    %dma_wait3A_106 = tpu.memref_slice %arg3[%mul3A_104] : memref<320000xi32, #tpu.memory_space<hbm>> -> memref<128xi32, #tpu.memory_space<hbm>>
    tpu.wait_dma2 semaphore(%arg12 : memref<!tpu.dma_semaphore, #tpu.memory_space<semaphore_mem>>) src(%dma_wait3A_106 : memref<128xi32, #tpu.memory_space<hbm>>) dst(%arg7 : memref<128xi32, #tpu.memory_space<vmem>>)
    %mul3A_107 = arith.constant 78 : i32
    %mul3A_108 = arith.muli %add3A, %mul3A_107 : i32
    %add3A_109 = arith.constant 1 : i32
    %add3A_110 = arith.addi %mul3A_108, %add3A_109 : i32
    %mul3A_111 = arith.constant 128 : i32
    %mul3A_112 = arith.muli %add3A_110, %mul3A_111 : i32
    %dma_wait3A_113 = tpu.memref_slice %arg3[%mul3A_112] : memref<320000xi32, #tpu.memory_space<hbm>> -> memref<128xi32, #tpu.memory_space<hbm>>
    %dma_wait3A_114 = tpu.memref_slice %arg3[%mul3A_112] : memref<320000xi32, #tpu.memory_space<hbm>> -> memref<128xi32, #tpu.memory_space<hbm>>
    tpu.wait_dma2 semaphore(%arg12 : memref<!tpu.dma_semaphore, #tpu.memory_space<semaphore_mem>>) src(%dma_wait3A_114 : memref<128xi32, #tpu.memory_space<hbm>>) dst(%arg8 : memref<128xi32, #tpu.memory_space<vmem>>)
    %scan3A_115 = arith.constant 0 : i32
    %scan3A_116 = arith.constant 38 : i32
    %scan3A_117 = arith.addi %scan3A_115, %scan3A_116 : i32
    %scan3A_118 = arith.constant 1 : i32
    scf.for %scan3A_203 = %scan3A_115 to %scan3A_117 step %scan3A_118  : i32 {
      %mul3A_204 = arith.constant 1 : i32
      %mul3A_205 = arith.muli %scan3A_203, %mul3A_204 : i32
      %add3A_206 = arith.constant 0 : i32
      %add3A_207 = arith.addi %add3A_206, %mul3A_205 : i32
      %mul3A_208 = arith.constant 2 : i32
      %mul3A_209 = arith.muli %mul3A_208, %add3A_207 : i32
      %mul3A_210 = arith.constant 128 : i32
      %mul3A_211 = arith.muli %mul3A_209, %mul3A_210 : i32
      %dma_wait3A_212 = tpu.memref_slice %arg6[%mul3A_211] : memref<9984xi32, #tpu.memory_space<vmem>> -> memref<128xi32, #tpu.memory_space<vmem>>
      %dma_wait3A_213 = arith.constant 0 : i32
      %dma_wait3A_214 = arith.constant 0 : i32
      %dma_wait3A_215 = tpu.memref_slice %arg4[%dma_wait3A_213, %dma_wait3A_214] : memref<10000x128xf32, #tpu.memory_space<hbm>> -> memref<10000x128xf32, #tpu.memory_space<hbm>>
      tpu.wait_indirect_dma semaphore(%arg13 : memref<!tpu.dma_semaphore, #tpu.memory_space<semaphore_mem>>) src(%dma_wait3A_215 : memref<10000x128xf32, #tpu.memory_space<hbm>>) dst(%arg9 : memref<128x128xf32, #tpu.memory_space<vmem>>)
      "tpu.region"() ({
        %run_scoped3A = tpu.sem_alloc : memref<!tpu.dma_semaphore, #tpu.memory_space<semaphore_mem>>
        %dma_start3A_276 = arith.constant 0 : i32
        %dma_start3A_277 = arith.constant 0 : i32
        %dma_start3A_278 = tpu.memref_slice %arg11[%dma_start3A_276, %dma_start3A_277] : memref<10240x128xf32, #tpu.memory_space<vmem_shared>> -> memref<10240x128xf32, #tpu.memory_space<vmem_shared>>
        tpu.enqueue_indirect_dma source(%arg9 : memref<128x128xf32, #tpu.memory_space<vmem>>) target(%dma_start3A_278 : memref<10240x128xf32, #tpu.memory_space<vmem_shared>>) offsets(%arg7 : memref<128xi32, #tpu.memory_space<vmem>>) semaphore(%run_scoped3A : memref<!tpu.dma_semaphore, #tpu.memory_space<semaphore_mem>>) {add = true}
        %dma_wait3A_279 = arith.constant 0 : i32
        %dma_wait3A_280 = arith.constant 0 : i32
        %dma_wait3A_281 = tpu.memref_slice %arg11[%dma_wait3A_279, %dma_wait3A_280] : memref<10240x128xf32, #tpu.memory_space<vmem_shared>> -> memref<10240x128xf32, #tpu.memory_space<vmem_shared>>
        tpu.wait_indirect_dma semaphore(%run_scoped3A : memref<!tpu.dma_semaphore, #tpu.memory_space<semaphore_mem>>) src(%arg9 : memref<128x128xf32, #tpu.memory_space<vmem>>) dst(%dma_wait3A_281 : memref<10240x128xf32, #tpu.memory_space<vmem_shared>>)
        tpu.yield
      }) : () -> ()
      %add3A_216 = arith.constant 2 : i32
      %add3A_217 = arith.addi %mul3A_209, %add3A_216 : i32
      %mul3A_218 = arith.constant 78 : i32
      %mul3A_219 = arith.muli %add3A, %mul3A_218 : i32
      %add3A_220 = arith.addi %mul3A_219, %add3A_217 : i32
      %mul3A_221 = arith.constant 128 : i32
      %mul3A_222 = arith.muli %add3A_220, %mul3A_221 : i32
      %dma_start3A_223 = tpu.memref_slice %arg3[%mul3A_222] : memref<320000xi32, #tpu.memory_space<hbm>> -> memref<128xi32, #tpu.memory_space<hbm>>
      %dma_start3A_224 = tpu.memref_slice %arg3[%mul3A_222] : memref<320000xi32, #tpu.memory_space<hbm>> -> memref<128xi32, #tpu.memory_space<hbm>>
      tpu.enqueue_dma source(%dma_start3A_224 : memref<128xi32, #tpu.memory_space<hbm>>) target(%arg7 : memref<128xi32, #tpu.memory_space<vmem>>) target_semaphore(%arg12 : memref<!tpu.dma_semaphore, #tpu.memory_space<semaphore_mem>>)
      %add3A_225 = arith.constant 2 : i32
      %add3A_226 = arith.addi %mul3A_209, %add3A_225 : i32
      %mul3A_227 = arith.constant 128 : i32
      %mul3A_228 = arith.muli %add3A_226, %mul3A_227 : i32
      %dma_start3A_229 = tpu.memref_slice %arg6[%mul3A_228] : memref<9984xi32, #tpu.memory_space<vmem>> -> memref<128xi32, #tpu.memory_space<vmem>>
      %dma_start3A_230 = arith.constant 0 : i32
      %dma_start3A_231 = arith.constant 0 : i32
      %dma_start3A_232 = tpu.memref_slice %arg4[%dma_start3A_230, %dma_start3A_231] : memref<10000x128xf32, #tpu.memory_space<hbm>> -> memref<10000x128xf32, #tpu.memory_space<hbm>>
      tpu.enqueue_indirect_dma source(%dma_start3A_232 : memref<10000x128xf32, #tpu.memory_space<hbm>>) target(%arg9 : memref<128x128xf32, #tpu.memory_space<vmem>>) offsets(%dma_start3A_229 : memref<128xi32, #tpu.memory_space<vmem>>) semaphore(%arg13 : memref<!tpu.dma_semaphore, #tpu.memory_space<semaphore_mem>>)
      %add3A_233 = arith.constant 1 : i32
      %add3A_234 = arith.addi %mul3A_209, %add3A_233 : i32
      %mul3A_235 = arith.constant 128 : i32
      %mul3A_236 = arith.muli %add3A_234, %mul3A_235 : i32
      %dma_wait3A_237 = tpu.memref_slice %arg6[%mul3A_236] : memref<9984xi32, #tpu.memory_space<vmem>> -> memref<128xi32, #tpu.memory_space<vmem>>
      %dma_wait3A_238 = arith.constant 0 : i32
      %dma_wait3A_239 = arith.constant 0 : i32
      %dma_wait3A_240 = tpu.memref_slice %arg4[%dma_wait3A_238, %dma_wait3A_239] : memref<10000x128xf32, #tpu.memory_space<hbm>> -> memref<10000x128xf32, #tpu.memory_space<hbm>>
      tpu.wait_indirect_dma semaphore(%arg14 : memref<!tpu.dma_semaphore, #tpu.memory_space<semaphore_mem>>) src(%dma_wait3A_240 : memref<10000x128xf32, #tpu.memory_space<hbm>>) dst(%arg10 : memref<128x128xf32, #tpu.memory_space<vmem>>)
      "tpu.region"() ({
        %run_scoped3A = tpu.sem_alloc : memref<!tpu.dma_semaphore, #tpu.memory_space<semaphore_mem>>
        %dma_start3A_276 = arith.constant 0 : i32
        %dma_start3A_277 = arith.constant 0 : i32
        %dma_start3A_278 = tpu.memref_slice %arg11[%dma_start3A_276, %dma_start3A_277] : memref<10240x128xf32, #tpu.memory_space<vmem_shared>> -> memref<10240x128xf32, #tpu.memory_space<vmem_shared>>
        tpu.enqueue_indirect_dma source(%arg10 : memref<128x128xf32, #tpu.memory_space<vmem>>) target(%dma_start3A_278 : memref<10240x128xf32, #tpu.memory_space<vmem_shared>>) offsets(%arg8 : memref<128xi32, #tpu.memory_space<vmem>>) semaphore(%run_scoped3A : memref<!tpu.dma_semaphore, #tpu.memory_space<semaphore_mem>>) {add = true}
        %dma_wait3A_279 = arith.constant 0 : i32
        %dma_wait3A_280 = arith.constant 0 : i32
        %dma_wait3A_281 = tpu.memref_slice %arg11[%dma_wait3A_279, %dma_wait3A_280] : memref<10240x128xf32, #tpu.memory_space<vmem_shared>> -> memref<10240x128xf32, #tpu.memory_space<vmem_shared>>
        tpu.wait_indirect_dma semaphore(%run_scoped3A : memref<!tpu.dma_semaphore, #tpu.memory_space<semaphore_mem>>) src(%arg10 : memref<128x128xf32, #tpu.memory_space<vmem>>) dst(%dma_wait3A_281 : memref<10240x128xf32, #tpu.memory_space<vmem_shared>>)
        tpu.yield
      }) : () -> ()
      %add3A_241 = arith.constant 3 : i32
      %add3A_242 = arith.addi %mul3A_209, %add3A_241 : i32
      %mul3A_243 = arith.constant 78 : i32
      %mul3A_244 = arith.muli %add3A, %mul3A_243 : i32
      %add3A_245 = arith.addi %mul3A_244, %add3A_242 : i32
      %mul3A_246 = arith.constant 128 : i32
      %mul3A_247 = arith.muli %add3A_245, %mul3A_246 : i32
      %dma_start3A_248 = tpu.memref_slice %arg3[%mul3A_247] : memref<320000xi32, #tpu.memory_space<hbm>> -> memref<128xi32, #tpu.memory_space<hbm>>
      %dma_start3A_249 = tpu.memref_slice %arg3[%mul3A_247] : memref<320000xi32, #tpu.memory_space<hbm>> -> memref<128xi32, #tpu.memory_space<hbm>>
      tpu.enqueue_dma source(%dma_start3A_249 : memref<128xi32, #tpu.memory_space<hbm>>) target(%arg8 : memref<128xi32, #tpu.memory_space<vmem>>) target_semaphore(%arg12 : memref<!tpu.dma_semaphore, #tpu.memory_space<semaphore_mem>>)
      %add3A_250 = arith.constant 3 : i32
      %add3A_251 = arith.addi %mul3A_209, %add3A_250 : i32
      %mul3A_252 = arith.constant 128 : i32
      %mul3A_253 = arith.muli %add3A_251, %mul3A_252 : i32
      %dma_start3A_254 = tpu.memref_slice %arg6[%mul3A_253] : memref<9984xi32, #tpu.memory_space<vmem>> -> memref<128xi32, #tpu.memory_space<vmem>>
      %dma_start3A_255 = arith.constant 0 : i32
      %dma_start3A_256 = arith.constant 0 : i32
      %dma_start3A_257 = tpu.memref_slice %arg4[%dma_start3A_255, %dma_start3A_256] : memref<10000x128xf32, #tpu.memory_space<hbm>> -> memref<10000x128xf32, #tpu.memory_space<hbm>>
      tpu.enqueue_indirect_dma source(%dma_start3A_257 : memref<10000x128xf32, #tpu.memory_space<hbm>>) target(%arg10 : memref<128x128xf32, #tpu.memory_space<vmem>>) offsets(%dma_start3A_254 : memref<128xi32, #tpu.memory_space<vmem>>) semaphore(%arg14 : memref<!tpu.dma_semaphore, #tpu.memory_space<semaphore_mem>>)
      %add3A_258 = arith.constant 2 : i32
      %add3A_259 = arith.addi %mul3A_209, %add3A_258 : i32
      %mul3A_260 = arith.constant 78 : i32
      %mul3A_261 = arith.muli %add3A, %mul3A_260 : i32
      %add3A_262 = arith.addi %mul3A_261, %add3A_259 : i32
      %mul3A_263 = arith.constant 128 : i32
      %mul3A_264 = arith.muli %add3A_262, %mul3A_263 : i32
      %dma_wait3A_265 = tpu.memref_slice %arg3[%mul3A_264] : memref<320000xi32, #tpu.memory_space<hbm>> -> memref<128xi32, #tpu.memory_space<hbm>>
      %dma_wait3A_266 = tpu.memref_slice %arg3[%mul3A_264] : memref<320000xi32, #tpu.memory_space<hbm>> -> memref<128xi32, #tpu.memory_space<hbm>>
      tpu.wait_dma2 semaphore(%arg12 : memref<!tpu.dma_semaphore, #tpu.memory_space<semaphore_mem>>) src(%dma_wait3A_266 : memref<128xi32, #tpu.memory_space<hbm>>) dst(%arg7 : memref<128xi32, #tpu.memory_space<vmem>>)
      %add3A_267 = arith.constant 3 : i32
      %add3A_268 = arith.addi %mul3A_209, %add3A_267 : i32
      %mul3A_269 = arith.constant 78 : i32
      %mul3A_270 = arith.muli %add3A, %mul3A_269 : i32
      %add3A_271 = arith.addi %mul3A_270, %add3A_268 : i32
      %mul3A_272 = arith.constant 128 : i32
      %mul3A_273 = arith.muli %add3A_271, %mul3A_272 : i32
      %dma_wait3A_274 = tpu.memref_slice %arg3[%mul3A_273] : memref<320000xi32, #tpu.memory_space<hbm>> -> memref<128xi32, #tpu.memory_space<hbm>>
      %dma_wait3A_275 = tpu.memref_slice %arg3[%mul3A_273] : memref<320000xi32, #tpu.memory_space<hbm>> -> memref<128xi32, #tpu.memory_space<hbm>>
      tpu.wait_dma2 semaphore(%arg12 : memref<!tpu.dma_semaphore, #tpu.memory_space<semaphore_mem>>) src(%dma_wait3A_275 : memref<128xi32, #tpu.memory_space<hbm>>) dst(%arg8 : memref<128xi32, #tpu.memory_space<vmem>>)
    }
    %scan3A_119 = arith.constant 38 : i32
    %dma_wait3A_120 = arith.constant 9728 : i32
    %dma_wait3A_121 = tpu.memref_slice %arg6[%dma_wait3A_120] : memref<9984xi32, #tpu.memory_space<vmem>> -> memref<128xi32, #tpu.memory_space<vmem>>
    %dma_wait3A_122 = arith.constant 0 : i32
    %dma_wait3A_123 = arith.constant 0 : i32
    %dma_wait3A_124 = tpu.memref_slice %arg4[%dma_wait3A_122, %dma_wait3A_123] : memref<10000x128xf32, #tpu.memory_space<hbm>> -> memref<10000x128xf32, #tpu.memory_space<hbm>>
    tpu.wait_indirect_dma semaphore(%arg13 : memref<!tpu.dma_semaphore, #tpu.memory_space<semaphore_mem>>) src(%dma_wait3A_124 : memref<10000x128xf32, #tpu.memory_space<hbm>>) dst(%arg9 : memref<128x128xf32, #tpu.memory_space<vmem>>)
    "tpu.region"() ({
      %run_scoped3A = tpu.sem_alloc : memref<!tpu.dma_semaphore, #tpu.memory_space<semaphore_mem>>
      %dma_start3A_203 = arith.constant 0 : i32
      %dma_start3A_204 = arith.constant 0 : i32
      %dma_start3A_205 = tpu.memref_slice %arg11[%dma_start3A_203, %dma_start3A_204] : memref<10240x128xf32, #tpu.memory_space<vmem_shared>> -> memref<10240x128xf32, #tpu.memory_space<vmem_shared>>
      tpu.enqueue_indirect_dma source(%arg9 : memref<128x128xf32, #tpu.memory_space<vmem>>) target(%dma_start3A_205 : memref<10240x128xf32, #tpu.memory_space<vmem_shared>>) offsets(%arg7 : memref<128xi32, #tpu.memory_space<vmem>>) semaphore(%run_scoped3A : memref<!tpu.dma_semaphore, #tpu.memory_space<semaphore_mem>>) {add = true}
      %dma_wait3A_206 = arith.constant 0 : i32
      %dma_wait3A_207 = arith.constant 0 : i32
      %dma_wait3A_208 = tpu.memref_slice %arg11[%dma_wait3A_206, %dma_wait3A_207] : memref<10240x128xf32, #tpu.memory_space<vmem_shared>> -> memref<10240x128xf32, #tpu.memory_space<vmem_shared>>
      tpu.wait_indirect_dma semaphore(%run_scoped3A : memref<!tpu.dma_semaphore, #tpu.memory_space<semaphore_mem>>) src(%arg9 : memref<128x128xf32, #tpu.memory_space<vmem>>) dst(%dma_wait3A_208 : memref<10240x128xf32, #tpu.memory_space<vmem_shared>>)
      tpu.yield
    }) : () -> ()
    %dma_wait3A_125 = arith.constant 9856 : i32
    %dma_wait3A_126 = tpu.memref_slice %arg6[%dma_wait3A_125] : memref<9984xi32, #tpu.memory_space<vmem>> -> memref<128xi32, #tpu.memory_space<vmem>>
    %dma_wait3A_127 = arith.constant 0 : i32
    %dma_wait3A_128 = arith.constant 0 : i32
    %dma_wait3A_129 = tpu.memref_slice %arg4[%dma_wait3A_127, %dma_wait3A_128] : memref<10000x128xf32, #tpu.memory_space<hbm>> -> memref<10000x128xf32, #tpu.memory_space<hbm>>
    tpu.wait_indirect_dma semaphore(%arg14 : memref<!tpu.dma_semaphore, #tpu.memory_space<semaphore_mem>>) src(%dma_wait3A_129 : memref<10000x128xf32, #tpu.memory_space<hbm>>) dst(%arg10 : memref<128x128xf32, #tpu.memory_space<vmem>>)
    "tpu.region"() ({
      %run_scoped3A = tpu.sem_alloc : memref<!tpu.dma_semaphore, #tpu.memory_space<semaphore_mem>>
      %dma_start3A_203 = arith.constant 0 : i32
      %dma_start3A_204 = arith.constant 0 : i32
      %dma_start3A_205 = tpu.memref_slice %arg11[%dma_start3A_203, %dma_start3A_204] : memref<10240x128xf32, #tpu.memory_space<vmem_shared>> -> memref<10240x128xf32, #tpu.memory_space<vmem_shared>>
      tpu.enqueue_indirect_dma source(%arg10 : memref<128x128xf32, #tpu.memory_space<vmem>>) target(%dma_start3A_205 : memref<10240x128xf32, #tpu.memory_space<vmem_shared>>) offsets(%arg8 : memref<128xi32, #tpu.memory_space<vmem>>) semaphore(%run_scoped3A : memref<!tpu.dma_semaphore, #tpu.memory_space<semaphore_mem>>) {add = true}
      %dma_wait3A_206 = arith.constant 0 : i32
      %dma_wait3A_207 = arith.constant 0 : i32
      %dma_wait3A_208 = tpu.memref_slice %arg11[%dma_wait3A_206, %dma_wait3A_207] : memref<10240x128xf32, #tpu.memory_space<vmem_shared>> -> memref<10240x128xf32, #tpu.memory_space<vmem_shared>>
      tpu.wait_indirect_dma semaphore(%run_scoped3A : memref<!tpu.dma_semaphore, #tpu.memory_space<semaphore_mem>>) src(%arg10 : memref<128x128xf32, #tpu.memory_space<vmem>>) dst(%dma_wait3A_208 : memref<10240x128xf32, #tpu.memory_space<vmem_shared>>)
      tpu.yield
    }) : () -> ()
    %lt3A = arith.constant 4 : i32
    %lt3A_130 = arith.cmpi slt, %add3A, %lt3A : i32
    %convert_element_type3A = arith.extui %lt3A_130 : i1 to i32
    %cond3A = arith.constant 0 : i32
    %cond3A_131 = arith.cmpi ne, %convert_element_type3A, %cond3A : i32
    scf.if %cond3A_131 {
      %add3A_203 = arith.constant 2496 : i32
      %add3A_204 = arith.addi %add3A_203, %add3A : i32
      %mul3A_205 = arith.constant 128 : i32
      %mul3A_206 = arith.muli %add3A_204, %mul3A_205 : i32
      "tpu.region"() ({
        %run_scoped3A = tpu.sem_alloc : memref<!tpu.dma_semaphore, #tpu.memory_space<semaphore_mem>>
        %dma_start3A_207 = arith.constant 0 : i32
        %dma_start3A_208 = tpu.memref_slice %arg6[%dma_start3A_207] : memref<9984xi32, #tpu.memory_space<vmem>> -> memref<128xi32, #tpu.memory_space<vmem>>
        %dma_start3A_209 = tpu.memref_slice %arg2[%mul3A_206] : memref<320000xi32, #tpu.memory_space<hbm>> -> memref<128xi32, #tpu.memory_space<hbm>>
        %dma_start3A_210 = arith.constant 0 : i32
        %dma_start3A_211 = tpu.memref_slice %arg6[%dma_start3A_210] : memref<9984xi32, #tpu.memory_space<vmem>> -> memref<128xi32, #tpu.memory_space<vmem>>
        %dma_start3A_212 = tpu.memref_slice %arg2[%mul3A_206] : memref<320000xi32, #tpu.memory_space<hbm>> -> memref<128xi32, #tpu.memory_space<hbm>>
        tpu.enqueue_dma source(%dma_start3A_212 : memref<128xi32, #tpu.memory_space<hbm>>) target(%dma_start3A_211 : memref<128xi32, #tpu.memory_space<vmem>>) target_semaphore(%run_scoped3A : memref<!tpu.dma_semaphore, #tpu.memory_space<semaphore_mem>>)
        %dma_wait3A_213 = arith.constant 0 : i32
        %dma_wait3A_214 = tpu.memref_slice %arg6[%dma_wait3A_213] : memref<9984xi32, #tpu.memory_space<vmem>> -> memref<128xi32, #tpu.memory_space<vmem>>
        %dma_wait3A_215 = tpu.memref_slice %arg2[%mul3A_206] : memref<320000xi32, #tpu.memory_space<hbm>> -> memref<128xi32, #tpu.memory_space<hbm>>
        %dma_wait3A_216 = arith.constant 0 : i32
        %dma_wait3A_217 = tpu.memref_slice %arg6[%dma_wait3A_216] : memref<9984xi32, #tpu.memory_space<vmem>> -> memref<128xi32, #tpu.memory_space<vmem>>
        %dma_wait3A_218 = tpu.memref_slice %arg2[%mul3A_206] : memref<320000xi32, #tpu.memory_space<hbm>> -> memref<128xi32, #tpu.memory_space<hbm>>
        tpu.wait_dma2 semaphore(%run_scoped3A : memref<!tpu.dma_semaphore, #tpu.memory_space<semaphore_mem>>) src(%dma_wait3A_218 : memref<128xi32, #tpu.memory_space<hbm>>) dst(%dma_wait3A_217 : memref<128xi32, #tpu.memory_space<vmem>>)
        tpu.yield
      }) : () -> ()
      "tpu.region"() ({
        %run_scoped3A = tpu.sem_alloc : memref<!tpu.dma_semaphore, #tpu.memory_space<semaphore_mem>>
        %dma_start3A_207 = tpu.memref_slice %arg3[%mul3A_206] : memref<320000xi32, #tpu.memory_space<hbm>> -> memref<128xi32, #tpu.memory_space<hbm>>
        %dma_start3A_208 = tpu.memref_slice %arg3[%mul3A_206] : memref<320000xi32, #tpu.memory_space<hbm>> -> memref<128xi32, #tpu.memory_space<hbm>>
        tpu.enqueue_dma source(%dma_start3A_208 : memref<128xi32, #tpu.memory_space<hbm>>) target(%arg7 : memref<128xi32, #tpu.memory_space<vmem>>) target_semaphore(%run_scoped3A : memref<!tpu.dma_semaphore, #tpu.memory_space<semaphore_mem>>)
        %dma_wait3A_209 = tpu.memref_slice %arg3[%mul3A_206] : memref<320000xi32, #tpu.memory_space<hbm>> -> memref<128xi32, #tpu.memory_space<hbm>>
        %dma_wait3A_210 = tpu.memref_slice %arg3[%mul3A_206] : memref<320000xi32, #tpu.memory_space<hbm>> -> memref<128xi32, #tpu.memory_space<hbm>>
        tpu.wait_dma2 semaphore(%run_scoped3A : memref<!tpu.dma_semaphore, #tpu.memory_space<semaphore_mem>>) src(%dma_wait3A_210 : memref<128xi32, #tpu.memory_space<hbm>>) dst(%arg7 : memref<128xi32, #tpu.memory_space<vmem>>)
        tpu.yield
      }) : () -> ()
      "tpu.region"() ({
        %run_scoped3A = tpu.sem_alloc : memref<!tpu.dma_semaphore, #tpu.memory_space<semaphore_mem>>
        %dma_start3A_207 = arith.constant 0 : i32
        %dma_start3A_208 = tpu.memref_slice %arg6[%dma_start3A_207] : memref<9984xi32, #tpu.memory_space<vmem>> -> memref<128xi32, #tpu.memory_space<vmem>>
        %dma_start3A_209 = arith.constant 0 : i32
        %dma_start3A_210 = arith.constant 0 : i32
        %dma_start3A_211 = tpu.memref_slice %arg4[%dma_start3A_209, %dma_start3A_210] : memref<10000x128xf32, #tpu.memory_space<hbm>> -> memref<10000x128xf32, #tpu.memory_space<hbm>>
        tpu.enqueue_indirect_dma source(%dma_start3A_211 : memref<10000x128xf32, #tpu.memory_space<hbm>>) target(%arg9 : memref<128x128xf32, #tpu.memory_space<vmem>>) offsets(%dma_start3A_208 : memref<128xi32, #tpu.memory_space<vmem>>) semaphore(%run_scoped3A : memref<!tpu.dma_semaphore, #tpu.memory_space<semaphore_mem>>)
        %dma_wait3A_212 = arith.constant 0 : i32
        %dma_wait3A_213 = tpu.memref_slice %arg6[%dma_wait3A_212] : memref<9984xi32, #tpu.memory_space<vmem>> -> memref<128xi32, #tpu.memory_space<vmem>>
        %dma_wait3A_214 = arith.constant 0 : i32
        %dma_wait3A_215 = arith.constant 0 : i32
        %dma_wait3A_216 = tpu.memref_slice %arg4[%dma_wait3A_214, %dma_wait3A_215] : memref<10000x128xf32, #tpu.memory_space<hbm>> -> memref<10000x128xf32, #tpu.memory_space<hbm>>
        tpu.wait_indirect_dma semaphore(%run_scoped3A : memref<!tpu.dma_semaphore, #tpu.memory_space<semaphore_mem>>) src(%dma_wait3A_216 : memref<10000x128xf32, #tpu.memory_space<hbm>>) dst(%arg9 : memref<128x128xf32, #tpu.memory_space<vmem>>)
        tpu.yield
      }) : () -> ()
      "tpu.region"() ({
        %run_scoped3A = tpu.sem_alloc : memref<!tpu.dma_semaphore, #tpu.memory_space<semaphore_mem>>
        %dma_start3A_207 = arith.constant 0 : i32
        %dma_start3A_208 = arith.constant 0 : i32
        %dma_start3A_209 = tpu.memref_slice %arg11[%dma_start3A_207, %dma_start3A_208] : memref<10240x128xf32, #tpu.memory_space<vmem_shared>> -> memref<10240x128xf32, #tpu.memory_space<vmem_shared>>
        tpu.enqueue_indirect_dma source(%arg9 : memref<128x128xf32, #tpu.memory_space<vmem>>) target(%dma_start3A_209 : memref<10240x128xf32, #tpu.memory_space<vmem_shared>>) offsets(%arg7 : memref<128xi32, #tpu.memory_space<vmem>>) semaphore(%run_scoped3A : memref<!tpu.dma_semaphore, #tpu.memory_space<semaphore_mem>>) {add = true}
        %dma_wait3A_210 = arith.constant 0 : i32
        %dma_wait3A_211 = arith.constant 0 : i32
        %dma_wait3A_212 = tpu.memref_slice %arg11[%dma_wait3A_210, %dma_wait3A_211] : memref<10240x128xf32, #tpu.memory_space<vmem_shared>> -> memref<10240x128xf32, #tpu.memory_space<vmem_shared>>
        tpu.wait_indirect_dma semaphore(%run_scoped3A : memref<!tpu.dma_semaphore, #tpu.memory_space<semaphore_mem>>) src(%arg9 : memref<128x128xf32, #tpu.memory_space<vmem>>) dst(%dma_wait3A_212 : memref<10240x128xf32, #tpu.memory_space<vmem_shared>>)
        tpu.yield
      }) : () -> ()
    } else {
    }
    %barrier3A_132 = arith.constant 0 : index
    tpu.barrier barrier_id(%barrier3A_132)
    %add3A_133 = arith.constant 0 : i32
    %add3A_134 = arith.addi %mul3A_2, %add3A_133 : i32
    %dma_start3A_135 = arith.constant 0 : i32
    %dma_start3A_136 = tpu.memref_slice %arg5[%arg0, %add3A_134, %dma_start3A_135] : memref<2x10240x128xf32, #tpu.memory_space<hbm>> -> memref<1x128x128xf32, #tpu.memory_space<hbm>>
    %dma_start3A_137 = tpu.memref_squeeze %dma_start3A_136 : memref<1x128x128xf32, #tpu.memory_space<hbm>> -> memref<128x128xf32, #tpu.memory_space<hbm>>
    %dma_start3A_138 = arith.constant 0 : i32
    %dma_start3A_139 = tpu.memref_slice %arg11[%add3A_134, %dma_start3A_138] : memref<10240x128xf32, #tpu.memory_space<vmem_shared>> -> memref<128x128xf32, #tpu.memory_space<vmem_shared>>
    tpu.enqueue_dma source(%dma_start3A_139 : memref<128x128xf32, #tpu.memory_space<vmem_shared>>) target(%dma_start3A_137 : memref<128x128xf32, #tpu.memory_space<hbm>>) target_semaphore(%arg14 : memref<!tpu.dma_semaphore, #tpu.memory_space<semaphore_mem>>)
    %add3A_140 = arith.constant 128 : i32
    %add3A_141 = arith.addi %mul3A_2, %add3A_140 : i32
    %dma_start3A_142 = arith.constant 0 : i32
    %dma_start3A_143 = tpu.memref_slice %arg5[%arg0, %add3A_141, %dma_start3A_142] : memref<2x10240x128xf32, #tpu.memory_space<hbm>> -> memref<1x128x128xf32, #tpu.memory_space<hbm>>
    %dma_start3A_144 = tpu.memref_squeeze %dma_start3A_143 : memref<1x128x128xf32, #tpu.memory_space<hbm>> -> memref<128x128xf32, #tpu.memory_space<hbm>>
    %dma_start3A_145 = arith.constant 0 : i32
    %dma_start3A_146 = tpu.memref_slice %arg11[%add3A_141, %dma_start3A_145] : memref<10240x128xf32, #tpu.memory_space<vmem_shared>> -> memref<128x128xf32, #tpu.memory_space<vmem_shared>>
    tpu.enqueue_dma source(%dma_start3A_146 : memref<128x128xf32, #tpu.memory_space<vmem_shared>>) target(%dma_start3A_144 : memref<128x128xf32, #tpu.memory_space<hbm>>) target_semaphore(%arg14 : memref<!tpu.dma_semaphore, #tpu.memory_space<semaphore_mem>>)
    %add3A_147 = arith.constant 256 : i32
    %add3A_148 = arith.addi %mul3A_2, %add3A_147 : i32
    %dma_start3A_149 = arith.constant 0 : i32
    %dma_start3A_150 = tpu.memref_slice %arg5[%arg0, %add3A_148, %dma_start3A_149] : memref<2x10240x128xf32, #tpu.memory_space<hbm>> -> memref<1x128x128xf32, #tpu.memory_space<hbm>>
    %dma_start3A_151 = tpu.memref_squeeze %dma_start3A_150 : memref<1x128x128xf32, #tpu.memory_space<hbm>> -> memref<128x128xf32, #tpu.memory_space<hbm>>
    %dma_start3A_152 = arith.constant 0 : i32
    %dma_start3A_153 = tpu.memref_slice %arg11[%add3A_148, %dma_start3A_152] : memref<10240x128xf32, #tpu.memory_space<vmem_shared>> -> memref<128x128xf32, #tpu.memory_space<vmem_shared>>
    tpu.enqueue_dma source(%dma_start3A_153 : memref<128x128xf32, #tpu.memory_space<vmem_shared>>) target(%dma_start3A_151 : memref<128x128xf32, #tpu.memory_space<hbm>>) target_semaphore(%arg14 : memref<!tpu.dma_semaphore, #tpu.memory_space<semaphore_mem>>)
    %add3A_154 = arith.constant 384 : i32
    %add3A_155 = arith.addi %mul3A_2, %add3A_154 : i32
    %dma_start3A_156 = arith.constant 0 : i32
    %dma_start3A_157 = tpu.memref_slice %arg5[%arg0, %add3A_155, %dma_start3A_156] : memref<2x10240x128xf32, #tpu.memory_space<hbm>> -> memref<1x128x128xf32, #tpu.memory_space<hbm>>
    %dma_start3A_158 = tpu.memref_squeeze %dma_start3A_157 : memref<1x128x128xf32, #tpu.memory_space<hbm>> -> memref<128x128xf32, #tpu.memory_space<hbm>>
    %dma_start3A_159 = arith.constant 0 : i32
    %dma_start3A_160 = tpu.memref_slice %arg11[%add3A_155, %dma_start3A_159] : memref<10240x128xf32, #tpu.memory_space<vmem_shared>> -> memref<128x128xf32, #tpu.memory_space<vmem_shared>>
    tpu.enqueue_dma source(%dma_start3A_160 : memref<128x128xf32, #tpu.memory_space<vmem_shared>>) target(%dma_start3A_158 : memref<128x128xf32, #tpu.memory_space<hbm>>) target_semaphore(%arg14 : memref<!tpu.dma_semaphore, #tpu.memory_space<semaphore_mem>>)
    %add3A_161 = arith.constant 512 : i32
    %add3A_162 = arith.addi %mul3A_2, %add3A_161 : i32
    %dma_start3A_163 = arith.constant 0 : i32
    %dma_start3A_164 = tpu.memref_slice %arg5[%arg0, %add3A_162, %dma_start3A_163] : memref<2x10240x128xf32, #tpu.memory_space<hbm>> -> memref<1x128x128xf32, #tpu.memory_space<hbm>>
    %dma_start3A_165 = tpu.memref_squeeze %dma_start3A_164 : memref<1x128x128xf32, #tpu.memory_space<hbm>> -> memref<128x128xf32, #tpu.memory_space<hbm>>
    %dma_start3A_166 = arith.constant 0 : i32
    %dma_start3A_167 = tpu.memref_slice %arg11[%add3A_162, %dma_start3A_166] : memref<10240x128xf32, #tpu.memory_space<vmem_shared>> -> memref<128x128xf32, #tpu.memory_space<vmem_shared>>
    tpu.enqueue_dma source(%dma_start3A_167 : memref<128x128xf32, #tpu.memory_space<vmem_shared>>) target(%dma_start3A_165 : memref<128x128xf32, #tpu.memory_space<hbm>>) target_semaphore(%arg14 : memref<!tpu.dma_semaphore, #tpu.memory_space<semaphore_mem>>)
    %add3A_168 = arith.constant 0 : i32
    %add3A_169 = arith.addi %mul3A_2, %add3A_168 : i32
    %dma_wait3A_170 = arith.constant 0 : i32
    %dma_wait3A_171 = tpu.memref_slice %arg5[%arg0, %add3A_169, %dma_wait3A_170] : memref<2x10240x128xf32, #tpu.memory_space<hbm>> -> memref<1x128x128xf32, #tpu.memory_space<hbm>>
    %dma_wait3A_172 = tpu.memref_squeeze %dma_wait3A_171 : memref<1x128x128xf32, #tpu.memory_space<hbm>> -> memref<128x128xf32, #tpu.memory_space<hbm>>
    %dma_wait3A_173 = arith.constant 0 : i32
    %dma_wait3A_174 = tpu.memref_slice %arg11[%add3A_169, %dma_wait3A_173] : memref<10240x128xf32, #tpu.memory_space<vmem_shared>> -> memref<128x128xf32, #tpu.memory_space<vmem_shared>>
    tpu.wait_dma2 semaphore(%arg14 : memref<!tpu.dma_semaphore, #tpu.memory_space<semaphore_mem>>) src(%dma_wait3A_174 : memref<128x128xf32, #tpu.memory_space<vmem_shared>>) dst(%dma_wait3A_172 : memref<128x128xf32, #tpu.memory_space<hbm>>)
    %add3A_175 = arith.constant 128 : i32
    %add3A_176 = arith.addi %mul3A_2, %add3A_175 : i32
    %dma_wait3A_177 = arith.constant 0 : i32
    %dma_wait3A_178 = tpu.memref_slice %arg5[%arg0, %add3A_176, %dma_wait3A_177] : memref<2x10240x128xf32, #tpu.memory_space<hbm>> -> memref<1x128x128xf32, #tpu.memory_space<hbm>>
    %dma_wait3A_179 = tpu.memref_squeeze %dma_wait3A_178 : memref<1x128x128xf32, #tpu.memory_space<hbm>> -> memref<128x128xf32, #tpu.memory_space<hbm>>
    %dma_wait3A_180 = arith.constant 0 : i32
    %dma_wait3A_181 = tpu.memref_slice %arg11[%add3A_176, %dma_wait3A_180] : memref<10240x128xf32, #tpu.memory_space<vmem_shared>> -> memref<128x128xf32, #tpu.memory_space<vmem_shared>>
    tpu.wait_dma2 semaphore(%arg14 : memref<!tpu.dma_semaphore, #tpu.memory_space<semaphore_mem>>) src(%dma_wait3A_181 : memref<128x128xf32, #tpu.memory_space<vmem_shared>>) dst(%dma_wait3A_179 : memref<128x128xf32, #tpu.memory_space<hbm>>)
    %add3A_182 = arith.constant 256 : i32
    %add3A_183 = arith.addi %mul3A_2, %add3A_182 : i32
    %dma_wait3A_184 = arith.constant 0 : i32
    %dma_wait3A_185 = tpu.memref_slice %arg5[%arg0, %add3A_183, %dma_wait3A_184] : memref<2x10240x128xf32, #tpu.memory_space<hbm>> -> memref<1x128x128xf32, #tpu.memory_space<hbm>>
    %dma_wait3A_186 = tpu.memref_squeeze %dma_wait3A_185 : memref<1x128x128xf32, #tpu.memory_space<hbm>> -> memref<128x128xf32, #tpu.memory_space<hbm>>
    %dma_wait3A_187 = arith.constant 0 : i32
    %dma_wait3A_188 = tpu.memref_slice %arg11[%add3A_183, %dma_wait3A_187] : memref<10240x128xf32, #tpu.memory_space<vmem_shared>> -> memref<128x128xf32, #tpu.memory_space<vmem_shared>>
    tpu.wait_dma2 semaphore(%arg14 : memref<!tpu.dma_semaphore, #tpu.memory_space<semaphore_mem>>) src(%dma_wait3A_188 : memref<128x128xf32, #tpu.memory_space<vmem_shared>>) dst(%dma_wait3A_186 : memref<128x128xf32, #tpu.memory_space<hbm>>)
    %add3A_189 = arith.constant 384 : i32
    %add3A_190 = arith.addi %mul3A_2, %add3A_189 : i32
    %dma_wait3A_191 = arith.constant 0 : i32
    %dma_wait3A_192 = tpu.memref_slice %arg5[%arg0, %add3A_190, %dma_wait3A_191] : memref<2x10240x128xf32, #tpu.memory_space<hbm>> -> memref<1x128x128xf32, #tpu.memory_space<hbm>>
    %dma_wait3A_193 = tpu.memref_squeeze %dma_wait3A_192 : memref<1x128x128xf32, #tpu.memory_space<hbm>> -> memref<128x128xf32, #tpu.memory_space<hbm>>
    %dma_wait3A_194 = arith.constant 0 : i32
    %dma_wait3A_195 = tpu.memref_slice %arg11[%add3A_190, %dma_wait3A_194] : memref<10240x128xf32, #tpu.memory_space<vmem_shared>> -> memref<128x128xf32, #tpu.memory_space<vmem_shared>>
    tpu.wait_dma2 semaphore(%arg14 : memref<!tpu.dma_semaphore, #tpu.memory_space<semaphore_mem>>) src(%dma_wait3A_195 : memref<128x128xf32, #tpu.memory_space<vmem_shared>>) dst(%dma_wait3A_193 : memref<128x128xf32, #tpu.memory_space<hbm>>)
    %add3A_196 = arith.constant 512 : i32
    %add3A_197 = arith.addi %mul3A_2, %add3A_196 : i32
    %dma_wait3A_198 = arith.constant 0 : i32
    %dma_wait3A_199 = tpu.memref_slice %arg5[%arg0, %add3A_197, %dma_wait3A_198] : memref<2x10240x128xf32, #tpu.memory_space<hbm>> -> memref<1x128x128xf32, #tpu.memory_space<hbm>>
    %dma_wait3A_200 = tpu.memref_squeeze %dma_wait3A_199 : memref<1x128x128xf32, #tpu.memory_space<hbm>> -> memref<128x128xf32, #tpu.memory_space<hbm>>
    %dma_wait3A_201 = arith.constant 0 : i32
    %dma_wait3A_202 = tpu.memref_slice %arg11[%add3A_197, %dma_wait3A_201] : memref<10240x128xf32, #tpu.memory_space<vmem_shared>> -> memref<128x128xf32, #tpu.memory_space<vmem_shared>>
    tpu.wait_dma2 semaphore(%arg14 : memref<!tpu.dma_semaphore, #tpu.memory_space<semaphore_mem>>) src(%dma_wait3A_202 : memref<128x128xf32, #tpu.memory_space<vmem_shared>>) dst(%dma_wait3A_200 : memref<128x128xf32, #tpu.memory_space<hbm>>)
    return
  }
}

module attributes {stable_mosaic.version = 14 : i64} {
  func.func @body(%arg0: i32, %arg1: memref<2x2000x128xf32, #tpu.memory_space<vmem>>, %arg2: memref<2000x128xf32, #tpu.memory_space<vmem>>, %arg3: memref<2000x128xf32, #tpu.memory_space<vmem>>, %arg4: memref<128x128xf32, #tpu.memory_space<vmem>>, %arg5: memref<1x128xf32, #tpu.memory_space<vmem>>, %arg6: memref<2000x128xf32, #tpu.memory_space<vmem>>) attributes {dimension_semantics = [#tpu.dimension_semantics<arbitrary>], iteration_bounds = array<i64: 5>, scalar_prefetch = 0 : i64, scratch_operands = 0 : i64, tpu.core_type = #tpu.core_type<tc>, window_params = [{transform_indices = @transform_0, window_bounds = array<i64: 2, 2000, 128>}, {transform_indices = @transform_1, window_bounds = array<i64: 2000, 128>}, {transform_indices = @transform_2, window_bounds = array<i64: 2000, 128>}, {pipeline_mode = #tpu.pipeline_mode<synchronous>, transform_indices = @transform_3, window_bounds = array<i64: 128, 128>}, {pipeline_mode = #tpu.pipeline_mode<synchronous>, transform_indices = @transform_4, window_bounds = array<i64: 1, 128>}, {transform_indices = @transform_5, window_bounds = array<i64: 2000, 128>}]} {
    %get3A = arith.constant 0 : index
    %get3A_0 = arith.constant 0 : index
    %get3A_1 = vector.load %arg3[%get3A, %get3A_0] : memref<2000x128xf32, #tpu.memory_space<vmem>>, vector<2000x128xf32>
    %get3A_2 = arith.constant 0 : index
    %get3A_3 = arith.constant 0 : index
    %get3A_4 = arith.constant 0 : index
    %get3A_5 = vector.load %arg1[%get3A_2, %get3A_3, %get3A_4] : memref<2x2000x128xf32, #tpu.memory_space<vmem>>, vector<1x2000x128xf32>
    %get3A_6 = vector.shape_cast %get3A_5 : vector<1x2000x128xf32> to vector<2000x128xf32>
    %get3A_7 = arith.constant 1 : index
    %get3A_8 = arith.constant 0 : index
    %get3A_9 = arith.constant 0 : index
    %get3A_10 = vector.load %arg1[%get3A_7, %get3A_8, %get3A_9] : memref<2x2000x128xf32, #tpu.memory_space<vmem>>, vector<1x2000x128xf32>
    %get3A_11 = vector.shape_cast %get3A_10 : vector<1x2000x128xf32> to vector<2000x128xf32>
    %add3A = arith.addf %get3A_6, %get3A_11 : vector<2000x128xf32>
    %get3A_12 = arith.constant 0 : index
    %get3A_13 = arith.constant 0 : index
    %get3A_14 = vector.load %arg2[%get3A_12, %get3A_13] : memref<2000x128xf32, #tpu.memory_space<vmem>>, vector<2000x128xf32>
    %add3A_15 = arith.addf %add3A, %get3A_14 : vector<2000x128xf32>
    %mul3A = arith.mulf %get3A_1, %add3A_15 : vector<2000x128xf32>
    %get3A_16 = arith.constant 0 : index
    %get3A_17 = arith.constant 0 : index
    %get3A_18 = vector.load %arg5[%get3A_16, %get3A_17] : memref<1x128xf32, #tpu.memory_space<vmem>>, vector<1x128xf32>
    %add3A_19 = vector.broadcast %get3A_18 : vector<1x128xf32> to vector<2000x128xf32>
    %add3A_20 = arith.addf %mul3A, %add3A_19 : vector<2000x128xf32>
    %tanh3A = math.tanh %add3A_20 : vector<2000x128xf32>
    %get3A_21 = arith.constant 0 : index
    %get3A_22 = arith.constant 0 : index
    %get3A_23 = vector.load %arg4[%get3A_21, %get3A_22] : memref<128x128xf32, #tpu.memory_space<vmem>>, vector<128x128xf32>
    %dot_general3A = arith.constant dense<0.000000e+00> : vector<2000x128xf32>
    %dot_general3A_24 = tpu.matmul %tanh3A, %get3A_23, %dot_general3A {dimension_numbers = #tpu.dot_dimension_numbers<[1], [0], [0], [1], [0, 0, 1, 1], [], []>, transpose_lhs_hint = false} : vector<2000x128xf32>, vector<128x128xf32>, vector<2000x128xf32> -> vector<2000x128xf32>
    %mul3A_25 = arith.mulf %get3A_1, %dot_general3A_24 : vector<2000x128xf32>
    %swap3A = arith.constant 0 : index
    %swap3A_26 = arith.constant 0 : index
    %swap3A_27 = vector.load %arg6[%swap3A, %swap3A_26] : memref<2000x128xf32, #tpu.memory_space<vmem>>, vector<2000x128xf32>
    tpu.vector_store %arg6[%swap3A, %swap3A_26], %mul3A_25 {strides = array<i32>} : memref<2000x128xf32, #tpu.memory_space<vmem>>, vector<2000x128xf32>,
    return
  }
  func.func @transform_0(%arg0: i32) -> (i32, i32, i32) {
    %c0_i32 = arith.constant 0 : i32
    %c0_i32_0 = arith.constant 0 : i32
    %c0_i32_1 = arith.constant 0 : i32
    return %c0_i32, %arg0, %c0_i32_0 : i32, i32, i32
  }
  func.func @transform_1(%arg0: i32) -> (i32, i32) {
    %c0_i32 = arith.constant 0 : i32
    %c0_i32_0 = arith.constant 0 : i32
    return %arg0, %c0_i32 : i32, i32
  }
  func.func @transform_2(%arg0: i32) -> (i32, i32) {
    %c0_i32 = arith.constant 0 : i32
    %c0_i32_0 = arith.constant 0 : i32
    return %arg0, %c0_i32 : i32, i32
  }
  func.func @transform_3(%arg0: i32) -> (i32, i32) {
    %c0_i32 = arith.constant 0 : i32
    %c0_i32_0 = arith.constant 0 : i32
    %c0_i32_1 = arith.constant 0 : i32
    return %c0_i32, %c0_i32_0 : i32, i32
  }
  func.func @transform_4(%arg0: i32) -> (i32, i32) {
    %c0_i32 = arith.constant 0 : i32
    %c0_i32_0 = arith.constant 0 : i32
    %c0_i32_1 = arith.constant 0 : i32
    return %c0_i32, %c0_i32_0 : i32, i32
  }
  func.func @transform_5(%arg0: i32) -> (i32, i32) {
    %c0_i32 = arith.constant 0 : i32
    %c0_i32_0 = arith.constant 0 : i32
    return %arg0, %c0_i32 : i32, i32
  }
}

module attributes {stable_mosaic.version = 14 : i64} {
  func.func @_tc1_body(%arg0: i32, %arg1: memref<2x2000x1xf32, #tpu.memory_space<vmem>>, %arg2: memref<2000x128xf32, #tpu.memory_space<vmem>>, %arg3: memref<128x128xf32, #tpu.memory_space<vmem>>, %arg4: memref<2000x128xf32, #tpu.memory_space<vmem>>, %arg5: memref<2000x128xf32, #tpu.memory_space<vmem>>) attributes {dimension_semantics = [#tpu.dimension_semantics<arbitrary>], iteration_bounds = array<i64: 5>, scalar_prefetch = 0 : i64, scratch_operands = 0 : i64, tpu.core_type = #tpu.core_type<tc>, window_params = [{transform_indices = @transform_0, window_bounds = array<i64: 2, 2000, 1>}, {transform_indices = @transform_1, window_bounds = array<i64: 2000, 128>}, {pipeline_mode = #tpu.pipeline_mode<synchronous>, transform_indices = @transform_2, window_bounds = array<i64: 128, 128>}, {transform_indices = @transform_3, window_bounds = array<i64: 2000, 128>}, {transform_indices = @transform_4, window_bounds = array<i64: 2000, 128>}]} {
    %get3A = arith.constant 0 : index
    %get3A_0 = arith.constant 0 : index
    %get3A_1 = arith.constant 0 : index
    %get3A_2 = vector.load %arg1[%get3A, %get3A_0, %get3A_1] : memref<2x2000x1xf32, #tpu.memory_space<vmem>>, vector<1x2000x1xf32>
    %get3A_3 = vector.shape_cast %get3A_2 : vector<1x2000x1xf32> to vector<2000x1xf32>
    %get3A_4 = arith.constant 1 : index
    %get3A_5 = arith.constant 0 : index
    %get3A_6 = arith.constant 0 : index
    %get3A_7 = vector.load %arg1[%get3A_4, %get3A_5, %get3A_6] : memref<2x2000x1xf32, #tpu.memory_space<vmem>>, vector<1x2000x1xf32>
    %get3A_8 = vector.shape_cast %get3A_7 : vector<1x2000x1xf32> to vector<2000x1xf32>
    %add3A = arith.addf %get3A_3, %get3A_8 : vector<2000x1xf32>
    %add3A_9 = arith.constant 1.000000e+00 : f32
    %add3A_10 = vector.broadcast %add3A_9 : f32 to vector<2000x1xf32>
    %add3A_11 = arith.addf %add3A, %add3A_10 : vector<2000x1xf32>
    %rsqrt3A = math.rsqrt %add3A_11 : vector<2000x1xf32>
    %broadcast_in_dim3A = vector.shape_cast %rsqrt3A : vector<2000x1xf32> to vector<2000x1xf32>
    %broadcast_in_dim3A_12 = vector.broadcast %broadcast_in_dim3A : vector<2000x1xf32> to vector<2000x128xf32>
    %get3A_13 = arith.constant 0 : index
    %get3A_14 = arith.constant 0 : index
    %get3A_15 = vector.load %arg2[%get3A_13, %get3A_14] : memref<2000x128xf32, #tpu.memory_space<vmem>>, vector<2000x128xf32>
    %get3A_16 = arith.constant 0 : index
    %get3A_17 = arith.constant 0 : index
    %get3A_18 = vector.load %arg3[%get3A_16, %get3A_17] : memref<128x128xf32, #tpu.memory_space<vmem>>, vector<128x128xf32>
    %dot_general3A = arith.constant dense<0.000000e+00> : vector<2000x128xf32>
    %dot_general3A_19 = tpu.matmul %get3A_15, %get3A_18, %dot_general3A {dimension_numbers = #tpu.dot_dimension_numbers<[1], [0], [0], [1], [0, 0, 1, 1], [], []>, transpose_lhs_hint = false} : vector<2000x128xf32>, vector<128x128xf32>, vector<2000x128xf32> -> vector<2000x128xf32>
    %mul3A = arith.mulf %broadcast_in_dim3A_12, %dot_general3A_19 : vector<2000x128xf32>
    %swap3A = arith.constant 0 : index
    %swap3A_20 = arith.constant 0 : index
    %swap3A_21 = vector.load %arg4[%swap3A, %swap3A_20] : memref<2000x128xf32, #tpu.memory_space<vmem>>, vector<2000x128xf32>
    tpu.vector_store %arg4[%swap3A, %swap3A_20], %mul3A {strides = array<i32>} : memref<2000x128xf32, #tpu.memory_space<vmem>>, vector<2000x128xf32>,
    %swap3A_22 = arith.constant 0 : index
    %swap3A_23 = arith.constant 0 : index
    %swap3A_24 = vector.load %arg5[%swap3A_22, %swap3A_23] : memref<2000x128xf32, #tpu.memory_space<vmem>>, vector<2000x128xf32>
    tpu.vector_store %arg5[%swap3A_22, %swap3A_23], %broadcast_in_dim3A_12 {strides = array<i32>} : memref<2000x128xf32, #tpu.memory_space<vmem>>, vector<2000x128xf32>,
    return
  }
  func.func @transform_0(%arg0: i32) -> (i32, i32, i32) {
    %c0_i32 = arith.constant 0 : i32
    %c0_i32_0 = arith.constant 0 : i32
    %c0_i32_1 = arith.constant 0 : i32
    return %c0_i32, %arg0, %c0_i32_0 : i32, i32, i32
  }
  func.func @transform_1(%arg0: i32) -> (i32, i32) {
    %c0_i32 = arith.constant 0 : i32
    %c0_i32_0 = arith.constant 0 : i32
    return %arg0, %c0_i32 : i32, i32
  }
  func.func @transform_2(%arg0: i32) -> (i32, i32) {
    %c0_i32 = arith.constant 0 : i32
    %c0_i32_0 = arith.constant 0 : i32
    %c0_i32_1 = arith.constant 0 : i32
    return %c0_i32, %c0_i32_0 : i32, i32
  }
  func.func @transform_3(%arg0: i32) -> (i32, i32) {
    %c0_i32 = arith.constant 0 : i32
    %c0_i32_0 = arith.constant 0 : i32
    return %arg0, %c0_i32 : i32, i32
  }
  func.func @transform_4(%arg0: i32) -> (i32, i32) {
    %c0_i32 = arith.constant 0 : i32
    %c0_i32_0 = arith.constant 0 : i32
    return %arg0, %c0_i32 : i32, i32
  }
}

module attributes {stable_mosaic.version = 14 : i64} {
  func.func @body(%arg0: i32, %arg1: memref<2x2000x128xf32, #tpu.memory_space<vmem>>, %arg2: memref<2000x128xf32, #tpu.memory_space<vmem>>, %arg3: memref<2000x128xf32, #tpu.memory_space<vmem>>, %arg4: memref<128x64xf32, #tpu.memory_space<vmem>>, %arg5: memref<1x128xf32, #tpu.memory_space<vmem>>, %arg6: memref<2000x128xf32, #tpu.memory_space<vmem>>) attributes {dimension_semantics = [#tpu.dimension_semantics<arbitrary>], iteration_bounds = array<i64: 5>, scalar_prefetch = 0 : i64, scratch_operands = 0 : i64, tpu.core_type = #tpu.core_type<tc>, window_params = [{transform_indices = @transform_0, window_bounds = array<i64: 2, 2000, 128>}, {transform_indices = @transform_1, window_bounds = array<i64: 2000, 128>}, {transform_indices = @transform_2, window_bounds = array<i64: 2000, 128>}, {pipeline_mode = #tpu.pipeline_mode<synchronous>, transform_indices = @transform_3, window_bounds = array<i64: 128, 64>}, {pipeline_mode = #tpu.pipeline_mode<synchronous>, transform_indices = @transform_4, window_bounds = array<i64: 1, 128>}, {transform_indices = @transform_5, window_bounds = array<i64: 2000, 128>}]} {
    %get3A = arith.constant 0 : index
    %get3A_0 = arith.constant 0 : index
    %get3A_1 = vector.load %arg3[%get3A, %get3A_0] : memref<2000x128xf32, #tpu.memory_space<vmem>>, vector<2000x128xf32>
    %get3A_2 = arith.constant 0 : index
    %get3A_3 = arith.constant 0 : index
    %get3A_4 = arith.constant 0 : index
    %get3A_5 = vector.load %arg1[%get3A_2, %get3A_3, %get3A_4] : memref<2x2000x128xf32, #tpu.memory_space<vmem>>, vector<1x2000x128xf32>
    %get3A_6 = vector.shape_cast %get3A_5 : vector<1x2000x128xf32> to vector<2000x128xf32>
    %get3A_7 = arith.constant 1 : index
    %get3A_8 = arith.constant 0 : index
    %get3A_9 = arith.constant 0 : index
    %get3A_10 = vector.load %arg1[%get3A_7, %get3A_8, %get3A_9] : memref<2x2000x128xf32, #tpu.memory_space<vmem>>, vector<1x2000x128xf32>
    %get3A_11 = vector.shape_cast %get3A_10 : vector<1x2000x128xf32> to vector<2000x128xf32>
    %add3A = arith.addf %get3A_6, %get3A_11 : vector<2000x128xf32>
    %get3A_12 = arith.constant 0 : index
    %get3A_13 = arith.constant 0 : index
    %get3A_14 = vector.load %arg2[%get3A_12, %get3A_13] : memref<2000x128xf32, #tpu.memory_space<vmem>>, vector<2000x128xf32>
    %add3A_15 = arith.addf %add3A, %get3A_14 : vector<2000x128xf32>
    %mul3A = arith.mulf %get3A_1, %add3A_15 : vector<2000x128xf32>
    %get3A_16 = arith.constant 0 : index
    %get3A_17 = arith.constant 0 : index
    %get3A_18 = vector.load %arg5[%get3A_16, %get3A_17] : memref<1x128xf32, #tpu.memory_space<vmem>>, vector<1x128xf32>
    %add3A_19 = vector.broadcast %get3A_18 : vector<1x128xf32> to vector<2000x128xf32>
    %add3A_20 = arith.addf %mul3A, %add3A_19 : vector<2000x128xf32>
    %tanh3A = math.tanh %add3A_20 : vector<2000x128xf32>
    %get3A_21 = arith.constant 0 : index
    %get3A_22 = arith.constant 0 : index
    %get3A_23 = vector.load %arg4[%get3A_21, %get3A_22] : memref<128x64xf32, #tpu.memory_space<vmem>>, vector<128x64xf32>
    %dot_general3A = arith.constant dense<0.000000e+00> : vector<2000x64xf32>
    %dot_general3A_24 = tpu.matmul %tanh3A, %get3A_23, %dot_general3A {dimension_numbers = #tpu.dot_dimension_numbers<[1], [0], [0], [1], [0, 0, 1, 1], [], []>, transpose_lhs_hint = false} : vector<2000x128xf32>, vector<128x64xf32>, vector<2000x64xf32> -> vector<2000x64xf32>
    %broadcast_in_dim3A = arith.constant 0.000000e+00 : f32
    %broadcast_in_dim3A_25 = vector.broadcast %broadcast_in_dim3A : f32 to vector<2000x64xf32>
    %concatenate3A = tpu.concatenate %dot_general3A_24, %broadcast_in_dim3A_25 in 1 : vector<2000x64xf32>, vector<2000x64xf32> -> vector<2000x128xf32>
    %mul3A_26 = arith.mulf %get3A_1, %concatenate3A : vector<2000x128xf32>
    %swap3A = arith.constant 0 : index
    %swap3A_27 = arith.constant 0 : index
    %swap3A_28 = vector.load %arg6[%swap3A, %swap3A_27] : memref<2000x128xf32, #tpu.memory_space<vmem>>, vector<2000x128xf32>
    tpu.vector_store %arg6[%swap3A, %swap3A_27], %mul3A_26 {strides = array<i32>} : memref<2000x128xf32, #tpu.memory_space<vmem>>, vector<2000x128xf32>,
    return
  }
  func.func @transform_0(%arg0: i32) -> (i32, i32, i32) {
    %c0_i32 = arith.constant 0 : i32
    %c0_i32_0 = arith.constant 0 : i32
    %c0_i32_1 = arith.constant 0 : i32
    return %c0_i32, %arg0, %c0_i32_0 : i32, i32, i32
  }
  func.func @transform_1(%arg0: i32) -> (i32, i32) {
    %c0_i32 = arith.constant 0 : i32
    %c0_i32_0 = arith.constant 0 : i32
    return %arg0, %c0_i32 : i32, i32
  }
  func.func @transform_2(%arg0: i32) -> (i32, i32) {
    %c0_i32 = arith.constant 0 : i32
    %c0_i32_0 = arith.constant 0 : i32
    return %arg0, %c0_i32 : i32, i32
  }
  func.func @transform_3(%arg0: i32) -> (i32, i32) {
    %c0_i32 = arith.constant 0 : i32
    %c0_i32_0 = arith.constant 0 : i32
    %c0_i32_1 = arith.constant 0 : i32
    return %c0_i32, %c0_i32_0 : i32, i32
  }
  func.func @transform_4(%arg0: i32) -> (i32, i32) {
    %c0_i32 = arith.constant 0 : i32
    %c0_i32_0 = arith.constant 0 : i32
    %c0_i32_1 = arith.constant 0 : i32
    return %c0_i32, %c0_i32_0 : i32, i32
  }
  func.func @transform_5(%arg0: i32) -> (i32, i32) {
    %c0_i32 = arith.constant 0 : i32
    %c0_i32_0 = arith.constant 0 : i32
    return %arg0, %c0_i32 : i32, i32
  }
}

module attributes {stable_mosaic.version = 14 : i64} {
  func.func @_tc_fin_body(%arg0: i32, %arg1: memref<2x2000x128xf32, #tpu.memory_space<vmem>>, %arg2: memref<2000x128xf32, #tpu.memory_space<vmem>>, %arg3: memref<2000x128xf32, #tpu.memory_space<vmem>>, %arg4: memref<1x64xf32, #tpu.memory_space<vmem>>, %arg5: memref<2000x64xf32, #tpu.memory_space<vmem>>) attributes {dimension_semantics = [#tpu.dimension_semantics<arbitrary>], iteration_bounds = array<i64: 5>, scalar_prefetch = 0 : i64, scratch_operands = 0 : i64, tpu.core_type = #tpu.core_type<tc>, window_params = [{transform_indices = @transform_0, window_bounds = array<i64: 2, 2000, 128>}, {transform_indices = @transform_1, window_bounds = array<i64: 2000, 128>}, {transform_indices = @transform_2, window_bounds = array<i64: 2000, 128>}, {pipeline_mode = #tpu.pipeline_mode<synchronous>, transform_indices = @transform_3, window_bounds = array<i64: 1, 64>}, {transform_indices = @transform_4, window_bounds = array<i64: 2000, 64>}]} {
    %get3A = arith.constant 0 : index
    %get3A_0 = arith.constant 0 : index
    %get3A_1 = vector.load %arg3[%get3A, %get3A_0] : memref<2000x128xf32, #tpu.memory_space<vmem>>, vector<2000x128xf32>
    %slice3A = vector.extract_strided_slice %get3A_1 {offsets = [0, 0], sizes = [2000, 64], strides = [1, 1]} : vector<2000x128xf32> to vector<2000x64xf32>
    %get3A_2 = arith.constant 0 : index
    %get3A_3 = arith.constant 0 : index
    %get3A_4 = arith.constant 0 : index
    %get3A_5 = vector.load %arg1[%get3A_2, %get3A_3, %get3A_4] : memref<2x2000x128xf32, #tpu.memory_space<vmem>>, vector<1x2000x64xf32>
    %get3A_6 = vector.shape_cast %get3A_5 : vector<1x2000x64xf32> to vector<2000x64xf32>
    %get3A_7 = arith.constant 1 : index
    %get3A_8 = arith.constant 0 : index
    %get3A_9 = arith.constant 0 : index
    %get3A_10 = vector.load %arg1[%get3A_7, %get3A_8, %get3A_9] : memref<2x2000x128xf32, #tpu.memory_space<vmem>>, vector<1x2000x64xf32>
    %get3A_11 = vector.shape_cast %get3A_10 : vector<1x2000x64xf32> to vector<2000x64xf32>
    %add3A = arith.addf %get3A_6, %get3A_11 : vector<2000x64xf32>
    %get3A_12 = arith.constant 0 : index
    %get3A_13 = arith.constant 0 : index
    %get3A_14 = vector.load %arg2[%get3A_12, %get3A_13] : memref<2000x128xf32, #tpu.memory_space<vmem>>, vector<2000x128xf32>
    %slice3A_15 = vector.extract_strided_slice %get3A_14 {offsets = [0, 0], sizes = [2000, 64], strides = [1, 1]} : vector<2000x128xf32> to vector<2000x64xf32>
    %add3A_16 = arith.addf %add3A, %slice3A_15 : vector<2000x64xf32>
    %mul3A = arith.mulf %slice3A, %add3A_16 : vector<2000x64xf32>
    %get3A_17 = arith.constant 0 : index
    %get3A_18 = arith.constant 0 : index
    %get3A_19 = vector.load %arg4[%get3A_17, %get3A_18] : memref<1x64xf32, #tpu.memory_space<vmem>>, vector<1x64xf32>
    %add3A_20 = vector.broadcast %get3A_19 : vector<1x64xf32> to vector<2000x64xf32>
    %add3A_21 = arith.addf %mul3A, %add3A_20 : vector<2000x64xf32>
    %swap3A = arith.constant 0 : index
    %swap3A_22 = arith.constant 0 : index
    %swap3A_23 = vector.load %arg5[%swap3A, %swap3A_22] : memref<2000x64xf32, #tpu.memory_space<vmem>>, vector<2000x64xf32>
    tpu.vector_store %arg5[%swap3A, %swap3A_22], %add3A_21 {strides = array<i32>} : memref<2000x64xf32, #tpu.memory_space<vmem>>, vector<2000x64xf32>,
    return
  }
  func.func @transform_0(%arg0: i32) -> (i32, i32, i32) {
    %c0_i32 = arith.constant 0 : i32
    %c0_i32_0 = arith.constant 0 : i32
    %c0_i32_1 = arith.constant 0 : i32
    return %c0_i32, %arg0, %c0_i32_0 : i32, i32, i32
  }
  func.func @transform_1(%arg0: i32) -> (i32, i32) {
    %c0_i32 = arith.constant 0 : i32
    %c0_i32_0 = arith.constant 0 : i32
    return %arg0, %c0_i32 : i32, i32
  }
  func.func @transform_2(%arg0: i32) -> (i32, i32) {
    %c0_i32 = arith.constant 0 : i32
    %c0_i32_0 = arith.constant 0 : i32
    return %arg0, %c0_i32 : i32, i32
  }
  func.func @transform_3(%arg0: i32) -> (i32, i32) {
    %c0_i32 = arith.constant 0 : i32
    %c0_i32_0 = arith.constant 0 : i32
    %c0_i32_1 = arith.constant 0 : i32
    return %c0_i32, %c0_i32_0 : i32, i32
  }
  func.func @transform_4(%arg0: i32) -> (i32, i32) {
    %c0_i32 = arith.constant 0 : i32
    %c0_i32_0 = arith.constant 0 : i32
    return %arg0, %c0_i32 : i32, i32
  }
}

</mosaic_0001>

<sc_bundles>
// kernel: kernel.10.cloned.1.call-start
scs
__scs_entry_jumppad:
0x0: {  	(pc) =	sbr.rel $0x88, $3  }
0x1: {  	(tag) =	ssettag $0x0;
	lr =	simm.s32 $0x1  }
0x2: {  	[smem:$0x3F99] =	sst lr;
	_ =	strace $0xD0000000  }
0x3: {  	_ = 	snop  }
0x4: {  	_ = 	snop  }
0x5: {  	_ = 	snop  }
0x6: {  	_ = 	snop  }
0x7: {  	_ = 	snop  }
__scs_overlays_trampoline_lowered:
0x8: {  	[smem:$0x3FA8] =	sst s0  }
0x9: {  	[smem:$0x3FA9] =	sst s1  }
0xa: {  	[smem:$0x3FAA] =	sst s2  }
0xb: {  	[smem:$0x3FAB] =	sst s3  }
0xc: {  	[smem:$0x3FAC] =	sst s4  }
0xd: {  	[smem:$0x3FAD] =	sst s5  }
0xe: {  	[smem:$0x3FAE] =	sst s6  }
0xf: {  	[smem:$0x3FAF] =	sst s7  }
0x10: {  	[smem:$0x3FB0] =	sst s8  }
0x11: {  	[smem:$0x3FB1] =	sst s9;
	s0 =	simm.s32 @!p0 $0x0  }
0x12: {  	s1 =	sld [smem:$0x3F97];
	s0 =	simm.s32 @p0 $0x1  }
0x13: {  	[smem:$0x3FB2] =	sst s0;
	s0 =	simm.s32 @!p1 $0x0  }
0x14: {  	s2 =	sld [smem:$0x3F96];
	s0 =	simm.s32 @p1 $0x1  }
0x15: {  	[smem:$0x3FB3] =	sst s0;
	s0 =	simm.s32 @!p2 $0x0  }
0x16: {  	s3 =	sld [smem:$0x3FDB];
	s0 =	simm.s32 @p2 $0x1  }
0x17: {  	s4 =	simm.s32 $0x1BF5;
	[smem:$0x3FB5] =	sst s0  }
0x18: {  	s0 =	sld [smem:$0x3F98];
	_ =	swait.ge [sflag:s4], $0x0  }
0x19: {  	s7 =	sld [smem:$0x3F99]  }
0x1a: {  	s8 =	sadd.s32 $0xFFFFE003, lr  }
0x1b: {  	s9 =	sadd.s32 $0xFFFFFEF7, lr;
	s5 =	simm.s32 $0xFFFFFFFF;
	p2 =	slt.u32 s8, $0xFFFFF086  }
0x1c: {  	p1 =	slt.u32 s9, $0xF7A;
	s5 =	simm.s32 @!p2 $0x0  }
0x1d: {  	s5 =	simm.s32 @p1 $0x1;
	p0 =	seq.s32 s7, s2  }
0x1e: {  	s7 =	smul.u32 @!p0 $0xF7A, s2;
	p2 =	seq.s32 @!p0 s5, $0x0  }
0x1f: {  	s9 =	smul.u32 $0xF7A, s1;
	s8 =	simm.s32 @!p0 $0x1BF5;
	p2 =	por !p2, p0  }
0x20: {  	[sflag:s8] =	ssyncset.s32 @!p0 $0xFFFFF086;
	s6 =	sadd.s32 @!p0 s3, s7;
	s7 =	simm.s32 @!p0 $0x108  }
0x21: {  	s3 =	sadd.s32 s3, s9;
	s6 =	sadd.s32 @!p0 $0x88, s6;
	s7 =	simm.s32 @p2 $0x1082  }
0x22: {  	[simem:s7], [sflag:s8] =	dma.local @!p0 [hbm:s6], $0xF7A  }
0x23: {  	s9 =	sor.u32 $0xD0000000, s2;
	s6 =	simm.s32 $0x108;
	_ =	swait.ge @!p0 [sflag:s8], $0x0  }
0x24: {  	s3 =	sadd.s32 $0x88, s3;
	s6 =	simm.s32 @!p1 $0x1082;
	[sflag:s4] =	ssyncset.s32 $0xFFFFF086  }
0x25: {  	[simem:s6], [sflag:s4] =	dma.local [hbm:s3], $0xF7A  }
0x26: {  	[smem:$0x3F99] =	sst s1;
	(tag) =	ssettag s2;
	_ =	strace s9  }
0x27: {  	s1 =	sld [smem:$0x3FA9]  }
0x28: {  	s2 =	sld [smem:$0x3FAA]  }
0x29: {  	s4 =	sld [smem:$0x3FAC]  }
0x2a: {  	p0 =	seq.s32 s5, $0x0;
	s5 =	sld [smem:$0x3FAD]  }
0x2b: {  	s6 =	sld [smem:$0x3FAE]  }
0x2c: {  	s7 =	sld [smem:$0x3FAF]  }
0x2d: {  	s3 =	simm.s32 $0x108;
	s8 =	sld [smem:$0x3FB0]  }
0x2e: {  	s3 =	simm.s32 @!p0 $0x1082;
	s9 =	sld [smem:$0x3FB1]  }
0x2f: {  	lr =	sadd.s32 s0, s3;
	s0 =	sld [smem:$0x3FA8]  }
0x30: {  	s3 =	sld [smem:$0x3FAB]  }
0x31: {  	[smem:$0x3FB4] =	sst s10  }
0x32: {  	s10 =	sld [smem:$0x3FB2];
	_ =	sdelay $0x3  }
0x33: {  	p0 =	seq.s32 s10, $0x1;
	s10 =	sld [smem:$0x3FB4];
	_ =	sdelay $0x3  }
0x34: {  	[smem:$0x3FB4] =	sst s10  }
0x35: {  	s10 =	sld [smem:$0x3FB3];
	_ =	sdelay $0x3  }
0x36: {  	p1 =	seq.s32 s10, $0x1;
	s10 =	sld [smem:$0x3FB4];
	_ =	sdelay $0x3  }
0x37: {  	[smem:$0x3FB4] =	sst s10  }
0x38: {  	s10 =	sld [smem:$0x3FB5]  }
0x39: {  	_ = 	snop;
	(pc) =	sbr.ind lr, $3  }
0x3a: {  	_ = 	snop  }
0x3b: {  	_ = 	snop  }
0x3c: {  	p2 =	seq.s32 s10, $0x1;
	s10 =	sld [smem:$0x3FB4]  }
0x3d: {  	_ =	shalt  }
0x3e: {  	_ =	shalt  }
0x3f: {  	_ =	shalt  }
0x40: {  	_ =	shalt  }
0x41: {  	_ =	shalt  }
0x42: {  	_ =	shalt  }
0x43: {  	_ =	shalt  }
0x44: {  	_ =	shalt  }
0x45: {  	_ =	shalt  }
0x46: {  	_ =	shalt  }
0x47: {  	_ =	shalt  }
0x48: {  	_ =	shalt  }
0x49: {  	_ =	shalt  }
0x4a: {  	_ =	shalt  }
0x4b: {  	_ =	shalt  }
0x4c: {  	_ =	shalt  }
0x4d: {  	_ =	shalt  }
0x4e: {  	_ =	shalt  }
0x4f: {  	_ =	shalt  }
0x50: {  	_ =	shalt  }
0x51: {  	_ =	shalt  }
0x52: {  	_ =	shalt  }
0x53: {  	_ =	shalt  }
0x54: {  	_ =	shalt  }
0x55: {  	_ =	shalt  }
0x56: {  	_ =	shalt  }
0x57: {  	_ =	shalt  }
0x58: {  	_ =	shalt  }
0x59: {  	_ =	shalt  }
0x5a: {  	_ =	shalt  }
0x5b: {  	_ =	shalt  }
0x5c: {  	_ =	shalt  }
0x5d: {  	_ =	shalt  }
0x5e: {  	_ =	shalt  }
0x5f: {  	_ =	shalt  }
0x60: {  	_ =	shalt  }
0x61: {  	_ =	shalt  }
0x62: {  	_ =	shalt  }
0x63: {  	_ =	shalt  }
0x64: {  	_ =	shalt  }
0x65: {  	_ =	shalt  }
0x66: {  	_ =	shalt  }
0x67: {  	_ =	shalt  }
0x68: {  	_ =	shalt  }
0x69: {  	_ =	shalt  }
0x6a: {  	_ =	shalt  }
0x6b: {  	_ =	shalt  }
0x6c: {  	_ =	shalt  }
0x6d: {  	_ =	shalt  }
0x6e: {  	_ =	shalt  }
0x6f: {  	_ =	shalt  }
0x70: {  	_ =	shalt  }
0x71: {  	_ =	shalt  }
0x72: {  	_ =	shalt  }
0x73: {  	_ =	shalt  }
0x74: {  	_ =	shalt  }
0x75: {  	_ =	shalt  }
0x76: {  	_ =	shalt  }
0x77: {  	_ =	shalt  }
0x78: {  	_ =	shalt  }
0x79: {  	_ =	shalt  }
0x7a: {  	_ =	shalt  }
0x7b: {  	_ =	shalt  }
0x7c: {  	_ =	shalt  }
0x7d: {  	_ =	shalt  }
0x7e: {  	_ =	shalt  }
0x7f: {  	_ =	shalt  }
0x80: {  	_ =	shalt  }
0x81: {  	_ =	shalt  }
0x82: {  	_ =	shalt  }
0x83: {  	_ =	shalt  }
0x84: {  	_ =	shalt  }
0x85: {  	_ =	shalt  }
0x86: {  	_ =	shalt  }
0x87: {  	_ =	shalt  }
.Lfunc_end0:
.L_simem_size_0:
called_computation_lowered:
.L_overlay_start_0:
0x88: {  	s2 =	sld [smem:$0x3FD9]  }
0x89: {  	s3 =	sld [smem:$0x3FFE];
	_ =	sdelay $0x1  }
0x8a: {  	s1 =	srdreg.scid  }
0x8b: {  	s0 =	sand.u32 $0x1, s1  }
0x8c: {  	s17 =	sshll.u32 s0, $0xA;
	s2 =	sadd.s32 s3, s2  }
0x8d: {  	s2 =	sadd.s32 s2, s17  }
0x8e: {  	[smem:$0x3FC0] =	sst s2  }
0x8f: {  	_ = 	snop  }
0x90: {  	s2 =	sld [smem:$0x3FD0];
	(tm) =	ssettm $0x1  }
0x91: {  	s18 =	sld [smem:$0x3FFB];
	_ =	sdelay $0x3  }
0x92: {  	_ =	strace s18  }
0x93: {  	s3 =	sld [smem:$0x3FFC];
	_ =	sdelay $0x3  }
0x94: {  	_ =	strace s3  }
0x95: {  	s3 =	sld [smem:$0x3FFD];
	_ =	sdelay $0x3  }
0x96: {  	_ =	strace s3  }
0x97: {  	_ =	strace $0x8FFFFFFF  }
0x98: {  	s19 =	sld [smem:$0x3FDB];
	_ =	sdelay $0x1  }
0x99: {  	s4 =	simm.s32 $_scs_section_size  }
0x9a: {  	s5 =	simm.s32 $_size__tile_overlayer_lowered;
	s6 =	simm.s32 $_tile_overlayer_lowered  }
0x9b: {  	s22 =	simm.s32 $0x1BFF;
	s21 =	sshll.u32 s6, $0x1;
	s3 =	sadd.s32 s4, s19  }
0x9c: {  	s7 =	simm.s32 $0x0;
	s20 =	sshll.u32 s5, $0x1;
	s5 =	sadd.s32 s21, s3  }
0x9d: {  	[timem:s7], [sflag:s22] =	dma.local [hbm:s5], s20  }
0x9e: {  	_ =	swait.ge [sflag:s22], s20  }
0x9f: {  	s4 =	ssub.s32 $0x0, s20;
	[sflag:s22] =	ssyncset.done $0x0  }
0xa0: {  	[sflag:s22] =	ssyncadd.s32 s4;
	_ =	sdelay $0x1  }
0xa1: {  	s23 =	simm.s32 $0x1B8B  }
0xa2: {  	_ =	swait.ge [sflag:s23], $0x1  }
0xa3: {  	[sflag:s23] =	ssyncset.done $0x0  }
0xa4: {  	s25 =	simm.s32 $0x1B8E;
	s24 =	sld [smem:$0x3FFE];
	[sflag:s23] =	ssyncadd.s32 $0xFFFFFFFF  }
0xa5: {  	s26 =	simm.s32 $execute0_lowered;
	[smem:$0x3FD2] =	sst s25  }
0xa6: {  	s5 =	sshll.u32 s26, $0x1;
	_ =	strace $0x80000046;
	[dreg:$0x1] =	wrdreg $0xFFFFFFFF  }
0xa7: {  	s28 =	simm.s32 $_size_execute0_lowered;
	s3 =	sadd.s32 s3, s5;
	[dreg:$0x0] =	wrdreg $0x0  }
0xa8: {  	s5 =	sshll.u32 s28, $0x1;
	[dreg:$0x2] =	wrdreg s3  }
0xa9: {  	[dreg:$0x3] =	wrdreg s5  }
0xaa: {  	[dreg:$0x4] =	wrdreg $0xC0  }
0xab: {  	_ =	task [dreg:s7], $0x5FFFF  }
0xac: {  	[dreg:$0x1] =	wrdreg $0xFFFFFFFF  }
0xad: {  	[dreg:$0x0] =	wrdreg $0x60  }
0xae: {  	[dreg:$0x2] =	wrdreg s2  }
0xaf: {  	[dreg:$0x3] =	wrdreg s24  }
0xb0: {  	[dreg:$0x4] =	wrdreg $0x4F800  }
0xb1: {  	[dreg:$0x5] =	wrdreg $0x9  }
0xb2: {  	_ =	task.clear_ibuf [dreg:s7], $0x6FFFF;
	_ =	strace $0x90000046  }
0xb3: {  	s29 =	simm.s32 $0x9;
	_ =	strace $0x80000048  }
0xb4: {  	_ =	swait.ge [sflag:s29], $0x1  }
0xb5: {  	[sflag:s29] =	ssyncadd.s32 $0xFFFFFFFF  }
0xb6: {  	_ =	strace $0x90000048  }
0xb7: {  	_ =	sfence  }
0xb8: {  	s30 =	sld [smem:$0x0];
	_ =	sdelay $0x2  }
0xb9: {  	s31 =	sshll.u32 s1, $0xD;
	s1 =	sshrl.u32 s1, $0x2  }
0xba: {  	s3 =	sand.u32 $0x4000, s31;
	s1 =	sadd.s32 s1, s30  }
0xbb: {  	s0 =	sor.u32 s3, s0;
	s1 =	sshll.u32 s1, $0x11  }
0xbc: {  	s0 =	sor.u32 s1, s0  }
0xbd: {  	s0 =	sadd.s32 $0x8F2B, s0  }
0xbe: {  	[sflag:s0] =	ssyncadd.remote.s32 $0x1  }
0xbf: {  	_ =	sfence.sel $0xFFFF  }
0xc0: {  	[dreg:$0x0] =	wrdreg $0xFFFFFFFF;
	(pc) =	sbr.abs _section_cstart, $3  }
0xc1: {  	[dreg:$0x1] =	wrdreg $0xFFFFFFFF  }
0xc2: {  	_ =	task.clear_ibuf [dreg:s7], $0x2FFFF;
	_ =	strace $0x9FFFFFFF  }
0xc3: {  	(tm) =	ssettm $0x7FFFFFFF  }
tec
execute0_lowered:
.L_overlay_start_1:
0x0: {  	(tag) =	ssettag $0x1  }
0x1: {  	s3 =	rddreg [dreg:$0x0]  }
0x2: {  	s4 =	rddreg [dreg:$0x1]  }
0x3: {  	s1 =	rddreg [dreg:$0x2];
	s5 =	srdreg.scid  }
0x4: {  	s0 =	rddreg [dreg:$0x3];
	s2 =	simm.s32 $0x0;
	s7 =	stileid.u32  }
0x5: {  	s5 =	sand.u32 $0x1, s5;
	[smem:$0x7FF] =	sst s2;
	s10 =	sshll.u32 s7, $0x4  }
0x6: {  	p0 =	sne.s32 s7, $0x0;
	s6 =	sshll.u32 s5, $0x4;
	_ =	strace $0x80000047  }
0x7: {  	s8 =	smul.u32 $0x500, s5;
	s5 =	ssub.s32 $0x2, s5;
	s10 =	sadd.s32 s10, s3  }
0x8: {  	s9 =	sor.u32 s7, s6;
	s31 =	sshrl.u32 s5, $0x1;
	s7 =	simm.s32 $0x1  }
0x9: {  	s6 =	smul.u32 $0x4E0, s9;
	s8 =	sadd.s32 s8, s4;
	s11 =	ssub.s32 s5, s31  }
0xa: {  	v0 =	vlaneseq.u32;
	s4 =	sadd.s32 $0x9C00, s10;
	p1 =	sgt.u32 s9, $0x3;
	s9 =	simm.s32 $0x50  }
0xb: {  	v1 =	vimm.f32 $0.0e+00;
	v6 =	vimm.f32 $1.000000000e+00;
	v2 =	vor.u32 $0x10, v0;
	s10 =	simm.s32 $0x4F00;
	s5 =	sadd.s32 $0xC800, s8;
	s8 =	simm.s32 $0x2700  }
0xc: {  	v3 =	vor.u32 $0x20, v0;
	v4 =	vor.u32 $0x30, v0;
	v5 =	vor.u32 $0x40, v0;
	s3 =	sadd.s32 s3, s6;
	s6 =	smax.u32 s11, $0x1;
	s11 =	sshrl.u32 @!p0 s1, $0x3  }
.LBB2_1:
0xd: {  	s12 =	simm.s32 $0x70;
	s13 =	simm.s32 $0x3C0  }
.LBB2_2:
0xe: {  	p2 =	sne.s32 s13, $0x9FC0;
	[tilespmem:s12+$0x2700] =	vst v1  }
0xf: {  	[tilespmem:s12+$0x2690] =	vst v1  }
0x10: {  	[tilespmem:s12+$0x26A0] =	vst v1  }
.Ltmp0:
0x11: {  	[tilespmem:s12+$0x26B0] =	vst v1;
	(pc) =	sbr.rel @p2 .LBB2_2-.Ltmp0, $4  }
0x12: {  	[tilespmem:s12+$0x26C0] =	vst v1  }
0x13: {  	[tilespmem:s12+$0x26D0] =	vst v1  }
0x14: {  	[tilespmem:s12+$0x26E0] =	vst v1  }
0x15: {  	[tilespmem:s12+$0x26F0] =	vst v1;
	s12 =	sshra.s32 s13, $0x2;
	s13 =	sadd.s32 $0x200, s13  }
0x16: {  	[tilespmem:s12+$0x2700] =	vst v1  }
0x17: {  	[tilespmem:s12+$0x2690] =	vst v1  }
0x18: {  	[tilespmem:s12+$0x26A0] =	vst v1  }
0x19: {  	[tilespmem:s12+$0x26B0] =	vst v1  }
0x1a: {  	[tilespmem:s12+$0x26C0] =	vst v1  }
0x1b: {  	[tilespmem:s12+$0x26D0] =	vst v1  }
0x1c: {  	[tilespmem:s12+$0x26E0] =	vst v1  }
0x1d: {  	[tilespmem:s12+$0x26F0] =	vst v1;
	s12 =	simm.s32 @!p0 $0x2700  }
0x1e: {  	[spmem:s1] =	stream.linear.scatter @!p0 [tilespmem:s12], [sflag:$0x1], $0x2800, $0x38;
	[tilespmem:$0x5200] =	vst v63  }
0x1f: {  	s12 =	simm.s32 @!p0 $0x1  }
0x20: {  	_ =	swait.ge @!p0 [sflag:s12], $0x2800  }
0x21: {  	[sflag:s12] =	ssyncset.done @!p0 $0x0  }
0x22: {  	[sflag:s12] =	ssyncadd.s32 @!p0 $0xFFFFD800  }
0x23: {  	[tilespmem:$0x4F00] =	vst v0  }
0x24: {  	[tilespmem:$0x4F10] =	vst v2  }
0x25: {  	[tilespmem:$0x4F20] =	vst v3  }
0x26: {  	[tilespmem:$0x4F30] =	vst v4  }
0x27: {  	s31 =	simm.s32 $0x0;
	[tilespmem:$0x4F40] =	vst v5  }
0x28: {  	[tilespmem:s31], [sflag:$0x1] =	stream.linear.gather [hbm4b:s3+s31], $0x2700, $0x38;
	[tilespmem:$0x5200] =	vst v63  }
0x29: {  	_ =	swait.ge [sflag:s7], $0x2700  }
0x2a: {  	[sflag:s7] =	ssyncset.done $0x0  }
0x2b: {  	s13 =	simm.s32 $0x0;
	s12 =	simm.s32 $0x40;
	[sflag:s7] =	ssyncadd.s32 $0xFFFFD900  }
.LBB2_4:
0x2c: {  	p2 =	sne.s32 s12, $0x9BC0;
	v7 =	vld [tilespmem:s13+$0x0];
	_ =	sdelay $0x3  }
.Ltmp1:
0x2d: {  	(pc) =	sbr.rel @p2 .LBB2_4-.Ltmp1, $2  }
0x2e: {  	_ =	sdelay $0x2  }
0x2f: {  	s13 =	sshra.s32 s12, $0x2;
	s12 =	sadd.s32 $0x40, s12;
	[tilespmem:v7+s8+$0x0] =	vst.idx.add.f32.msk $0xffff, v6  }
0x30: {  	v7 =	vld [tilespmem:s13+$0x0];
	_ =	sdelay $0x7  }
0x31: {  	s12 =	simm.s32 @!p1 $0x0;
	[tilespmem:v7+s8+$0x0] =	vst.idx.add.f32.msk $0xffff, v6  }
0x32: {  	[tilespmem:s12], [sflag:$0x1] =	stream.linear.gather @!p1 [hbm4b:s4+s12], $0x80, $0x38;
	[tilespmem:$0x5200] =	vst v63  }
0x33: {  	s12 =	simm.s32 @!p1 $0x1  }
0x34: {  	_ =	swait.ge @!p1 [sflag:s12], $0x80  }
0x35: {  	[sflag:s12] =	ssyncset.done @!p1 $0x0  }
0x36: {  	[sflag:s12] =	ssyncadd.s32 @!p1 $0xFFFFFF80  }
0x37: {  	v7 =	vld @!p1 [tilespmem:$0x0];
	_ =	sdelay $0x6  }
0x38: {  	v8 =	vimm.f32 @!p1 $1.000000000e+00;
	s12 =	simm.s32 @!p1 $0x2700  }
0x39: {  	[tilespmem:v7+s12+$0x0] =	vst.idx.add.f32.msk @!p1 $0xffff, v8  }
0x3a: {  	v7 =	vld @!p1 [tilespmem:$0x10];
	_ =	sdelay $0x7  }
0x3b: {  	[tilespmem:v7+s12+$0x0] =	vst.idx.add.f32.msk @!p1 $0xffff, v8  }
0x3c: {  	v7 =	vld @!p1 [tilespmem:$0x20];
	_ =	sdelay $0x7  }
0x3d: {  	[tilespmem:v7+s12+$0x0] =	vst.idx.add.f32.msk @!p1 $0xffff, v8  }
0x3e: {  	v7 =	vld @!p1 [tilespmem:$0x30];
	_ =	sdelay $0x7  }
0x3f: {  	[tilespmem:v7+s12+$0x0] =	vst.idx.add.f32.msk @!p1 $0xffff, v8  }
0x40: {  	v7 =	vld @!p1 [tilespmem:$0x40];
	_ =	sdelay $0x7  }
0x41: {  	[tilespmem:v7+s12+$0x0] =	vst.idx.add.f32.msk @!p1 $0xffff, v8  }
0x42: {  	v7 =	vld @!p1 [tilespmem:$0x50];
	_ =	sdelay $0x7  }
0x43: {  	[tilespmem:v7+s12+$0x0] =	vst.idx.add.f32.msk @!p1 $0xffff, v8  }
0x44: {  	v7 =	vld @!p1 [tilespmem:$0x60];
	_ =	sdelay $0x7  }
0x45: {  	[tilespmem:v7+s12+$0x0] =	vst.idx.add.f32.msk @!p1 $0xffff, v8  }
0x46: {  	v7 =	vld @!p1 [tilespmem:$0x70];
	_ =	sdelay $0x7  }
0x47: {  	[tilespmem:v7+s12+$0x0] =	vst.idx.add.f32.msk @!p1 $0xffff, v8  }
0x48: {  	[bflag:$0x0] =	sbarrier.arrive $0xFFFF  }
0x49: {  	[spmem:s1] =	stream.indirect.scatter.add.f32 [tilespmem:s8], [sflag:$0x1], $0x80, s10, s9, $0xb8;
	[tilespmem:$0x5200] =	vst v63  }
0x4a: {  	_ =	swait.ge [sflag:s7], $0x2800  }
0x4b: {  	[sflag:s7] =	ssyncset.done $0x0  }
0x4c: {  	s2 =	sadd.s32 $0x1, s2;
	[sflag:s7] =	ssyncadd.s32 $0xFFFFD800  }
0x4d: {  	p2 =	sne.s32 s2, s6;
	s12 =	simm.s32 @!p0 $0x1C01;
	[bflag:$0x0] =	sbarrier.arrive $0xFFFF  }
0x4e: {  	[hbm:s5], [sflag:s12] =	dma.local @!p0 [spmem:s11], $0x500  }
.Ltmp2:
0x4f: {  	_ = 	snop;
	(pc) =	sbr.rel @p2 .LBB2_1-.Ltmp2, $4  }
0x50: {  	s12 =	simm.s32 @!p0 $0x1  }
0x51: {  	_ =	swait.ge @!p0 [sflag:s12], $0x500  }
0x52: {  	[sflag:s12] =	ssyncset.done @!p0 $0x0  }
0x53: {  	[sflag:s12] =	ssyncadd.s32 @!p0 $0xFFFFFB00  }
0x54: {  	_ =	sfence.sel $0x180000  }
0x55: {  	[bflag:$0x0] =	sbarrier.arrive $0xFFFF  }
0x56: {  	_ =	strace $0x90000047  }
0x57: {  	s0 =	sadd.s32 @!p0 $0x100000, s0;
	[bflag:$0x2] =	sbarrier.arrive $0xFFFF  }
0x58: {  	[sflag:s0] =	ssyncadd.tile.s32 @!p0 $0x1;
	_ =	shalt  }
.Lfunc_end2:
_tile_overlayer_lowered:
.L_overlay_start_2:
0x59: {  	(tag) =	ssettag $0x2  }
0x5a: {  	s0 =	rddreg [dreg:$0x0];
	s2 =	stileid.u32  }
0x5b: {  	s1 =	rddreg [dreg:$0x1];
	p0 =	sne.s32 s2, $0x0  }
0x5c: {  	s3 =	rddreg [dreg:$0x2];
	[bflag:$0x3] =	sbarrier.arrive $0xFFFF;
	s2 =	simm.s32 @!p0 $0x1C01  }
0x5d: {  	[timem:s3], [sflag:s2] =	dma.local @!p0 [hbm:s0], s1  }
0x5e: {  	s0 =	simm.s32 @!p0 $0x1  }
0x5f: {  	_ =	swait.ge @!p0 [sflag:s0], s1  }
0x60: {  	s1 =	ssub.s32 @!p0 $0x0, s1;
	[sflag:s0] =	ssyncset.done @!p0 $0x0  }
0x61: {  	[sflag:s0] =	ssyncadd.s32 @!p0 s1  }
0x62: {  	[bflag:$0x3] =	sbarrier.arrive $0xFFFF  }
0x63: {  	_ =	shalt  }

// kernel: kernel.13.cloned.1.call-start
scs
__scs_entry_jumppad:
0x0: {  	(pc) =	sbr.rel $0x88, $3  }
0x1: {  	(tag) =	ssettag $0x0;
	lr =	simm.s32 $0x1  }
0x2: {  	[smem:$0x3F99] =	sst lr;
	_ =	strace $0xD0000000  }
0x3: {  	_ = 	snop  }
0x4: {  	_ = 	snop  }
0x5: {  	_ = 	snop  }
0x6: {  	_ = 	snop  }
0x7: {  	_ = 	snop  }
__scs_overlays_trampoline_lowered:
0x8: {  	[smem:$0x3FA8] =	sst s0  }
0x9: {  	[smem:$0x3FA9] =	sst s1  }
0xa: {  	[smem:$0x3FAA] =	sst s2  }
0xb: {  	[smem:$0x3FAB] =	sst s3  }
0xc: {  	[smem:$0x3FAC] =	sst s4  }
0xd: {  	[smem:$0x3FAD] =	sst s5  }
0xe: {  	[smem:$0x3FAE] =	sst s6  }
0xf: {  	[smem:$0x3FAF] =	sst s7  }
0x10: {  	[smem:$0x3FB0] =	sst s8  }
0x11: {  	[smem:$0x3FB1] =	sst s9;
	s0 =	simm.s32 @!p0 $0x0  }
0x12: {  	s1 =	sld [smem:$0x3F97];
	s0 =	simm.s32 @p0 $0x1  }
0x13: {  	[smem:$0x3FB2] =	sst s0;
	s0 =	simm.s32 @!p1 $0x0  }
0x14: {  	s2 =	sld [smem:$0x3F96];
	s0 =	simm.s32 @p1 $0x1  }
0x15: {  	[smem:$0x3FB3] =	sst s0;
	s0 =	simm.s32 @!p2 $0x0  }
0x16: {  	s3 =	sld [smem:$0x3FDB];
	s0 =	simm.s32 @p2 $0x1  }
0x17: {  	s4 =	simm.s32 $0x1BF5;
	[smem:$0x3FB5] =	sst s0  }
0x18: {  	s0 =	sld [smem:$0x3F98];
	_ =	swait.ge [sflag:s4], $0x0  }
0x19: {  	s7 =	sld [smem:$0x3F99]  }
0x1a: {  	s8 =	sadd.s32 $0xFFFFE003, lr  }
0x1b: {  	s9 =	sadd.s32 $0xFFFFFEF7, lr;
	s5 =	simm.s32 $0xFFFFFFFF;
	p2 =	slt.u32 s8, $0xFFFFF086  }
0x1c: {  	p1 =	slt.u32 s9, $0xF7A;
	s5 =	simm.s32 @!p2 $0x0  }
0x1d: {  	s5 =	simm.s32 @p1 $0x1;
	p0 =	seq.s32 s7, s2  }
0x1e: {  	s7 =	smul.u32 @!p0 $0xF7A, s2;
	p2 =	seq.s32 @!p0 s5, $0x0  }
0x1f: {  	s9 =	smul.u32 $0xF7A, s1;
	s8 =	simm.s32 @!p0 $0x1BF5;
	p2 =	por !p2, p0  }
0x20: {  	[sflag:s8] =	ssyncset.s32 @!p0 $0xFFFFF086;
	s6 =	sadd.s32 @!p0 s3, s7;
	s7 =	simm.s32 @!p0 $0x108  }
0x21: {  	s3 =	sadd.s32 s3, s9;
	s6 =	sadd.s32 @!p0 $0x88, s6;
	s7 =	simm.s32 @p2 $0x1082  }
0x22: {  	[simem:s7], [sflag:s8] =	dma.local @!p0 [hbm:s6], $0xF7A  }
0x23: {  	s9 =	sor.u32 $0xD0000000, s2;
	s6 =	simm.s32 $0x108;
	_ =	swait.ge @!p0 [sflag:s8], $0x0  }
0x24: {  	s3 =	sadd.s32 $0x88, s3;
	s6 =	simm.s32 @!p1 $0x1082;
	[sflag:s4] =	ssyncset.s32 $0xFFFFF086  }
0x25: {  	[simem:s6], [sflag:s4] =	dma.local [hbm:s3], $0xF7A  }
0x26: {  	[smem:$0x3F99] =	sst s1;
	(tag) =	ssettag s2;
	_ =	strace s9  }
0x27: {  	s1 =	sld [smem:$0x3FA9]  }
0x28: {  	s2 =	sld [smem:$0x3FAA]  }
0x29: {  	s4 =	sld [smem:$0x3FAC]  }
0x2a: {  	p0 =	seq.s32 s5, $0x0;
	s5 =	sld [smem:$0x3FAD]  }
0x2b: {  	s6 =	sld [smem:$0x3FAE]  }
0x2c: {  	s7 =	sld [smem:$0x3FAF]  }
0x2d: {  	s3 =	simm.s32 $0x108;
	s8 =	sld [smem:$0x3FB0]  }
0x2e: {  	s3 =	simm.s32 @!p0 $0x1082;
	s9 =	sld [smem:$0x3FB1]  }
0x2f: {  	lr =	sadd.s32 s0, s3;
	s0 =	sld [smem:$0x3FA8]  }
0x30: {  	s3 =	sld [smem:$0x3FAB]  }
0x31: {  	[smem:$0x3FB4] =	sst s10  }
0x32: {  	s10 =	sld [smem:$0x3FB2];
	_ =	sdelay $0x3  }
0x33: {  	p0 =	seq.s32 s10, $0x1;
	s10 =	sld [smem:$0x3FB4];
	_ =	sdelay $0x3  }
0x34: {  	[smem:$0x3FB4] =	sst s10  }
0x35: {  	s10 =	sld [smem:$0x3FB3];
	_ =	sdelay $0x3  }
0x36: {  	p1 =	seq.s32 s10, $0x1;
	s10 =	sld [smem:$0x3FB4];
	_ =	sdelay $0x3  }
0x37: {  	[smem:$0x3FB4] =	sst s10  }
0x38: {  	s10 =	sld [smem:$0x3FB5]  }
0x39: {  	_ = 	snop;
	(pc) =	sbr.ind lr, $3  }
0x3a: {  	_ = 	snop  }
0x3b: {  	_ = 	snop  }
0x3c: {  	p2 =	seq.s32 s10, $0x1;
	s10 =	sld [smem:$0x3FB4]  }
0x3d: {  	_ =	shalt  }
0x3e: {  	_ =	shalt  }
0x3f: {  	_ =	shalt  }
0x40: {  	_ =	shalt  }
0x41: {  	_ =	shalt  }
0x42: {  	_ =	shalt  }
0x43: {  	_ =	shalt  }
0x44: {  	_ =	shalt  }
0x45: {  	_ =	shalt  }
0x46: {  	_ =	shalt  }
0x47: {  	_ =	shalt  }
0x48: {  	_ =	shalt  }
0x49: {  	_ =	shalt  }
0x4a: {  	_ =	shalt  }
0x4b: {  	_ =	shalt  }
0x4c: {  	_ =	shalt  }
0x4d: {  	_ =	shalt  }
0x4e: {  	_ =	shalt  }
0x4f: {  	_ =	shalt  }
0x50: {  	_ =	shalt  }
0x51: {  	_ =	shalt  }
0x52: {  	_ =	shalt  }
0x53: {  	_ =	shalt  }
0x54: {  	_ =	shalt  }
0x55: {  	_ =	shalt  }
0x56: {  	_ =	shalt  }
0x57: {  	_ =	shalt  }
0x58: {  	_ =	shalt  }
0x59: {  	_ =	shalt  }
0x5a: {  	_ =	shalt  }
0x5b: {  	_ =	shalt  }
0x5c: {  	_ =	shalt  }
0x5d: {  	_ =	shalt  }
0x5e: {  	_ =	shalt  }
0x5f: {  	_ =	shalt  }
0x60: {  	_ =	shalt  }
0x61: {  	_ =	shalt  }
0x62: {  	_ =	shalt  }
0x63: {  	_ =	shalt  }
0x64: {  	_ =	shalt  }
0x65: {  	_ =	shalt  }
0x66: {  	_ =	shalt  }
0x67: {  	_ =	shalt  }
0x68: {  	_ =	shalt  }
0x69: {  	_ =	shalt  }
0x6a: {  	_ =	shalt  }
0x6b: {  	_ =	shalt  }
0x6c: {  	_ =	shalt  }
0x6d: {  	_ =	shalt  }
0x6e: {  	_ =	shalt  }
0x6f: {  	_ =	shalt  }
0x70: {  	_ =	shalt  }
0x71: {  	_ =	shalt  }
0x72: {  	_ =	shalt  }
0x73: {  	_ =	shalt  }
0x74: {  	_ =	shalt  }
0x75: {  	_ =	shalt  }
0x76: {  	_ =	shalt  }
0x77: {  	_ =	shalt  }
0x78: {  	_ =	shalt  }
0x79: {  	_ =	shalt  }
0x7a: {  	_ =	shalt  }
0x7b: {  	_ =	shalt  }
0x7c: {  	_ =	shalt  }
0x7d: {  	_ =	shalt  }
0x7e: {  	_ =	shalt  }
0x7f: {  	_ =	shalt  }
0x80: {  	_ =	shalt  }
0x81: {  	_ =	shalt  }
0x82: {  	_ =	shalt  }
0x83: {  	_ =	shalt  }
0x84: {  	_ =	shalt  }
0x85: {  	_ =	shalt  }
0x86: {  	_ =	shalt  }
0x87: {  	_ =	shalt  }
.Lfunc_end0:
.L_simem_size_0:
called_computation.1_lowered:
.L_overlay_start_0:
0x88: {  	s2 =	sld [smem:$0x3FD9]  }
0x89: {  	s3 =	sld [smem:$0x3FFE];
	_ =	sdelay $0x1  }
0x8a: {  	s1 =	srdreg.scid  }
0x8b: {  	s0 =	sand.u32 $0x1, s1  }
0x8c: {  	s17 =	sshll.u32 s0, $0xA;
	s2 =	sadd.s32 s3, s2  }
0x8d: {  	s2 =	sadd.s32 s2, s17  }
0x8e: {  	[smem:$0x3FC0] =	sst s2  }
0x8f: {  	_ = 	snop  }
0x90: {  	s2 =	sld [smem:$0x3FD0];
	(tm) =	ssettm $0x1  }
0x91: {  	s18 =	sld [smem:$0x3FFB];
	_ =	sdelay $0x3  }
0x92: {  	_ =	strace s18  }
0x93: {  	s3 =	sld [smem:$0x3FFC];
	_ =	sdelay $0x3  }
0x94: {  	_ =	strace s3  }
0x95: {  	s3 =	sld [smem:$0x3FFD];
	_ =	sdelay $0x3  }
0x96: {  	_ =	strace s3  }
0x97: {  	_ =	strace $0x8FFFFFFF  }
0x98: {  	s19 =	sld [smem:$0x3FDB];
	_ =	sdelay $0x1  }
0x99: {  	s4 =	simm.s32 $_scs_section_size  }
0x9a: {  	s5 =	simm.s32 $_size__tile_overlayer_lowered;
	s6 =	simm.s32 $_tile_overlayer_lowered  }
0x9b: {  	s22 =	simm.s32 $0x1BFF;
	s21 =	sshll.u32 s6, $0x1;
	s3 =	sadd.s32 s4, s19  }
0x9c: {  	s7 =	simm.s32 $0x0;
	s20 =	sshll.u32 s5, $0x1;
	s5 =	sadd.s32 s21, s3  }
0x9d: {  	[timem:s7], [sflag:s22] =	dma.local [hbm:s5], s20  }
0x9e: {  	_ =	swait.ge [sflag:s22], s20  }
0x9f: {  	s4 =	ssub.s32 $0x0, s20;
	[sflag:s22] =	ssyncset.done $0x0  }
0xa0: {  	[sflag:s22] =	ssyncadd.s32 s4;
	_ =	sdelay $0x1  }
0xa1: {  	s23 =	simm.s32 $0x1B8B  }
0xa2: {  	_ =	swait.ge [sflag:s23], $0x1  }
0xa3: {  	[sflag:s23] =	ssyncset.done $0x0  }
0xa4: {  	s25 =	simm.s32 $0x1B8E;
	s24 =	sld [smem:$0x3FFE];
	[sflag:s23] =	ssyncadd.s32 $0xFFFFFFFF  }
0xa5: {  	s26 =	simm.s32 $execute0_lowered;
	[smem:$0x3FD2] =	sst s25  }
0xa6: {  	s5 =	sshll.u32 s26, $0x1;
	_ =	strace $0x80000049;
	[dreg:$0x1] =	wrdreg $0xFFFFFFFF  }
0xa7: {  	s28 =	simm.s32 $_size_execute0_lowered;
	s3 =	sadd.s32 s3, s5;
	[dreg:$0x0] =	wrdreg $0x0  }
0xa8: {  	s5 =	sshll.u32 s28, $0x1;
	[dreg:$0x2] =	wrdreg s3  }
0xa9: {  	[dreg:$0x3] =	wrdreg s5  }
0xaa: {  	[dreg:$0x4] =	wrdreg $0xC0  }
0xab: {  	_ =	task [dreg:s7], $0x5FFFF  }
0xac: {  	[dreg:$0x1] =	wrdreg $0xFFFFFFFF  }
0xad: {  	[dreg:$0x0] =	wrdreg $0x60  }
0xae: {  	[dreg:$0x2] =	wrdreg s24  }
0xaf: {  	[dreg:$0x3] =	wrdreg s2  }
0xb0: {  	[dreg:$0x4] =	wrdreg $0xA8000  }
0xb1: {  	[dreg:$0x5] =	wrdreg $0x9  }
0xb2: {  	_ =	task.clear_ibuf [dreg:s7], $0x6FFFF;
	_ =	strace $0x90000049  }
0xb3: {  	s29 =	simm.s32 $0x9;
	_ =	strace $0x8000004B  }
0xb4: {  	_ =	swait.ge [sflag:s29], $0x1  }
0xb5: {  	[sflag:s29] =	ssyncadd.s32 $0xFFFFFFFF  }
0xb6: {  	_ =	strace $0x9000004B  }
0xb7: {  	_ =	sfence  }
0xb8: {  	s30 =	sld [smem:$0x0];
	_ =	sdelay $0x2  }
0xb9: {  	s31 =	sshll.u32 s1, $0xD;
	s1 =	sshrl.u32 s1, $0x2  }
0xba: {  	s3 =	sand.u32 $0x4000, s31;
	s1 =	sadd.s32 s1, s30  }
0xbb: {  	s0 =	sor.u32 s3, s0;
	s1 =	sshll.u32 s1, $0x11  }
0xbc: {  	s0 =	sor.u32 s1, s0  }
0xbd: {  	s0 =	sadd.s32 $0x8F2B, s0  }
0xbe: {  	[sflag:s0] =	ssyncadd.remote.s32 $0x1  }
0xbf: {  	_ =	sfence.sel $0xFFFF  }
0xc0: {  	[dreg:$0x0] =	wrdreg $0xFFFFFFFF;
	(pc) =	sbr.abs _section_cstart, $3  }
0xc1: {  	[dreg:$0x1] =	wrdreg $0xFFFFFFFF  }
0xc2: {  	_ =	task.clear_ibuf [dreg:s7], $0x2FFFF;
	_ =	strace $0x9FFFFFFF  }
0xc3: {  	(tm) =	ssettm $0x7FFFFFFF  }
tec
execute0_lowered:
.L_overlay_start_1:
0x0: {  	(tag) =	ssettag $0x1  }
0x1: {  	s0 =	rddreg [dreg:$0x0]  }
0x2: {  	s2 =	rddreg [dreg:$0x1]  }
0x3: {  	s1 =	rddreg [dreg:$0x2]  }
0x4: {  	s3 =	srdreg.scid;
	s23 =	stileid.u32;
	s28 =	simm.s32 $0x2780  }
0x5: {  	s29 =	simm.s32 $0x80;
	s30 =	simm.s32 $0x6800;
	s7 =	smul.u32 $0x50000, s23  }
0x6: {  	s31 =	simm.s32 $0x2;
	s5 =	sand.u32 $0x1, s3;
	s14 =	smul.u32 $0x14000, s23  }
0x7: {  	s3 =	simm.s32 $0x0;
	s13 =	sadd.s32 $0x2A00, s0;
	s26 =	smul.u32 $0x4E, s23  }
0x8: {  	s21 =	sshll.u32 s23, $0x4;
	s4 =	sshll.u32 s5, $0x4;
	s19 =	smul.u32 $0x140000, s5  }
0x9: {  	[smem:$0x7FF] =	sst s3;
	s6 =	ssub.s32 $0x2, s5;
	s5 =	smul.u32 $0x4E0, s5  }
0xa: {  	s21 =	sor.u32 $0x9C00, s21;
	s11 =	sor.u32 s23, s4;
	_ =	strace $0x8000004A  }
0xb: {  	s4 =	sadd.s32 $0xC800, s0;
	s0 =	sadd.s32 $0x33A00, s0;
	s8 =	sshrl.u32 s6, $0x1  }
0xc: {  	s25 =	sshrl.u32 s7, $0x2;
	s15 =	sadd.s32 $0x4000, s14;
	s16 =	sadd.s32 $0x8000, s14  }
0xd: {  	s17 =	sadd.s32 $0xC000, s14;
	s18 =	sadd.s32 $0x10000, s14;
	s12 =	smul.u32 $0x4E0, s11  }
0xe: {  	s20 =	ssub.s32 s6, s8;
	s6 =	sadd.s32 s25, s1;
	s7 =	sadd.s32 s15, s1  }
0xf: {  	s8 =	sadd.s32 s16, s1;
	s9 =	sadd.s32 s17, s1;
	s10 =	sadd.s32 s18, s1  }
0x10: {  	s22 =	sadd.s32 s14, s19;
	s15 =	sadd.s32 s19, s15;
	s23 =	sadd.s32 s19, s16  }
0x11: {  	s25 =	sadd.s32 $0x10, s2;
	s5 =	sadd.s32 s26, s5;
	p0 =	sgt.u32 s11, $0x3  }
0x12: {  	s23 =	sshrl.u32 s23, $0x3;
	s5 =	sshll.u32 s5, $0x4;
	s24 =	sadd.s32 s13, s12  }
0x13: {  	s20 =	smax.u32 s20, $0x1;
	s26 =	sadd.s32 s2, s12;
	[dreg:$0x4] =	wrdreg s24  }
0x14: {  	s12 =	sadd.s32 s12, s25;
	s5 =	sadd.s32 $0x20, s5;
	[dreg:$0x5] =	wrdreg s26  }
0x15: {  	s24 =	sadd.s32 s19, s17;
	[dreg:$0x6] =	wrdreg s12;
	s17 =	sadd.s32 s13, s21  }
0x16: {  	s19 =	sadd.s32 s19, s18;
	s18 =	sadd.s32 s2, s21;
	[dreg:$0x7] =	wrdreg s17  }
0x17: {  	s21 =	sshrl.u32 s22, $0x3;
	s22 =	sshrl.u32 s15, $0x3;
	[dreg:$0x8] =	wrdreg s18  }
0x18: {  	s15 =	sadd.s32 s0, s21;
	s16 =	sadd.s32 s0, s22;
	s17 =	sadd.s32 s0, s23  }
0x19: {  	s26 =	sshrl.u32 s24, $0x3;
	s19 =	sshrl.u32 s19, $0x3;
	s21 =	sadd.s32 s2, s5  }
0x1a: {  	s22 =	sadd.s32 s5, s25;
	s23 =	simm.s32 $0x2800;
	s24 =	simm.s32 $0x3  }
0x1b: {  	s25 =	simm.s32 $0x1;
	s2 =	simm.s32 $0x0;
	s18 =	sadd.s32 s0, s26  }
0x1c: {  	v0 =	vimm.f32 $0.0e+00;
	s19 =	sadd.s32 s0, s19;
	s26 =	simm.s32 $0x2700;
	s0 =	simm.s32 $0x4  }
.LBB2_1:
0x1d: {  	s5 =	rddreg [dreg:$0x4]  }
0x1e: {  	[tilespmem:s3], [sflag:$0x1] =	stream.linear.gather [hbm4b:s5+s3], $0x2700, $0x38;
	[tilespmem:$0x1E800] =	vst v63  }
0x1f: {  	s11 =	simm.s32 $0x200;
	s5 =	simm.s32 $0x0  }
.LBB2_2:
0x20: {  	p1 =	sne.s32 s11, $0xFE00;
	[tilespmem:s5+$0x2870] =	vst v0  }
0x21: {  	[tilespmem:s5+$0x2800] =	vst v0  }
0x22: {  	[tilespmem:s5+$0x2810] =	vst v0  }
.Ltmp0:
0x23: {  	[tilespmem:s5+$0x2820] =	vst v0;
	(pc) =	sbr.rel @p1 .LBB2_2-.Ltmp0, $4  }
0x24: {  	[tilespmem:s5+$0x2830] =	vst v0  }
0x25: {  	[tilespmem:s5+$0x2840] =	vst v0  }
0x26: {  	[tilespmem:s5+$0x2850] =	vst v0  }
0x27: {  	[tilespmem:s5+$0x2860] =	vst v0;
	s5 =	sshra.s32 s11, $0x2;
	s11 =	sadd.s32 $0x200, s11  }
0x28: {  	[tilespmem:s5+$0x2870] =	vst v0  }
0x29: {  	[tilespmem:s5+$0x2800] =	vst v0  }
0x2a: {  	[tilespmem:s5+$0x2810] =	vst v0  }
0x2b: {  	[tilespmem:s5+$0x2820] =	vst v0  }
0x2c: {  	[tilespmem:s5+$0x2830] =	vst v0  }
0x2d: {  	[tilespmem:s5+$0x2840] =	vst v0  }
0x2e: {  	[tilespmem:s5+$0x2850] =	vst v0  }
0x2f: {  	[tilespmem:s5+$0x2860] =	vst v0  }
0x30: {  	[spmem:s6] =	stream.linear.scatter [tilespmem:s23], [sflag:$0x3], $0x4000, $0x38;
	[tilespmem:$0x1E800] =	vst v63  }
0x31: {  	_ = 	snop  }
0x32: {  	[spmem:s7] =	stream.linear.scatter [tilespmem:s23], [sflag:$0x3], $0x4000, $0x38;
	[tilespmem:$0x1E800] =	vst v63  }
0x33: {  	_ = 	snop  }
0x34: {  	[spmem:s8] =	stream.linear.scatter [tilespmem:s23], [sflag:$0x3], $0x4000, $0x38;
	[tilespmem:$0x1E800] =	vst v63  }
0x35: {  	_ = 	snop  }
0x36: {  	[spmem:s9] =	stream.linear.scatter [tilespmem:s23], [sflag:$0x3], $0x4000, $0x38;
	[tilespmem:$0x1E800] =	vst v63  }
0x37: {  	_ = 	snop  }
0x38: {  	[spmem:s10] =	stream.linear.scatter [tilespmem:s23], [sflag:$0x3], $0x4000, $0x38;
	[tilespmem:$0x1E800] =	vst v63  }
0x39: {  	_ =	swait.ge [sflag:s24], $0x4000  }
0x3a: {  	[sflag:s24] =	ssyncset.done $0x0  }
0x3b: {  	[sflag:s24] =	ssyncadd.s32 $0xFFFFC000  }
0x3c: {  	_ =	swait.ge [sflag:s24], $0x4000  }
0x3d: {  	[sflag:s24] =	ssyncset.done $0x0  }
0x3e: {  	[sflag:s24] =	ssyncadd.s32 $0xFFFFC000  }
0x3f: {  	_ =	swait.ge [sflag:s24], $0x4000  }
0x40: {  	[sflag:s24] =	ssyncset.done $0x0  }
0x41: {  	[sflag:s24] =	ssyncadd.s32 $0xFFFFC000  }
0x42: {  	_ =	swait.ge [sflag:s24], $0x4000  }
0x43: {  	[sflag:s24] =	ssyncset.done $0x0  }
0x44: {  	[sflag:s24] =	ssyncadd.s32 $0xFFFFC000  }
0x45: {  	_ =	swait.ge [sflag:s24], $0x4000  }
0x46: {  	[sflag:s24] =	ssyncset.done $0x0  }
0x47: {  	[sflag:s24] =	ssyncadd.s32 $0xFFFFC000  }
0x48: {  	_ =	swait.ge [sflag:s25], $0x2700  }
0x49: {  	[sflag:s25] =	ssyncset.done $0x0  }
0x4a: {  	[sflag:s25] =	ssyncadd.s32 $0xFFFFD900  }
0x4b: {  	[bflag:$0x0] =	sbarrier.arrive $0xFFFF  }
0x4c: {  	s13 =	simm.s32 $0x0;
	s11 =	rddreg [dreg:$0x5]  }
0x4d: {  	[tilespmem:s26], [sflag:$0x1] =	stream.linear.gather [hbm4b:s11+s13], $0x80, $0x38;
	[tilespmem:$0x1E800] =	vst v63  }
0x4e: {  	s14 =	rddreg [dreg:$0x6]  }
0x4f: {  	[tilespmem:s28], [sflag:$0x1] =	stream.linear.gather [hbm4b:s14+s13], $0x80, $0x38;
	[tilespmem:$0x1E800] =	vst v63  }
0x50: {  	_ = 	snop  }
0x51: {  	[tilespmem:s23], [sflag:$0x2] =	stream.indirect.gather [hbm4b:s4+s29], $0x80, s13, s29, $0xb8;
	[tilespmem:$0x1E800] =	vst v63  }
0x52: {  	_ = 	snop  }
0x53: {  	[tilespmem:s30], [sflag:$0x3] =	stream.indirect.gather [hbm4b:s4+s29], $0x80, s29, s29, $0xb8;
	[tilespmem:$0x1E800] =	vst v63  }
0x54: {  	_ =	swait.ge [sflag:s25], $0x80  }
0x55: {  	[sflag:s25] =	ssyncset.done $0x0  }
0x56: {  	[sflag:s25] =	ssyncadd.s32 $0xFFFFFF80  }
0x57: {  	_ =	swait.ge [sflag:s25], $0x80  }
0x58: {  	[sflag:s25] =	ssyncset.done $0x0  }
0x59: {  	[sflag:s25] =	ssyncadd.s32 $0xFFFFFF80  }
0x5a: {  	_ =	swait.ge [sflag:s31], $0x4000  }
0x5b: {  	[sflag:s31] =	ssyncset.done $0x0  }
0x5c: {  	[sflag:s31] =	ssyncadd.s32 $0xFFFFC000  }
0x5d: {  	[spmem:s1] =	stream.indirect.scatter.add.f32 [tilespmem:s23], [sflag:$0x4], $0x80, s26, s29, $0xb8;
	[tilespmem:$0x1E800] =	vst v63  }
0x5e: {  	_ =	swait.ge [sflag:s0], $0x4000  }
0x5f: {  	[sflag:s0] =	ssyncset.done $0x0  }
0x60: {  	s12 =	sadd.s32 $0x0, s21;
	[sflag:s0] =	ssyncadd.s32 $0xFFFFC000  }
0x61: {  	[tilespmem:s26], [sflag:$0x1] =	stream.linear.gather [hbm4b:s12+s3], $0x80, $0x38;
	[tilespmem:$0x1E800] =	vst v63  }
0x62: {  	s5 =	simm.s32 $0x100  }
0x63: {  	[tilespmem:s23], [sflag:$0x2] =	stream.indirect.gather [hbm4b:s4+s29], $0x80, s5, s29, $0xb8;
	[tilespmem:$0x1E800] =	vst v63  }
0x64: {  	_ =	swait.ge [sflag:s24], $0x4000  }
0x65: {  	[sflag:s24] =	ssyncset.done $0x0  }
0x66: {  	[sflag:s24] =	ssyncadd.s32 $0xFFFFC000  }
0x67: {  	[spmem:s1] =	stream.indirect.scatter.add.f32 [tilespmem:s30], [sflag:$0x4], $0x80, s28, s29, $0xb8;
	[tilespmem:$0x1E800] =	vst v63  }
0x68: {  	_ =	swait.ge [sflag:s0], $0x4000  }
0x69: {  	[sflag:s0] =	ssyncset.done $0x0  }
0x6a: {  	s13 =	sadd.s32 $0x0, s22;
	[sflag:s0] =	ssyncadd.s32 $0xFFFFC000  }
0x6b: {  	[tilespmem:s28], [sflag:$0x1] =	stream.linear.gather [hbm4b:s13+s3], $0x80, $0x38;
	[tilespmem:$0x1E800] =	vst v63  }
0x6c: {  	s14 =	simm.s32 $0x180  }
0x6d: {  	[tilespmem:s30], [sflag:$0x3] =	stream.indirect.gather [hbm4b:s4+s29], $0x80, s14, s29, $0xb8;
	[tilespmem:$0x1E800] =	vst v63  }
0x6e: {  	_ =	swait.ge [sflag:s25], $0x80  }
0x6f: {  	[sflag:s25] =	ssyncset.done $0x0  }
0x70: {  	[sflag:s25] =	ssyncadd.s32 $0xFFFFFF80  }
0x71: {  	_ =	swait.ge [sflag:s25], $0x80  }
0x72: {  	s11 =	simm.s32 $0x20;
	[sflag:s25] =	ssyncset.done $0x0  }
.LBB2_4:
0x73: {  	p1 =	sne.s32 s11, $0x4A0;
	[sflag:s25] =	ssyncadd.s32 $0xFFFFFF80;
	s5 =	sadd.s32 $0x100, s5  }
0x74: {  	s12 =	smov.u32 s11;
	s11 =	sadd.s32 $0x20, s11;
	_ =	swait.ge [sflag:s31], $0x4000  }
0x75: {  	[sflag:s31] =	ssyncset.done $0x0  }
0x76: {  	[sflag:s31] =	ssyncadd.s32 $0xFFFFC000  }
0x77: {  	[spmem:s1] =	stream.indirect.scatter.add.f32 [tilespmem:s23], [sflag:$0x4], $0x80, s26, s29, $0xb8;
	[tilespmem:$0x1E800] =	vst v63  }
0x78: {  	_ =	swait.ge [sflag:s0], $0x4000  }
0x79: {  	[sflag:s0] =	ssyncset.done $0x0  }
0x7a: {  	s13 =	sadd.s32 s12, s21;
	[sflag:s0] =	ssyncadd.s32 $0xFFFFC000  }
0x7b: {  	[tilespmem:s26], [sflag:$0x1] =	stream.linear.gather [hbm4b:s13+s3], $0x80, $0x38;
	[tilespmem:$0x1E800] =	vst v63  }
0x7c: {  	_ = 	snop  }
0x7d: {  	[tilespmem:s23], [sflag:$0x2] =	stream.indirect.gather [hbm4b:s4+s29], $0x80, s5, s29, $0xb8;
	[tilespmem:$0x1E800] =	vst v63  }
0x7e: {  	_ =	swait.ge [sflag:s24], $0x4000  }
0x7f: {  	[sflag:s24] =	ssyncset.done $0x0  }
0x80: {  	[sflag:s24] =	ssyncadd.s32 $0xFFFFC000  }
0x81: {  	[spmem:s1] =	stream.indirect.scatter.add.f32 [tilespmem:s30], [sflag:$0x4], $0x80, s28, s29, $0xb8;
	[tilespmem:$0x1E800] =	vst v63  }
0x82: {  	_ =	swait.ge [sflag:s0], $0x4000  }
0x83: {  	[sflag:s0] =	ssyncset.done $0x0  }
0x84: {  	s12 =	sadd.s32 s12, s22;
	[sflag:s0] =	ssyncadd.s32 $0xFFFFC000  }
0x85: {  	[tilespmem:s28], [sflag:$0x1] =	stream.linear.gather [hbm4b:s12+s3], $0x80, $0x38;
	[tilespmem:$0x1E800] =	vst v63  }
0x86: {  	s12 =	sadd.s32 $0x80, s5  }
0x87: {  	[tilespmem:s30], [sflag:$0x3] =	stream.indirect.gather [hbm4b:s4+s29], $0x80, s12, s29, $0xb8;
	[tilespmem:$0x1E800] =	vst v63  }
.Ltmp1:
0x88: {  	_ =	swait.ge [sflag:s25], $0x80;
	(pc) =	sbr.rel @p1 .LBB2_4-.Ltmp1, $4  }
0x89: {  	[sflag:s25] =	ssyncset.done $0x0  }
0x8a: {  	[sflag:s25] =	ssyncadd.s32 $0xFFFFFF80  }
0x8b: {  	_ =	swait.ge [sflag:s25], $0x80  }
0x8c: {  	[sflag:s25] =	ssyncset.done $0x0  }
0x8d: {  	[sflag:s25] =	ssyncadd.s32 $0xFFFFFF80  }
0x8e: {  	_ =	swait.ge [sflag:s31], $0x4000  }
0x8f: {  	[sflag:s31] =	ssyncset.done $0x0  }
0x90: {  	[sflag:s31] =	ssyncadd.s32 $0xFFFFC000  }
0x91: {  	[spmem:s1] =	stream.indirect.scatter.add.f32 [tilespmem:s23], [sflag:$0x4], $0x80, s26, s29, $0xb8;
	[tilespmem:$0x1E800] =	vst v63  }
0x92: {  	_ =	swait.ge [sflag:s0], $0x4000  }
0x93: {  	[sflag:s0] =	ssyncset.done $0x0  }
0x94: {  	[sflag:s0] =	ssyncadd.s32 $0xFFFFC000  }
0x95: {  	_ =	swait.ge [sflag:s24], $0x4000  }
0x96: {  	[sflag:s24] =	ssyncset.done $0x0  }
0x97: {  	[sflag:s24] =	ssyncadd.s32 $0xFFFFC000  }
0x98: {  	[spmem:s1] =	stream.indirect.scatter.add.f32 [tilespmem:s30], [sflag:$0x4], $0x80, s28, s29, $0xb8;
	[tilespmem:$0x1E800] =	vst v63  }
0x99: {  	_ =	swait.ge [sflag:s0], $0x4000  }
0x9a: {  	[sflag:s0] =	ssyncset.done $0x0  }
0x9b: {  	s5 =	simm.s32 @!p0 $0x0;
	s11 =	rddreg [dreg:$0x7];
	[sflag:s0] =	ssyncadd.s32 $0xFFFFC000  }
0x9c: {  	[tilespmem:s5], [sflag:$0x4] =	stream.linear.gather @!p0 [hbm4b:s11+s5], $0x80, $0x38;
	[tilespmem:$0x1E800] =	vst v63  }
0x9d: {  	s11 =	simm.s32 @!p0 $0x4  }
0x9e: {  	_ =	swait.ge @!p0 [sflag:s11], $0x80  }
0x9f: {  	[sflag:s11] =	ssyncset.done @!p0 $0x0  }
0xa0: {  	s12 =	simm.s32 @!p0 $0x2700;
	s13 =	rddreg [dreg:$0x8];
	[sflag:s11] =	ssyncadd.s32 @!p0 $0xFFFFFF80  }
0xa1: {  	[tilespmem:s12], [sflag:$0x4] =	stream.linear.gather @!p0 [hbm4b:s13+s5], $0x80, $0x38;
	[tilespmem:$0x1E800] =	vst v63  }
0xa2: {  	_ =	swait.ge @!p0 [sflag:s11], $0x80  }
0xa3: {  	[sflag:s11] =	ssyncset.done @!p0 $0x0  }
0xa4: {  	s14 =	simm.s32 @!p0 $0x2800;
	s13 =	simm.s32 @!p0 $0x80;
	[sflag:s11] =	ssyncadd.s32 @!p0 $0xFFFFFF80  }
0xa5: {  	[tilespmem:s14], [sflag:$0x4] =	stream.indirect.gather @!p0 [hbm4b:s4+s13], $0x80, s5, s13, $0xb8;
	[tilespmem:$0x1E800] =	vst v63  }
0xa6: {  	_ =	swait.ge @!p0 [sflag:s11], $0x4000  }
0xa7: {  	[sflag:s11] =	ssyncset.done @!p0 $0x0  }
0xa8: {  	[sflag:s11] =	ssyncadd.s32 @!p0 $0xFFFFC000  }
0xa9: {  	[spmem:s1] =	stream.indirect.scatter.add.f32 @!p0 [tilespmem:s14], [sflag:$0x4], $0x80, s12, s13, $0xb8;
	[tilespmem:$0x1E800] =	vst v63  }
0xaa: {  	_ =	swait.ge @!p0 [sflag:s11], $0x4000  }
0xab: {  	s12 =	stileid.u32;
	[sflag:s11] =	ssyncset.done @!p0 $0x0  }
0xac: {  	s13 =	sshrl.u32 s6, $0x3;
	s5 =	sshll.u32 s12, $0x6;
	[sflag:s11] =	ssyncadd.s32 @!p0 $0xFFFFC000  }
0xad: {  	s14 =	sshrl.u32 s7, $0x3;
	s5 =	sor.u32 $0x1C03, s5;
	[bflag:$0x0] =	sbarrier.arrive $0xFFFF  }
0xae: {  	[hbm:s15], [sflag:s5] =	dma.local [spmem:s13], $0x800  }
0xaf: {  	[hbm:s16], [sflag:s5] =	dma.local [spmem:s14], $0x800  }
0xb0: {  	s12 =	sshrl.u32 s8, $0x3;
	s13 =	sshrl.u32 s9, $0x3;
	s14 =	sshrl.u32 s10, $0x3  }
0xb1: {  	[hbm:s17], [sflag:s5] =	dma.local [spmem:s12], $0x800  }
0xb2: {  	[hbm:s18], [sflag:s5] =	dma.local [spmem:s13], $0x800  }
0xb3: {  	[hbm:s19], [sflag:s5] =	dma.local [spmem:s14], $0x800  }
0xb4: {  	_ =	swait.ge [sflag:s24], $0x800  }
0xb5: {  	[sflag:s24] =	ssyncset.done $0x0  }
0xb6: {  	[sflag:s24] =	ssyncadd.s32 $0xFFFFF800  }
0xb7: {  	_ =	swait.ge [sflag:s24], $0x800  }
0xb8: {  	[sflag:s24] =	ssyncset.done $0x0  }
0xb9: {  	[sflag:s24] =	ssyncadd.s32 $0xFFFFF800  }
0xba: {  	_ =	swait.ge [sflag:s24], $0x800  }
0xbb: {  	[sflag:s24] =	ssyncset.done $0x0  }
0xbc: {  	s2 =	sadd.s32 $0x1, s2;
	[sflag:s24] =	ssyncadd.s32 $0xFFFFF800  }
0xbd: {  	p1 =	sne.s32 s2, s20;
	_ =	swait.ge [sflag:s24], $0x800  }
.Ltmp2:
0xbe: {  	[sflag:s24] =	ssyncset.done $0x0;
	(pc) =	sbr.rel @p1 .LBB2_1-.Ltmp2, $4  }
0xbf: {  	[sflag:s24] =	ssyncadd.s32 $0xFFFFF800  }
0xc0: {  	_ =	swait.ge [sflag:s24], $0x800  }
0xc1: {  	[sflag:s24] =	ssyncset.done $0x0  }
0xc2: {  	[sflag:s24] =	ssyncadd.s32 $0xFFFFF800  }
0xc3: {  	_ =	sfence.sel $0x180000  }
0xc4: {  	[bflag:$0x0] =	sbarrier.arrive $0xFFFF  }
0xc5: {  	_ =	strace $0x9000004A  }
0xc6: {  	s0 =	stileid.u32;
	[bflag:$0x2] =	sbarrier.arrive $0xFFFF  }
0xc7: {  	p0 =	sne.s32 s0, $0x0;
	s0 =	rddreg [dreg:$0x3]  }
0xc8: {  	s0 =	sadd.s32 @!p0 $0x100000, s0  }
0xc9: {  	[sflag:s0] =	ssyncadd.tile.s32 @!p0 $0x1;
	_ =	shalt  }
.Lfunc_end2:
_tile_overlayer_lowered:
.L_overlay_start_2:
0xca: {  	(tag) =	ssettag $0x2  }
0xcb: {  	s0 =	rddreg [dreg:$0x0];
	s2 =	stileid.u32  }
0xcc: {  	s1 =	rddreg [dreg:$0x1];
	p0 =	sne.s32 s2, $0x0  }
0xcd: {  	s3 =	rddreg [dreg:$0x2];
	[bflag:$0x3] =	sbarrier.arrive $0xFFFF;
	s2 =	simm.s32 @!p0 $0x1C04  }
0xce: {  	[timem:s3], [sflag:s2] =	dma.local @!p0 [hbm:s0], s1  }
0xcf: {  	s0 =	simm.s32 @!p0 $0x4  }
0xd0: {  	_ =	swait.ge @!p0 [sflag:s0], s1  }
0xd1: {  	s1 =	ssub.s32 @!p0 $0x0, s1;
	[sflag:s0] =	ssyncset.done @!p0 $0x0  }
0xd2: {  	[sflag:s0] =	ssyncadd.s32 @!p0 s1  }
0xd3: {  	[bflag:$0x3] =	sbarrier.arrive $0xFFFF  }
0xd4: {  	_ =	shalt  }

// kernel: kernel.16.cloned.1.call-start
scs
__scs_entry_jumppad:
0x0: {  	(pc) =	sbr.rel $0x88, $3  }
0x1: {  	(tag) =	ssettag $0x0;
	lr =	simm.s32 $0x1  }
0x2: {  	[smem:$0x3F99] =	sst lr;
	_ =	strace $0xD0000000  }
0x3: {  	_ = 	snop  }
0x4: {  	_ = 	snop  }
0x5: {  	_ = 	snop  }
0x6: {  	_ = 	snop  }
0x7: {  	_ = 	snop  }
__scs_overlays_trampoline_lowered:
0x8: {  	[smem:$0x3FA8] =	sst s0  }
0x9: {  	[smem:$0x3FA9] =	sst s1  }
0xa: {  	[smem:$0x3FAA] =	sst s2  }
0xb: {  	[smem:$0x3FAB] =	sst s3  }
0xc: {  	[smem:$0x3FAC] =	sst s4  }
0xd: {  	[smem:$0x3FAD] =	sst s5  }
0xe: {  	[smem:$0x3FAE] =	sst s6  }
0xf: {  	[smem:$0x3FAF] =	sst s7  }
0x10: {  	[smem:$0x3FB0] =	sst s8  }
0x11: {  	[smem:$0x3FB1] =	sst s9;
	s0 =	simm.s32 @!p0 $0x0  }
0x12: {  	s1 =	sld [smem:$0x3F97];
	s0 =	simm.s32 @p0 $0x1  }
0x13: {  	[smem:$0x3FB2] =	sst s0;
	s0 =	simm.s32 @!p1 $0x0  }
0x14: {  	s2 =	sld [smem:$0x3F96];
	s0 =	simm.s32 @p1 $0x1  }
0x15: {  	[smem:$0x3FB3] =	sst s0;
	s0 =	simm.s32 @!p2 $0x0  }
0x16: {  	s3 =	sld [smem:$0x3FDB];
	s0 =	simm.s32 @p2 $0x1  }
0x17: {  	s4 =	simm.s32 $0x1BF5;
	[smem:$0x3FB5] =	sst s0  }
0x18: {  	s0 =	sld [smem:$0x3F98];
	_ =	swait.ge [sflag:s4], $0x0  }
0x19: {  	s7 =	sld [smem:$0x3F99]  }
0x1a: {  	s8 =	sadd.s32 $0xFFFFE003, lr  }
0x1b: {  	s9 =	sadd.s32 $0xFFFFFEF7, lr;
	s5 =	simm.s32 $0xFFFFFFFF;
	p2 =	slt.u32 s8, $0xFFFFF086  }
0x1c: {  	p1 =	slt.u32 s9, $0xF7A;
	s5 =	simm.s32 @!p2 $0x0  }
0x1d: {  	s5 =	simm.s32 @p1 $0x1;
	p0 =	seq.s32 s7, s2  }
0x1e: {  	s7 =	smul.u32 @!p0 $0xF7A, s2;
	p2 =	seq.s32 @!p0 s5, $0x0  }
0x1f: {  	s9 =	smul.u32 $0xF7A, s1;
	s8 =	simm.s32 @!p0 $0x1BF5;
	p2 =	por !p2, p0  }
0x20: {  	[sflag:s8] =	ssyncset.s32 @!p0 $0xFFFFF086;
	s6 =	sadd.s32 @!p0 s3, s7;
	s7 =	simm.s32 @!p0 $0x108  }
0x21: {  	s3 =	sadd.s32 s3, s9;
	s6 =	sadd.s32 @!p0 $0x88, s6;
	s7 =	simm.s32 @p2 $0x1082  }
0x22: {  	[simem:s7], [sflag:s8] =	dma.local @!p0 [hbm:s6], $0xF7A  }
0x23: {  	s9 =	sor.u32 $0xD0000000, s2;
	s6 =	simm.s32 $0x108;
	_ =	swait.ge @!p0 [sflag:s8], $0x0  }
0x24: {  	s3 =	sadd.s32 $0x88, s3;
	s6 =	simm.s32 @!p1 $0x1082;
	[sflag:s4] =	ssyncset.s32 $0xFFFFF086  }
0x25: {  	[simem:s6], [sflag:s4] =	dma.local [hbm:s3], $0xF7A  }
0x26: {  	[smem:$0x3F99] =	sst s1;
	(tag) =	ssettag s2;
	_ =	strace s9  }
0x27: {  	s1 =	sld [smem:$0x3FA9]  }
0x28: {  	s2 =	sld [smem:$0x3FAA]  }
0x29: {  	s4 =	sld [smem:$0x3FAC]  }
0x2a: {  	p0 =	seq.s32 s5, $0x0;
	s5 =	sld [smem:$0x3FAD]  }
0x2b: {  	s6 =	sld [smem:$0x3FAE]  }
0x2c: {  	s7 =	sld [smem:$0x3FAF]  }
0x2d: {  	s3 =	simm.s32 $0x108;
	s8 =	sld [smem:$0x3FB0]  }
0x2e: {  	s3 =	simm.s32 @!p0 $0x1082;
	s9 =	sld [smem:$0x3FB1]  }
0x2f: {  	lr =	sadd.s32 s0, s3;
	s0 =	sld [smem:$0x3FA8]  }
0x30: {  	s3 =	sld [smem:$0x3FAB]  }
0x31: {  	[smem:$0x3FB4] =	sst s10  }
0x32: {  	s10 =	sld [smem:$0x3FB2];
	_ =	sdelay $0x3  }
0x33: {  	p0 =	seq.s32 s10, $0x1;
	s10 =	sld [smem:$0x3FB4];
	_ =	sdelay $0x3  }
0x34: {  	[smem:$0x3FB4] =	sst s10  }
0x35: {  	s10 =	sld [smem:$0x3FB3];
	_ =	sdelay $0x3  }
0x36: {  	p1 =	seq.s32 s10, $0x1;
	s10 =	sld [smem:$0x3FB4];
	_ =	sdelay $0x3  }
0x37: {  	[smem:$0x3FB4] =	sst s10  }
0x38: {  	s10 =	sld [smem:$0x3FB5]  }
0x39: {  	_ = 	snop;
	(pc) =	sbr.ind lr, $3  }
0x3a: {  	_ = 	snop  }
0x3b: {  	_ = 	snop  }
0x3c: {  	p2 =	seq.s32 s10, $0x1;
	s10 =	sld [smem:$0x3FB4]  }
0x3d: {  	_ =	shalt  }
0x3e: {  	_ =	shalt  }
0x3f: {  	_ =	shalt  }
0x40: {  	_ =	shalt  }
0x41: {  	_ =	shalt  }
0x42: {  	_ =	shalt  }
0x43: {  	_ =	shalt  }
0x44: {  	_ =	shalt  }
0x45: {  	_ =	shalt  }
0x46: {  	_ =	shalt  }
0x47: {  	_ =	shalt  }
0x48: {  	_ =	shalt  }
0x49: {  	_ =	shalt  }
0x4a: {  	_ =	shalt  }
0x4b: {  	_ =	shalt  }
0x4c: {  	_ =	shalt  }
0x4d: {  	_ =	shalt  }
0x4e: {  	_ =	shalt  }
0x4f: {  	_ =	shalt  }
0x50: {  	_ =	shalt  }
0x51: {  	_ =	shalt  }
0x52: {  	_ =	shalt  }
0x53: {  	_ =	shalt  }
0x54: {  	_ =	shalt  }
0x55: {  	_ =	shalt  }
0x56: {  	_ =	shalt  }
0x57: {  	_ =	shalt  }
0x58: {  	_ =	shalt  }
0x59: {  	_ =	shalt  }
0x5a: {  	_ =	shalt  }
0x5b: {  	_ =	shalt  }
0x5c: {  	_ =	shalt  }
0x5d: {  	_ =	shalt  }
0x5e: {  	_ =	shalt  }
0x5f: {  	_ =	shalt  }
0x60: {  	_ =	shalt  }
0x61: {  	_ =	shalt  }
0x62: {  	_ =	shalt  }
0x63: {  	_ =	shalt  }
0x64: {  	_ =	shalt  }
0x65: {  	_ =	shalt  }
0x66: {  	_ =	shalt  }
0x67: {  	_ =	shalt  }
0x68: {  	_ =	shalt  }
0x69: {  	_ =	shalt  }
0x6a: {  	_ =	shalt  }
0x6b: {  	_ =	shalt  }
0x6c: {  	_ =	shalt  }
0x6d: {  	_ =	shalt  }
0x6e: {  	_ =	shalt  }
0x6f: {  	_ =	shalt  }
0x70: {  	_ =	shalt  }
0x71: {  	_ =	shalt  }
0x72: {  	_ =	shalt  }
0x73: {  	_ =	shalt  }
0x74: {  	_ =	shalt  }
0x75: {  	_ =	shalt  }
0x76: {  	_ =	shalt  }
0x77: {  	_ =	shalt  }
0x78: {  	_ =	shalt  }
0x79: {  	_ =	shalt  }
0x7a: {  	_ =	shalt  }
0x7b: {  	_ =	shalt  }
0x7c: {  	_ =	shalt  }
0x7d: {  	_ =	shalt  }
0x7e: {  	_ =	shalt  }
0x7f: {  	_ =	shalt  }
0x80: {  	_ =	shalt  }
0x81: {  	_ =	shalt  }
0x82: {  	_ =	shalt  }
0x83: {  	_ =	shalt  }
0x84: {  	_ =	shalt  }
0x85: {  	_ =	shalt  }
0x86: {  	_ =	shalt  }
0x87: {  	_ =	shalt  }
.Lfunc_end0:
.L_simem_size_0:
called_computation.2_lowered:
.L_overlay_start_0:
0x88: {  	s2 =	sld [smem:$0x3FD9]  }
0x89: {  	s3 =	sld [smem:$0x3FFE];
	_ =	sdelay $0x1  }
0x8a: {  	s1 =	srdreg.scid  }
0x8b: {  	s0 =	sand.u32 $0x1, s1  }
0x8c: {  	s17 =	sshll.u32 s0, $0xA;
	s2 =	sadd.s32 s3, s2  }
0x8d: {  	s2 =	sadd.s32 s2, s17  }
0x8e: {  	[smem:$0x3FC0] =	sst s2  }
0x8f: {  	_ = 	snop  }
0x90: {  	s2 =	sld [smem:$0x3FD0];
	(tm) =	ssettm $0x1  }
0x91: {  	s18 =	sld [smem:$0x3FFB];
	_ =	sdelay $0x3  }
0x92: {  	_ =	strace s18  }
0x93: {  	s3 =	sld [smem:$0x3FFC];
	_ =	sdelay $0x3  }
0x94: {  	_ =	strace s3  }
0x95: {  	s3 =	sld [smem:$0x3FFD];
	_ =	sdelay $0x3  }
0x96: {  	_ =	strace s3  }
0x97: {  	_ =	strace $0x8FFFFFFF  }
0x98: {  	s19 =	sld [smem:$0x3FDB];
	_ =	sdelay $0x1  }
0x99: {  	s4 =	simm.s32 $_scs_section_size  }
0x9a: {  	s5 =	simm.s32 $_size__tile_overlayer_lowered;
	s6 =	simm.s32 $_tile_overlayer_lowered  }
0x9b: {  	s22 =	simm.s32 $0x1BFF;
	s21 =	sshll.u32 s6, $0x1;
	s3 =	sadd.s32 s4, s19  }
0x9c: {  	s7 =	simm.s32 $0x0;
	s20 =	sshll.u32 s5, $0x1;
	s5 =	sadd.s32 s21, s3  }
0x9d: {  	[timem:s7], [sflag:s22] =	dma.local [hbm:s5], s20  }
0x9e: {  	_ =	swait.ge [sflag:s22], s20  }
0x9f: {  	s4 =	ssub.s32 $0x0, s20;
	[sflag:s22] =	ssyncset.done $0x0  }
0xa0: {  	[sflag:s22] =	ssyncadd.s32 s4;
	_ =	sdelay $0x1  }
0xa1: {  	s23 =	simm.s32 $0x1B8B  }
0xa2: {  	_ =	swait.ge [sflag:s23], $0x1  }
0xa3: {  	[sflag:s23] =	ssyncset.done $0x0  }
0xa4: {  	s25 =	simm.s32 $0x1B8E;
	s24 =	sld [smem:$0x3FFE];
	[sflag:s23] =	ssyncadd.s32 $0xFFFFFFFF  }
0xa5: {  	s26 =	simm.s32 $execute0_lowered;
	[smem:$0x3FD2] =	sst s25  }
0xa6: {  	s5 =	sshll.u32 s26, $0x1;
	_ =	strace $0x8000004C;
	[dreg:$0x1] =	wrdreg $0xFFFFFFFF  }
0xa7: {  	s28 =	simm.s32 $_size_execute0_lowered;
	s3 =	sadd.s32 s3, s5;
	[dreg:$0x0] =	wrdreg $0x0  }
0xa8: {  	s5 =	sshll.u32 s28, $0x1;
	[dreg:$0x2] =	wrdreg s3  }
0xa9: {  	[dreg:$0x3] =	wrdreg s5  }
0xaa: {  	[dreg:$0x4] =	wrdreg $0xC0  }
0xab: {  	_ =	task [dreg:s7], $0x5FFFF  }
0xac: {  	[dreg:$0x1] =	wrdreg $0xFFFFFFFF  }
0xad: {  	[dreg:$0x0] =	wrdreg $0x60  }
0xae: {  	[dreg:$0x2] =	wrdreg s24  }
0xaf: {  	[dreg:$0x3] =	wrdreg s2  }
0xb0: {  	[dreg:$0x4] =	wrdreg $0xA8000  }
0xb1: {  	[dreg:$0x5] =	wrdreg $0x9  }
0xb2: {  	_ =	task.clear_ibuf [dreg:s7], $0x6FFFF;
	_ =	strace $0x9000004C  }
0xb3: {  	s29 =	simm.s32 $0x9;
	_ =	strace $0x8000004E  }
0xb4: {  	_ =	swait.ge [sflag:s29], $0x1  }
0xb5: {  	[sflag:s29] =	ssyncadd.s32 $0xFFFFFFFF  }
0xb6: {  	_ =	strace $0x9000004E  }
0xb7: {  	_ =	sfence  }
0xb8: {  	s30 =	sld [smem:$0x0];
	_ =	sdelay $0x2  }
0xb9: {  	s31 =	sshll.u32 s1, $0xD;
	s1 =	sshrl.u32 s1, $0x2  }
0xba: {  	s3 =	sand.u32 $0x4000, s31;
	s1 =	sadd.s32 s1, s30  }
0xbb: {  	s0 =	sor.u32 s3, s0;
	s1 =	sshll.u32 s1, $0x11  }
0xbc: {  	s0 =	sor.u32 s1, s0  }
0xbd: {  	s0 =	sadd.s32 $0x8F2B, s0  }
0xbe: {  	[sflag:s0] =	ssyncadd.remote.s32 $0x1  }
0xbf: {  	_ =	sfence.sel $0xFFFF  }
0xc0: {  	[dreg:$0x0] =	wrdreg $0xFFFFFFFF;
	(pc) =	sbr.abs _section_cstart, $3  }
0xc1: {  	[dreg:$0x1] =	wrdreg $0xFFFFFFFF  }
0xc2: {  	_ =	task.clear_ibuf [dreg:s7], $0x2FFFF;
	_ =	strace $0x9FFFFFFF  }
0xc3: {  	(tm) =	ssettm $0x7FFFFFFF  }
tec
execute0_lowered:
.L_overlay_start_1:
0x0: {  	(tag) =	ssettag $0x1  }
0x1: {  	s0 =	rddreg [dreg:$0x0]  }
0x2: {  	s2 =	rddreg [dreg:$0x1]  }
0x3: {  	s1 =	rddreg [dreg:$0x2]  }
0x4: {  	s3 =	srdreg.scid;
	s23 =	stileid.u32;
	s28 =	simm.s32 $0x2780  }
0x5: {  	s29 =	simm.s32 $0x80;
	s30 =	simm.s32 $0x6800;
	s7 =	smul.u32 $0x50000, s23  }
0x6: {  	s31 =	simm.s32 $0x2;
	s5 =	sand.u32 $0x1, s3;
	s14 =	smul.u32 $0x14000, s23  }
0x7: {  	s3 =	simm.s32 $0x0;
	s13 =	sadd.s32 $0x2A00, s0;
	s26 =	smul.u32 $0x4E, s23  }
0x8: {  	s21 =	sshll.u32 s23, $0x4;
	s4 =	sshll.u32 s5, $0x4;
	s19 =	smul.u32 $0x140000, s5  }
0x9: {  	[smem:$0x7FF] =	sst s3;
	s6 =	ssub.s32 $0x2, s5;
	s5 =	smul.u32 $0x4E0, s5  }
0xa: {  	s21 =	sor.u32 $0x9C00, s21;
	s11 =	sor.u32 s23, s4;
	_ =	strace $0x8000004D  }
0xb: {  	s4 =	sadd.s32 $0xC800, s0;
	s0 =	sadd.s32 $0x33A00, s0;
	s8 =	sshrl.u32 s6, $0x1  }
0xc: {  	s25 =	sshrl.u32 s7, $0x2;
	s15 =	sadd.s32 $0x4000, s14;
	s16 =	sadd.s32 $0x8000, s14  }
0xd: {  	s17 =	sadd.s32 $0xC000, s14;
	s18 =	sadd.s32 $0x10000, s14;
	s12 =	smul.u32 $0x4E0, s11  }
0xe: {  	s20 =	ssub.s32 s6, s8;
	s6 =	sadd.s32 s25, s1;
	s7 =	sadd.s32 s15, s1  }
0xf: {  	s8 =	sadd.s32 s16, s1;
	s9 =	sadd.s32 s17, s1;
	s10 =	sadd.s32 s18, s1  }
0x10: {  	s22 =	sadd.s32 s14, s19;
	s15 =	sadd.s32 s19, s15;
	s23 =	sadd.s32 s19, s16  }
0x11: {  	s25 =	sadd.s32 $0x10, s2;
	s5 =	sadd.s32 s26, s5;
	p0 =	sgt.u32 s11, $0x3  }
0x12: {  	s23 =	sshrl.u32 s23, $0x3;
	s5 =	sshll.u32 s5, $0x4;
	s24 =	sadd.s32 s13, s12  }
0x13: {  	s20 =	smax.u32 s20, $0x1;
	s26 =	sadd.s32 s2, s12;
	[dreg:$0x4] =	wrdreg s24  }
0x14: {  	s12 =	sadd.s32 s12, s25;
	s5 =	sadd.s32 $0x20, s5;
	[dreg:$0x5] =	wrdreg s26  }
0x15: {  	s24 =	sadd.s32 s19, s17;
	[dreg:$0x6] =	wrdreg s12;
	s17 =	sadd.s32 s13, s21  }
0x16: {  	s19 =	sadd.s32 s19, s18;
	s18 =	sadd.s32 s2, s21;
	[dreg:$0x7] =	wrdreg s17  }
0x17: {  	s21 =	sshrl.u32 s22, $0x3;
	s22 =	sshrl.u32 s15, $0x3;
	[dreg:$0x8] =	wrdreg s18  }
0x18: {  	s15 =	sadd.s32 s0, s21;
	s16 =	sadd.s32 s0, s22;
	s17 =	sadd.s32 s0, s23  }
0x19: {  	s26 =	sshrl.u32 s24, $0x3;
	s19 =	sshrl.u32 s19, $0x3;
	s21 =	sadd.s32 s2, s5  }
0x1a: {  	s22 =	sadd.s32 s5, s25;
	s23 =	simm.s32 $0x2800;
	s24 =	simm.s32 $0x3  }
0x1b: {  	s25 =	simm.s32 $0x1;
	s2 =	simm.s32 $0x0;
	s18 =	sadd.s32 s0, s26  }
0x1c: {  	v0 =	vimm.f32 $0.0e+00;
	s19 =	sadd.s32 s0, s19;
	s26 =	simm.s32 $0x2700;
	s0 =	simm.s32 $0x4  }
.LBB2_1:
0x1d: {  	s5 =	rddreg [dreg:$0x4]  }
0x1e: {  	[tilespmem:s3], [sflag:$0x1] =	stream.linear.gather [hbm4b:s5+s3], $0x2700, $0x38;
	[tilespmem:$0x1E800] =	vst v63  }
0x1f: {  	s11 =	simm.s32 $0x200;
	s5 =	simm.s32 $0x0  }
.LBB2_2:
0x20: {  	p1 =	sne.s32 s11, $0xFE00;
	[tilespmem:s5+$0x2870] =	vst v0  }
0x21: {  	[tilespmem:s5+$0x2800] =	vst v0  }
0x22: {  	[tilespmem:s5+$0x2810] =	vst v0  }
.Ltmp0:
0x23: {  	[tilespmem:s5+$0x2820] =	vst v0;
	(pc) =	sbr.rel @p1 .LBB2_2-.Ltmp0, $4  }
0x24: {  	[tilespmem:s5+$0x2830] =	vst v0  }
0x25: {  	[tilespmem:s5+$0x2840] =	vst v0  }
0x26: {  	[tilespmem:s5+$0x2850] =	vst v0  }
0x27: {  	[tilespmem:s5+$0x2860] =	vst v0;
	s5 =	sshra.s32 s11, $0x2;
	s11 =	sadd.s32 $0x200, s11  }
0x28: {  	[tilespmem:s5+$0x2870] =	vst v0  }
0x29: {  	[tilespmem:s5+$0x2800] =	vst v0  }
0x2a: {  	[tilespmem:s5+$0x2810] =	vst v0  }
0x2b: {  	[tilespmem:s5+$0x2820] =	vst v0  }
0x2c: {  	[tilespmem:s5+$0x2830] =	vst v0  }
0x2d: {  	[tilespmem:s5+$0x2840] =	vst v0  }
0x2e: {  	[tilespmem:s5+$0x2850] =	vst v0  }
0x2f: {  	[tilespmem:s5+$0x2860] =	vst v0  }
0x30: {  	[spmem:s6] =	stream.linear.scatter [tilespmem:s23], [sflag:$0x3], $0x4000, $0x38;
	[tilespmem:$0x1E800] =	vst v63  }
0x31: {  	_ = 	snop  }
0x32: {  	[spmem:s7] =	stream.linear.scatter [tilespmem:s23], [sflag:$0x3], $0x4000, $0x38;
	[tilespmem:$0x1E800] =	vst v63  }
0x33: {  	_ = 	snop  }
0x34: {  	[spmem:s8] =	stream.linear.scatter [tilespmem:s23], [sflag:$0x3], $0x4000, $0x38;
	[tilespmem:$0x1E800] =	vst v63  }
0x35: {  	_ = 	snop  }
0x36: {  	[spmem:s9] =	stream.linear.scatter [tilespmem:s23], [sflag:$0x3], $0x4000, $0x38;
	[tilespmem:$0x1E800] =	vst v63  }
0x37: {  	_ = 	snop  }
0x38: {  	[spmem:s10] =	stream.linear.scatter [tilespmem:s23], [sflag:$0x3], $0x4000, $0x38;
	[tilespmem:$0x1E800] =	vst v63  }
0x39: {  	_ =	swait.ge [sflag:s24], $0x4000  }
0x3a: {  	[sflag:s24] =	ssyncset.done $0x0  }
0x3b: {  	[sflag:s24] =	ssyncadd.s32 $0xFFFFC000  }
0x3c: {  	_ =	swait.ge [sflag:s24], $0x4000  }
0x3d: {  	[sflag:s24] =	ssyncset.done $0x0  }
0x3e: {  	[sflag:s24] =	ssyncadd.s32 $0xFFFFC000  }
0x3f: {  	_ =	swait.ge [sflag:s24], $0x4000  }
0x40: {  	[sflag:s24] =	ssyncset.done $0x0  }
0x41: {  	[sflag:s24] =	ssyncadd.s32 $0xFFFFC000  }
0x42: {  	_ =	swait.ge [sflag:s24], $0x4000  }
0x43: {  	[sflag:s24] =	ssyncset.done $0x0  }
0x44: {  	[sflag:s24] =	ssyncadd.s32 $0xFFFFC000  }
0x45: {  	_ =	swait.ge [sflag:s24], $0x4000  }
0x46: {  	[sflag:s24] =	ssyncset.done $0x0  }
0x47: {  	[sflag:s24] =	ssyncadd.s32 $0xFFFFC000  }
0x48: {  	_ =	swait.ge [sflag:s25], $0x2700  }
0x49: {  	[sflag:s25] =	ssyncset.done $0x0  }
0x4a: {  	[sflag:s25] =	ssyncadd.s32 $0xFFFFD900  }
0x4b: {  	[bflag:$0x0] =	sbarrier.arrive $0xFFFF  }
0x4c: {  	s13 =	simm.s32 $0x0;
	s11 =	rddreg [dreg:$0x5]  }
0x4d: {  	[tilespmem:s26], [sflag:$0x1] =	stream.linear.gather [hbm4b:s11+s13], $0x80, $0x38;
	[tilespmem:$0x1E800] =	vst v63  }
0x4e: {  	s14 =	rddreg [dreg:$0x6]  }
0x4f: {  	[tilespmem:s28], [sflag:$0x1] =	stream.linear.gather [hbm4b:s14+s13], $0x80, $0x38;
	[tilespmem:$0x1E800] =	vst v63  }
0x50: {  	_ = 	snop  }
0x51: {  	[tilespmem:s23], [sflag:$0x2] =	stream.indirect.gather [hbm4b:s4+s29], $0x80, s13, s29, $0xb8;
	[tilespmem:$0x1E800] =	vst v63  }
0x52: {  	_ = 	snop  }
0x53: {  	[tilespmem:s30], [sflag:$0x3] =	stream.indirect.gather [hbm4b:s4+s29], $0x80, s29, s29, $0xb8;
	[tilespmem:$0x1E800] =	vst v63  }
0x54: {  	_ =	swait.ge [sflag:s25], $0x80  }
0x55: {  	[sflag:s25] =	ssyncset.done $0x0  }
0x56: {  	[sflag:s25] =	ssyncadd.s32 $0xFFFFFF80  }
0x57: {  	_ =	swait.ge [sflag:s25], $0x80  }
0x58: {  	[sflag:s25] =	ssyncset.done $0x0  }
0x59: {  	[sflag:s25] =	ssyncadd.s32 $0xFFFFFF80  }
0x5a: {  	_ =	swait.ge [sflag:s31], $0x4000  }
0x5b: {  	[sflag:s31] =	ssyncset.done $0x0  }
0x5c: {  	[sflag:s31] =	ssyncadd.s32 $0xFFFFC000  }
0x5d: {  	[spmem:s1] =	stream.indirect.scatter.add.f32 [tilespmem:s23], [sflag:$0x4], $0x80, s26, s29, $0xb8;
	[tilespmem:$0x1E800] =	vst v63  }
0x5e: {  	_ =	swait.ge [sflag:s0], $0x4000  }
0x5f: {  	[sflag:s0] =	ssyncset.done $0x0  }
0x60: {  	s12 =	sadd.s32 $0x0, s21;
	[sflag:s0] =	ssyncadd.s32 $0xFFFFC000  }
0x61: {  	[tilespmem:s26], [sflag:$0x1] =	stream.linear.gather [hbm4b:s12+s3], $0x80, $0x38;
	[tilespmem:$0x1E800] =	vst v63  }
0x62: {  	s5 =	simm.s32 $0x100  }
0x63: {  	[tilespmem:s23], [sflag:$0x2] =	stream.indirect.gather [hbm4b:s4+s29], $0x80, s5, s29, $0xb8;
	[tilespmem:$0x1E800] =	vst v63  }
0x64: {  	_ =	swait.ge [sflag:s24], $0x4000  }
0x65: {  	[sflag:s24] =	ssyncset.done $0x0  }
0x66: {  	[sflag:s24] =	ssyncadd.s32 $0xFFFFC000  }
0x67: {  	[spmem:s1] =	stream.indirect.scatter.add.f32 [tilespmem:s30], [sflag:$0x4], $0x80, s28, s29, $0xb8;
	[tilespmem:$0x1E800] =	vst v63  }
0x68: {  	_ =	swait.ge [sflag:s0], $0x4000  }
0x69: {  	[sflag:s0] =	ssyncset.done $0x0  }
0x6a: {  	s13 =	sadd.s32 $0x0, s22;
	[sflag:s0] =	ssyncadd.s32 $0xFFFFC000  }
0x6b: {  	[tilespmem:s28], [sflag:$0x1] =	stream.linear.gather [hbm4b:s13+s3], $0x80, $0x38;
	[tilespmem:$0x1E800] =	vst v63  }
0x6c: {  	s14 =	simm.s32 $0x180  }
0x6d: {  	[tilespmem:s30], [sflag:$0x3] =	stream.indirect.gather [hbm4b:s4+s29], $0x80, s14, s29, $0xb8;
	[tilespmem:$0x1E800] =	vst v63  }
0x6e: {  	_ =	swait.ge [sflag:s25], $0x80  }
0x6f: {  	[sflag:s25] =	ssyncset.done $0x0  }
0x70: {  	[sflag:s25] =	ssyncadd.s32 $0xFFFFFF80  }
0x71: {  	_ =	swait.ge [sflag:s25], $0x80  }
0x72: {  	s11 =	simm.s32 $0x20;
	[sflag:s25] =	ssyncset.done $0x0  }
.LBB2_4:
0x73: {  	p1 =	sne.s32 s11, $0x4A0;
	[sflag:s25] =	ssyncadd.s32 $0xFFFFFF80;
	s5 =	sadd.s32 $0x100, s5  }
0x74: {  	s12 =	smov.u32 s11;
	s11 =	sadd.s32 $0x20, s11;
	_ =	swait.ge [sflag:s31], $0x4000  }
0x75: {  	[sflag:s31] =	ssyncset.done $0x0  }
0x76: {  	[sflag:s31] =	ssyncadd.s32 $0xFFFFC000  }
0x77: {  	[spmem:s1] =	stream.indirect.scatter.add.f32 [tilespmem:s23], [sflag:$0x4], $0x80, s26, s29, $0xb8;
	[tilespmem:$0x1E800] =	vst v63  }
0x78: {  	_ =	swait.ge [sflag:s0], $0x4000  }
0x79: {  	[sflag:s0] =	ssyncset.done $0x0  }
0x7a: {  	s13 =	sadd.s32 s12, s21;
	[sflag:s0] =	ssyncadd.s32 $0xFFFFC000  }
0x7b: {  	[tilespmem:s26], [sflag:$0x1] =	stream.linear.gather [hbm4b:s13+s3], $0x80, $0x38;
	[tilespmem:$0x1E800] =	vst v63  }
0x7c: {  	_ = 	snop  }
0x7d: {  	[tilespmem:s23], [sflag:$0x2] =	stream.indirect.gather [hbm4b:s4+s29], $0x80, s5, s29, $0xb8;
	[tilespmem:$0x1E800] =	vst v63  }
0x7e: {  	_ =	swait.ge [sflag:s24], $0x4000  }
0x7f: {  	[sflag:s24] =	ssyncset.done $0x0  }
0x80: {  	[sflag:s24] =	ssyncadd.s32 $0xFFFFC000  }
0x81: {  	[spmem:s1] =	stream.indirect.scatter.add.f32 [tilespmem:s30], [sflag:$0x4], $0x80, s28, s29, $0xb8;
	[tilespmem:$0x1E800] =	vst v63  }
0x82: {  	_ =	swait.ge [sflag:s0], $0x4000  }
0x83: {  	[sflag:s0] =	ssyncset.done $0x0  }
0x84: {  	s12 =	sadd.s32 s12, s22;
	[sflag:s0] =	ssyncadd.s32 $0xFFFFC000  }
0x85: {  	[tilespmem:s28], [sflag:$0x1] =	stream.linear.gather [hbm4b:s12+s3], $0x80, $0x38;
	[tilespmem:$0x1E800] =	vst v63  }
0x86: {  	s12 =	sadd.s32 $0x80, s5  }
0x87: {  	[tilespmem:s30], [sflag:$0x3] =	stream.indirect.gather [hbm4b:s4+s29], $0x80, s12, s29, $0xb8;
	[tilespmem:$0x1E800] =	vst v63  }
.Ltmp1:
0x88: {  	_ =	swait.ge [sflag:s25], $0x80;
	(pc) =	sbr.rel @p1 .LBB2_4-.Ltmp1, $4  }
0x89: {  	[sflag:s25] =	ssyncset.done $0x0  }
0x8a: {  	[sflag:s25] =	ssyncadd.s32 $0xFFFFFF80  }
0x8b: {  	_ =	swait.ge [sflag:s25], $0x80  }
0x8c: {  	[sflag:s25] =	ssyncset.done $0x0  }
0x8d: {  	[sflag:s25] =	ssyncadd.s32 $0xFFFFFF80  }
0x8e: {  	_ =	swait.ge [sflag:s31], $0x4000  }
0x8f: {  	[sflag:s31] =	ssyncset.done $0x0  }
0x90: {  	[sflag:s31] =	ssyncadd.s32 $0xFFFFC000  }
0x91: {  	[spmem:s1] =	stream.indirect.scatter.add.f32 [tilespmem:s23], [sflag:$0x4], $0x80, s26, s29, $0xb8;
	[tilespmem:$0x1E800] =	vst v63  }
0x92: {  	_ =	swait.ge [sflag:s0], $0x4000  }
0x93: {  	[sflag:s0] =	ssyncset.done $0x0  }
0x94: {  	[sflag:s0] =	ssyncadd.s32 $0xFFFFC000  }
0x95: {  	_ =	swait.ge [sflag:s24], $0x4000  }
0x96: {  	[sflag:s24] =	ssyncset.done $0x0  }
0x97: {  	[sflag:s24] =	ssyncadd.s32 $0xFFFFC000  }
0x98: {  	[spmem:s1] =	stream.indirect.scatter.add.f32 [tilespmem:s30], [sflag:$0x4], $0x80, s28, s29, $0xb8;
	[tilespmem:$0x1E800] =	vst v63  }
0x99: {  	_ =	swait.ge [sflag:s0], $0x4000  }
0x9a: {  	[sflag:s0] =	ssyncset.done $0x0  }
0x9b: {  	s5 =	simm.s32 @!p0 $0x0;
	s11 =	rddreg [dreg:$0x7];
	[sflag:s0] =	ssyncadd.s32 $0xFFFFC000  }
0x9c: {  	[tilespmem:s5], [sflag:$0x4] =	stream.linear.gather @!p0 [hbm4b:s11+s5], $0x80, $0x38;
	[tilespmem:$0x1E800] =	vst v63  }
0x9d: {  	s11 =	simm.s32 @!p0 $0x4  }
0x9e: {  	_ =	swait.ge @!p0 [sflag:s11], $0x80  }
0x9f: {  	[sflag:s11] =	ssyncset.done @!p0 $0x0  }
0xa0: {  	s12 =	simm.s32 @!p0 $0x2700;
	s13 =	rddreg [dreg:$0x8];
	[sflag:s11] =	ssyncadd.s32 @!p0 $0xFFFFFF80  }
0xa1: {  	[tilespmem:s12], [sflag:$0x4] =	stream.linear.gather @!p0 [hbm4b:s13+s5], $0x80, $0x38;
	[tilespmem:$0x1E800] =	vst v63  }
0xa2: {  	_ =	swait.ge @!p0 [sflag:s11], $0x80  }
0xa3: {  	[sflag:s11] =	ssyncset.done @!p0 $0x0  }
0xa4: {  	s14 =	simm.s32 @!p0 $0x2800;
	s13 =	simm.s32 @!p0 $0x80;
	[sflag:s11] =	ssyncadd.s32 @!p0 $0xFFFFFF80  }
0xa5: {  	[tilespmem:s14], [sflag:$0x4] =	stream.indirect.gather @!p0 [hbm4b:s4+s13], $0x80, s5, s13, $0xb8;
	[tilespmem:$0x1E800] =	vst v63  }
0xa6: {  	_ =	swait.ge @!p0 [sflag:s11], $0x4000  }
0xa7: {  	[sflag:s11] =	ssyncset.done @!p0 $0x0  }
0xa8: {  	[sflag:s11] =	ssyncadd.s32 @!p0 $0xFFFFC000  }
0xa9: {  	[spmem:s1] =	stream.indirect.scatter.add.f32 @!p0 [tilespmem:s14], [sflag:$0x4], $0x80, s12, s13, $0xb8;
	[tilespmem:$0x1E800] =	vst v63  }
0xaa: {  	_ =	swait.ge @!p0 [sflag:s11], $0x4000  }
0xab: {  	s12 =	stileid.u32;
	[sflag:s11] =	ssyncset.done @!p0 $0x0  }
0xac: {  	s13 =	sshrl.u32 s6, $0x3;
	s5 =	sshll.u32 s12, $0x6;
	[sflag:s11] =	ssyncadd.s32 @!p0 $0xFFFFC000  }
0xad: {  	s14 =	sshrl.u32 s7, $0x3;
	s5 =	sor.u32 $0x1C03, s5;
	[bflag:$0x0] =	sbarrier.arrive $0xFFFF  }
0xae: {  	[hbm:s15], [sflag:s5] =	dma.local [spmem:s13], $0x800  }
0xaf: {  	[hbm:s16], [sflag:s5] =	dma.local [spmem:s14], $0x800  }
0xb0: {  	s12 =	sshrl.u32 s8, $0x3;
	s13 =	sshrl.u32 s9, $0x3;
	s14 =	sshrl.u32 s10, $0x3  }
0xb1: {  	[hbm:s17], [sflag:s5] =	dma.local [spmem:s12], $0x800  }
0xb2: {  	[hbm:s18], [sflag:s5] =	dma.local [spmem:s13], $0x800  }
0xb3: {  	[hbm:s19], [sflag:s5] =	dma.local [spmem:s14], $0x800  }
0xb4: {  	_ =	swait.ge [sflag:s24], $0x800  }
0xb5: {  	[sflag:s24] =	ssyncset.done $0x0  }
0xb6: {  	[sflag:s24] =	ssyncadd.s32 $0xFFFFF800  }
0xb7: {  	_ =	swait.ge [sflag:s24], $0x800  }
0xb8: {  	[sflag:s24] =	ssyncset.done $0x0  }
0xb9: {  	[sflag:s24] =	ssyncadd.s32 $0xFFFFF800  }
0xba: {  	_ =	swait.ge [sflag:s24], $0x800  }
0xbb: {  	[sflag:s24] =	ssyncset.done $0x0  }
0xbc: {  	s2 =	sadd.s32 $0x1, s2;
	[sflag:s24] =	ssyncadd.s32 $0xFFFFF800  }
0xbd: {  	p1 =	sne.s32 s2, s20;
	_ =	swait.ge [sflag:s24], $0x800  }
.Ltmp2:
0xbe: {  	[sflag:s24] =	ssyncset.done $0x0;
	(pc) =	sbr.rel @p1 .LBB2_1-.Ltmp2, $4  }
0xbf: {  	[sflag:s24] =	ssyncadd.s32 $0xFFFFF800  }
0xc0: {  	_ =	swait.ge [sflag:s24], $0x800  }
0xc1: {  	[sflag:s24] =	ssyncset.done $0x0  }
0xc2: {  	[sflag:s24] =	ssyncadd.s32 $0xFFFFF800  }
0xc3: {  	_ =	sfence.sel $0x180000  }
0xc4: {  	[bflag:$0x0] =	sbarrier.arrive $0xFFFF  }
0xc5: {  	_ =	strace $0x9000004D  }
0xc6: {  	s0 =	stileid.u32;
	[bflag:$0x2] =	sbarrier.arrive $0xFFFF  }
0xc7: {  	p0 =	sne.s32 s0, $0x0;
	s0 =	rddreg [dreg:$0x3]  }
0xc8: {  	s0 =	sadd.s32 @!p0 $0x100000, s0  }
0xc9: {  	[sflag:s0] =	ssyncadd.tile.s32 @!p0 $0x1;
	_ =	shalt  }
.Lfunc_end2:
_tile_overlayer_lowered:
.L_overlay_start_2:
0xca: {  	(tag) =	ssettag $0x2  }
0xcb: {  	s0 =	rddreg [dreg:$0x0];
	s2 =	stileid.u32  }
0xcc: {  	s1 =	rddreg [dreg:$0x1];
	p0 =	sne.s32 s2, $0x0  }
0xcd: {  	s3 =	rddreg [dreg:$0x2];
	[bflag:$0x3] =	sbarrier.arrive $0xFFFF;
	s2 =	simm.s32 @!p0 $0x1C04  }
0xce: {  	[timem:s3], [sflag:s2] =	dma.local @!p0 [hbm:s0], s1  }
0xcf: {  	s0 =	simm.s32 @!p0 $0x4  }
0xd0: {  	_ =	swait.ge @!p0 [sflag:s0], s1  }
0xd1: {  	s1 =	ssub.s32 @!p0 $0x0, s1;
	[sflag:s0] =	ssyncset.done @!p0 $0x0  }
0xd2: {  	[sflag:s0] =	ssyncadd.s32 @!p0 s1  }
0xd3: {  	[bflag:$0x3] =	sbarrier.arrive $0xFFFF  }
0xd4: {  	_ =	shalt  }

// kernel: kernel.19.cloned.1.call-start
scs
__scs_entry_jumppad:
0x0: {  	(pc) =	sbr.rel $0x88, $3  }
0x1: {  	(tag) =	ssettag $0x0;
	lr =	simm.s32 $0x1  }
0x2: {  	[smem:$0x3F99] =	sst lr;
	_ =	strace $0xD0000000  }
0x3: {  	_ = 	snop  }
0x4: {  	_ = 	snop  }
0x5: {  	_ = 	snop  }
0x6: {  	_ = 	snop  }
0x7: {  	_ = 	snop  }
__scs_overlays_trampoline_lowered:
0x8: {  	[smem:$0x3FA8] =	sst s0  }
0x9: {  	[smem:$0x3FA9] =	sst s1  }
0xa: {  	[smem:$0x3FAA] =	sst s2  }
0xb: {  	[smem:$0x3FAB] =	sst s3  }
0xc: {  	[smem:$0x3FAC] =	sst s4  }
0xd: {  	[smem:$0x3FAD] =	sst s5  }
0xe: {  	[smem:$0x3FAE] =	sst s6  }
0xf: {  	[smem:$0x3FAF] =	sst s7  }
0x10: {  	[smem:$0x3FB0] =	sst s8  }
0x11: {  	[smem:$0x3FB1] =	sst s9;
	s0 =	simm.s32 @!p0 $0x0  }
0x12: {  	s1 =	sld [smem:$0x3F97];
	s0 =	simm.s32 @p0 $0x1  }
0x13: {  	[smem:$0x3FB2] =	sst s0;
	s0 =	simm.s32 @!p1 $0x0  }
0x14: {  	s2 =	sld [smem:$0x3F96];
	s0 =	simm.s32 @p1 $0x1  }
0x15: {  	[smem:$0x3FB3] =	sst s0;
	s0 =	simm.s32 @!p2 $0x0  }
0x16: {  	s3 =	sld [smem:$0x3FDB];
	s0 =	simm.s32 @p2 $0x1  }
0x17: {  	s4 =	simm.s32 $0x1BF5;
	[smem:$0x3FB5] =	sst s0  }
0x18: {  	s0 =	sld [smem:$0x3F98];
	_ =	swait.ge [sflag:s4], $0x0  }
0x19: {  	s7 =	sld [smem:$0x3F99]  }
0x1a: {  	s8 =	sadd.s32 $0xFFFFE003, lr  }
0x1b: {  	s9 =	sadd.s32 $0xFFFFFEF7, lr;
	s5 =	simm.s32 $0xFFFFFFFF;
	p2 =	slt.u32 s8, $0xFFFFF086  }
0x1c: {  	p1 =	slt.u32 s9, $0xF7A;
	s5 =	simm.s32 @!p2 $0x0  }
0x1d: {  	s5 =	simm.s32 @p1 $0x1;
	p0 =	seq.s32 s7, s2  }
0x1e: {  	s7 =	smul.u32 @!p0 $0xF7A, s2;
	p2 =	seq.s32 @!p0 s5, $0x0  }
0x1f: {  	s9 =	smul.u32 $0xF7A, s1;
	s8 =	simm.s32 @!p0 $0x1BF5;
	p2 =	por !p2, p0  }
0x20: {  	[sflag:s8] =	ssyncset.s32 @!p0 $0xFFFFF086;
	s6 =	sadd.s32 @!p0 s3, s7;
	s7 =	simm.s32 @!p0 $0x108  }
0x21: {  	s3 =	sadd.s32 s3, s9;
	s6 =	sadd.s32 @!p0 $0x88, s6;
	s7 =	simm.s32 @p2 $0x1082  }
0x22: {  	[simem:s7], [sflag:s8] =	dma.local @!p0 [hbm:s6], $0xF7A  }
0x23: {  	s9 =	sor.u32 $0xD0000000, s2;
	s6 =	simm.s32 $0x108;
	_ =	swait.ge @!p0 [sflag:s8], $0x0  }
0x24: {  	s3 =	sadd.s32 $0x88, s3;
	s6 =	simm.s32 @!p1 $0x1082;
	[sflag:s4] =	ssyncset.s32 $0xFFFFF086  }
0x25: {  	[simem:s6], [sflag:s4] =	dma.local [hbm:s3], $0xF7A  }
0x26: {  	[smem:$0x3F99] =	sst s1;
	(tag) =	ssettag s2;
	_ =	strace s9  }
0x27: {  	s1 =	sld [smem:$0x3FA9]  }
0x28: {  	s2 =	sld [smem:$0x3FAA]  }
0x29: {  	s4 =	sld [smem:$0x3FAC]  }
0x2a: {  	p0 =	seq.s32 s5, $0x0;
	s5 =	sld [smem:$0x3FAD]  }
0x2b: {  	s6 =	sld [smem:$0x3FAE]  }
0x2c: {  	s7 =	sld [smem:$0x3FAF]  }
0x2d: {  	s3 =	simm.s32 $0x108;
	s8 =	sld [smem:$0x3FB0]  }
0x2e: {  	s3 =	simm.s32 @!p0 $0x1082;
	s9 =	sld [smem:$0x3FB1]  }
0x2f: {  	lr =	sadd.s32 s0, s3;
	s0 =	sld [smem:$0x3FA8]  }
0x30: {  	s3 =	sld [smem:$0x3FAB]  }
0x31: {  	[smem:$0x3FB4] =	sst s10  }
0x32: {  	s10 =	sld [smem:$0x3FB2];
	_ =	sdelay $0x3  }
0x33: {  	p0 =	seq.s32 s10, $0x1;
	s10 =	sld [smem:$0x3FB4];
	_ =	sdelay $0x3  }
0x34: {  	[smem:$0x3FB4] =	sst s10  }
0x35: {  	s10 =	sld [smem:$0x3FB3];
	_ =	sdelay $0x3  }
0x36: {  	p1 =	seq.s32 s10, $0x1;
	s10 =	sld [smem:$0x3FB4];
	_ =	sdelay $0x3  }
0x37: {  	[smem:$0x3FB4] =	sst s10  }
0x38: {  	s10 =	sld [smem:$0x3FB5]  }
0x39: {  	_ = 	snop;
	(pc) =	sbr.ind lr, $3  }
0x3a: {  	_ = 	snop  }
0x3b: {  	_ = 	snop  }
0x3c: {  	p2 =	seq.s32 s10, $0x1;
	s10 =	sld [smem:$0x3FB4]  }
0x3d: {  	_ =	shalt  }
0x3e: {  	_ =	shalt  }
0x3f: {  	_ =	shalt  }
0x40: {  	_ =	shalt  }
0x41: {  	_ =	shalt  }
0x42: {  	_ =	shalt  }
0x43: {  	_ =	shalt  }
0x44: {  	_ =	shalt  }
0x45: {  	_ =	shalt  }
0x46: {  	_ =	shalt  }
0x47: {  	_ =	shalt  }
0x48: {  	_ =	shalt  }
0x49: {  	_ =	shalt  }
0x4a: {  	_ =	shalt  }
0x4b: {  	_ =	shalt  }
0x4c: {  	_ =	shalt  }
0x4d: {  	_ =	shalt  }
0x4e: {  	_ =	shalt  }
0x4f: {  	_ =	shalt  }
0x50: {  	_ =	shalt  }
0x51: {  	_ =	shalt  }
0x52: {  	_ =	shalt  }
0x53: {  	_ =	shalt  }
0x54: {  	_ =	shalt  }
0x55: {  	_ =	shalt  }
0x56: {  	_ =	shalt  }
0x57: {  	_ =	shalt  }
0x58: {  	_ =	shalt  }
0x59: {  	_ =	shalt  }
0x5a: {  	_ =	shalt  }
0x5b: {  	_ =	shalt  }
0x5c: {  	_ =	shalt  }
0x5d: {  	_ =	shalt  }
0x5e: {  	_ =	shalt  }
0x5f: {  	_ =	shalt  }
0x60: {  	_ =	shalt  }
0x61: {  	_ =	shalt  }
0x62: {  	_ =	shalt  }
0x63: {  	_ =	shalt  }
0x64: {  	_ =	shalt  }
0x65: {  	_ =	shalt  }
0x66: {  	_ =	shalt  }
0x67: {  	_ =	shalt  }
0x68: {  	_ =	shalt  }
0x69: {  	_ =	shalt  }
0x6a: {  	_ =	shalt  }
0x6b: {  	_ =	shalt  }
0x6c: {  	_ =	shalt  }
0x6d: {  	_ =	shalt  }
0x6e: {  	_ =	shalt  }
0x6f: {  	_ =	shalt  }
0x70: {  	_ =	shalt  }
0x71: {  	_ =	shalt  }
0x72: {  	_ =	shalt  }
0x73: {  	_ =	shalt  }
0x74: {  	_ =	shalt  }
0x75: {  	_ =	shalt  }
0x76: {  	_ =	shalt  }
0x77: {  	_ =	shalt  }
0x78: {  	_ =	shalt  }
0x79: {  	_ =	shalt  }
0x7a: {  	_ =	shalt  }
0x7b: {  	_ =	shalt  }
0x7c: {  	_ =	shalt  }
0x7d: {  	_ =	shalt  }
0x7e: {  	_ =	shalt  }
0x7f: {  	_ =	shalt  }
0x80: {  	_ =	shalt  }
0x81: {  	_ =	shalt  }
0x82: {  	_ =	shalt  }
0x83: {  	_ =	shalt  }
0x84: {  	_ =	shalt  }
0x85: {  	_ =	shalt  }
0x86: {  	_ =	shalt  }
0x87: {  	_ =	shalt  }
.Lfunc_end0:
.L_simem_size_0:
called_computation.3_lowered:
.L_overlay_start_0:
0x88: {  	s2 =	sld [smem:$0x3FD9]  }
0x89: {  	s3 =	sld [smem:$0x3FFE];
	_ =	sdelay $0x1  }
0x8a: {  	s1 =	srdreg.scid  }
0x8b: {  	s0 =	sand.u32 $0x1, s1  }
0x8c: {  	s17 =	sshll.u32 s0, $0xA;
	s2 =	sadd.s32 s3, s2  }
0x8d: {  	s2 =	sadd.s32 s2, s17  }
0x8e: {  	[smem:$0x3FC0] =	sst s2  }
0x8f: {  	_ = 	snop  }
0x90: {  	s2 =	sld [smem:$0x3FD0];
	(tm) =	ssettm $0x1  }
0x91: {  	s18 =	sld [smem:$0x3FFB];
	_ =	sdelay $0x3  }
0x92: {  	_ =	strace s18  }
0x93: {  	s3 =	sld [smem:$0x3FFC];
	_ =	sdelay $0x3  }
0x94: {  	_ =	strace s3  }
0x95: {  	s3 =	sld [smem:$0x3FFD];
	_ =	sdelay $0x3  }
0x96: {  	_ =	strace s3  }
0x97: {  	_ =	strace $0x8FFFFFFF  }
0x98: {  	s19 =	sld [smem:$0x3FDB];
	_ =	sdelay $0x1  }
0x99: {  	s4 =	simm.s32 $_scs_section_size  }
0x9a: {  	s5 =	simm.s32 $_size__tile_overlayer_lowered;
	s6 =	simm.s32 $_tile_overlayer_lowered  }
0x9b: {  	s22 =	simm.s32 $0x1BFF;
	s21 =	sshll.u32 s6, $0x1;
	s3 =	sadd.s32 s4, s19  }
0x9c: {  	s7 =	simm.s32 $0x0;
	s20 =	sshll.u32 s5, $0x1;
	s5 =	sadd.s32 s21, s3  }
0x9d: {  	[timem:s7], [sflag:s22] =	dma.local [hbm:s5], s20  }
0x9e: {  	_ =	swait.ge [sflag:s22], s20  }
0x9f: {  	s4 =	ssub.s32 $0x0, s20;
	[sflag:s22] =	ssyncset.done $0x0  }
0xa0: {  	[sflag:s22] =	ssyncadd.s32 s4;
	_ =	sdelay $0x1  }
0xa1: {  	s23 =	simm.s32 $0x1B8B  }
0xa2: {  	_ =	swait.ge [sflag:s23], $0x1  }
0xa3: {  	[sflag:s23] =	ssyncset.done $0x0  }
0xa4: {  	s25 =	simm.s32 $0x1B8E;
	s24 =	sld [smem:$0x3FFE];
	[sflag:s23] =	ssyncadd.s32 $0xFFFFFFFF  }
0xa5: {  	s26 =	simm.s32 $execute0_lowered;
	[smem:$0x3FD2] =	sst s25  }
0xa6: {  	s5 =	sshll.u32 s26, $0x1;
	_ =	strace $0x8000004F;
	[dreg:$0x1] =	wrdreg $0xFFFFFFFF  }
0xa7: {  	s28 =	simm.s32 $_size_execute0_lowered;
	s3 =	sadd.s32 s3, s5;
	[dreg:$0x0] =	wrdreg $0x0  }
0xa8: {  	s5 =	sshll.u32 s28, $0x1;
	[dreg:$0x2] =	wrdreg s3  }
0xa9: {  	[dreg:$0x3] =	wrdreg s5  }
0xaa: {  	[dreg:$0x4] =	wrdreg $0xC0  }
0xab: {  	_ =	task [dreg:s7], $0x5FFFF  }
0xac: {  	[dreg:$0x1] =	wrdreg $0xFFFFFFFF  }
0xad: {  	[dreg:$0x0] =	wrdreg $0x60  }
0xae: {  	[dreg:$0x2] =	wrdreg s24  }
0xaf: {  	[dreg:$0x3] =	wrdreg s2  }
0xb0: {  	[dreg:$0x4] =	wrdreg $0xA8000  }
0xb1: {  	[dreg:$0x5] =	wrdreg $0x9  }
0xb2: {  	_ =	task.clear_ibuf [dreg:s7], $0x6FFFF;
	_ =	strace $0x9000004F  }
0xb3: {  	s29 =	simm.s32 $0x9;
	_ =	strace $0x80000051  }
0xb4: {  	_ =	swait.ge [sflag:s29], $0x1  }
0xb5: {  	[sflag:s29] =	ssyncadd.s32 $0xFFFFFFFF  }
0xb6: {  	_ =	strace $0x90000051  }
0xb7: {  	_ =	sfence  }
0xb8: {  	s30 =	sld [smem:$0x0];
	_ =	sdelay $0x2  }
0xb9: {  	s31 =	sshll.u32 s1, $0xD;
	s1 =	sshrl.u32 s1, $0x2  }
0xba: {  	s3 =	sand.u32 $0x4000, s31;
	s1 =	sadd.s32 s1, s30  }
0xbb: {  	s0 =	sor.u32 s3, s0;
	s1 =	sshll.u32 s1, $0x11  }
0xbc: {  	s0 =	sor.u32 s1, s0  }
0xbd: {  	s0 =	sadd.s32 $0x8F2B, s0  }
0xbe: {  	[sflag:s0] =	ssyncadd.remote.s32 $0x1  }
0xbf: {  	_ =	sfence.sel $0xFFFF  }
0xc0: {  	[dreg:$0x0] =	wrdreg $0xFFFFFFFF;
	(pc) =	sbr.abs _section_cstart, $3  }
0xc1: {  	[dreg:$0x1] =	wrdreg $0xFFFFFFFF  }
0xc2: {  	_ =	task.clear_ibuf [dreg:s7], $0x2FFFF;
	_ =	strace $0x9FFFFFFF  }
0xc3: {  	(tm) =	ssettm $0x7FFFFFFF  }
tec
execute0_lowered:
.L_overlay_start_1:
0x0: {  	(tag) =	ssettag $0x1  }
0x1: {  	s0 =	rddreg [dreg:$0x0]  }
0x2: {  	s2 =	rddreg [dreg:$0x1]  }
0x3: {  	s1 =	rddreg [dreg:$0x2]  }
0x4: {  	s3 =	srdreg.scid;
	s23 =	stileid.u32;
	s28 =	simm.s32 $0x2780  }
0x5: {  	s29 =	simm.s32 $0x80;
	s30 =	simm.s32 $0x6800;
	s7 =	smul.u32 $0x50000, s23  }
0x6: {  	s31 =	simm.s32 $0x2;
	s5 =	sand.u32 $0x1, s3;
	s14 =	smul.u32 $0x14000, s23  }
0x7: {  	s3 =	simm.s32 $0x0;
	s13 =	sadd.s32 $0x2A00, s0;
	s26 =	smul.u32 $0x4E, s23  }
0x8: {  	s21 =	sshll.u32 s23, $0x4;
	s4 =	sshll.u32 s5, $0x4;
	s19 =	smul.u32 $0x140000, s5  }
0x9: {  	[smem:$0x7FF] =	sst s3;
	s6 =	ssub.s32 $0x2, s5;
	s5 =	smul.u32 $0x4E0, s5  }
0xa: {  	s21 =	sor.u32 $0x9C00, s21;
	s11 =	sor.u32 s23, s4;
	_ =	strace $0x80000050  }
0xb: {  	s4 =	sadd.s32 $0xC800, s0;
	s0 =	sadd.s32 $0x33A00, s0;
	s8 =	sshrl.u32 s6, $0x1  }
0xc: {  	s25 =	sshrl.u32 s7, $0x2;
	s15 =	sadd.s32 $0x4000, s14;
	s16 =	sadd.s32 $0x8000, s14  }
0xd: {  	s17 =	sadd.s32 $0xC000, s14;
	s18 =	sadd.s32 $0x10000, s14;
	s12 =	smul.u32 $0x4E0, s11  }
0xe: {  	s20 =	ssub.s32 s6, s8;
	s6 =	sadd.s32 s25, s1;
	s7 =	sadd.s32 s15, s1  }
0xf: {  	s8 =	sadd.s32 s16, s1;
	s9 =	sadd.s32 s17, s1;
	s10 =	sadd.s32 s18, s1  }
0x10: {  	s22 =	sadd.s32 s14, s19;
	s15 =	sadd.s32 s19, s15;
	s23 =	sadd.s32 s19, s16  }
0x11: {  	s25 =	sadd.s32 $0x10, s2;
	s5 =	sadd.s32 s26, s5;
	p0 =	sgt.u32 s11, $0x3  }
0x12: {  	s23 =	sshrl.u32 s23, $0x3;
	s5 =	sshll.u32 s5, $0x4;
	s24 =	sadd.s32 s13, s12  }
0x13: {  	s20 =	smax.u32 s20, $0x1;
	s26 =	sadd.s32 s2, s12;
	[dreg:$0x4] =	wrdreg s24  }
0x14: {  	s12 =	sadd.s32 s12, s25;
	s5 =	sadd.s32 $0x20, s5;
	[dreg:$0x5] =	wrdreg s26  }
0x15: {  	s24 =	sadd.s32 s19, s17;
	[dreg:$0x6] =	wrdreg s12;
	s17 =	sadd.s32 s13, s21  }
0x16: {  	s19 =	sadd.s32 s19, s18;
	s18 =	sadd.s32 s2, s21;
	[dreg:$0x7] =	wrdreg s17  }
0x17: {  	s21 =	sshrl.u32 s22, $0x3;
	s22 =	sshrl.u32 s15, $0x3;
	[dreg:$0x8] =	wrdreg s18  }
0x18: {  	s15 =	sadd.s32 s0, s21;
	s16 =	sadd.s32 s0, s22;
	s17 =	sadd.s32 s0, s23  }
0x19: {  	s26 =	sshrl.u32 s24, $0x3;
	s19 =	sshrl.u32 s19, $0x3;
	s21 =	sadd.s32 s2, s5  }
0x1a: {  	s22 =	sadd.s32 s5, s25;
	s23 =	simm.s32 $0x2800;
	s24 =	simm.s32 $0x3  }
0x1b: {  	s25 =	simm.s32 $0x1;
	s2 =	simm.s32 $0x0;
	s18 =	sadd.s32 s0, s26  }
0x1c: {  	v0 =	vimm.f32 $0.0e+00;
	s19 =	sadd.s32 s0, s19;
	s26 =	simm.s32 $0x2700;
	s0 =	simm.s32 $0x4  }
.LBB2_1:
0x1d: {  	s5 =	rddreg [dreg:$0x4]  }
0x1e: {  	[tilespmem:s3], [sflag:$0x1] =	stream.linear.gather [hbm4b:s5+s3], $0x2700, $0x38;
	[tilespmem:$0x1E800] =	vst v63  }
0x1f: {  	s11 =	simm.s32 $0x200;
	s5 =	simm.s32 $0x0  }
.LBB2_2:
0x20: {  	p1 =	sne.s32 s11, $0xFE00;
	[tilespmem:s5+$0x2870] =	vst v0  }
0x21: {  	[tilespmem:s5+$0x2800] =	vst v0  }
0x22: {  	[tilespmem:s5+$0x2810] =	vst v0  }
.Ltmp0:
0x23: {  	[tilespmem:s5+$0x2820] =	vst v0;
	(pc) =	sbr.rel @p1 .LBB2_2-.Ltmp0, $4  }
0x24: {  	[tilespmem:s5+$0x2830] =	vst v0  }
0x25: {  	[tilespmem:s5+$0x2840] =	vst v0  }
0x26: {  	[tilespmem:s5+$0x2850] =	vst v0  }
0x27: {  	[tilespmem:s5+$0x2860] =	vst v0;
	s5 =	sshra.s32 s11, $0x2;
	s11 =	sadd.s32 $0x200, s11  }
0x28: {  	[tilespmem:s5+$0x2870] =	vst v0  }
0x29: {  	[tilespmem:s5+$0x2800] =	vst v0  }
0x2a: {  	[tilespmem:s5+$0x2810] =	vst v0  }
0x2b: {  	[tilespmem:s5+$0x2820] =	vst v0  }
0x2c: {  	[tilespmem:s5+$0x2830] =	vst v0  }
0x2d: {  	[tilespmem:s5+$0x2840] =	vst v0  }
0x2e: {  	[tilespmem:s5+$0x2850] =	vst v0  }
0x2f: {  	[tilespmem:s5+$0x2860] =	vst v0  }
0x30: {  	[spmem:s6] =	stream.linear.scatter [tilespmem:s23], [sflag:$0x3], $0x4000, $0x38;
	[tilespmem:$0x1E800] =	vst v63  }
0x31: {  	_ = 	snop  }
0x32: {  	[spmem:s7] =	stream.linear.scatter [tilespmem:s23], [sflag:$0x3], $0x4000, $0x38;
	[tilespmem:$0x1E800] =	vst v63  }
0x33: {  	_ = 	snop  }
0x34: {  	[spmem:s8] =	stream.linear.scatter [tilespmem:s23], [sflag:$0x3], $0x4000, $0x38;
	[tilespmem:$0x1E800] =	vst v63  }
0x35: {  	_ = 	snop  }
0x36: {  	[spmem:s9] =	stream.linear.scatter [tilespmem:s23], [sflag:$0x3], $0x4000, $0x38;
	[tilespmem:$0x1E800] =	vst v63  }
0x37: {  	_ = 	snop  }
0x38: {  	[spmem:s10] =	stream.linear.scatter [tilespmem:s23], [sflag:$0x3], $0x4000, $0x38;
	[tilespmem:$0x1E800] =	vst v63  }
0x39: {  	_ =	swait.ge [sflag:s24], $0x4000  }
0x3a: {  	[sflag:s24] =	ssyncset.done $0x0  }
0x3b: {  	[sflag:s24] =	ssyncadd.s32 $0xFFFFC000  }
0x3c: {  	_ =	swait.ge [sflag:s24], $0x4000  }
0x3d: {  	[sflag:s24] =	ssyncset.done $0x0  }
0x3e: {  	[sflag:s24] =	ssyncadd.s32 $0xFFFFC000  }
0x3f: {  	_ =	swait.ge [sflag:s24], $0x4000  }
0x40: {  	[sflag:s24] =	ssyncset.done $0x0  }
0x41: {  	[sflag:s24] =	ssyncadd.s32 $0xFFFFC000  }
0x42: {  	_ =	swait.ge [sflag:s24], $0x4000  }
0x43: {  	[sflag:s24] =	ssyncset.done $0x0  }
0x44: {  	[sflag:s24] =	ssyncadd.s32 $0xFFFFC000  }
0x45: {  	_ =	swait.ge [sflag:s24], $0x4000  }
0x46: {  	[sflag:s24] =	ssyncset.done $0x0  }
0x47: {  	[sflag:s24] =	ssyncadd.s32 $0xFFFFC000  }
0x48: {  	_ =	swait.ge [sflag:s25], $0x2700  }
0x49: {  	[sflag:s25] =	ssyncset.done $0x0  }
0x4a: {  	[sflag:s25] =	ssyncadd.s32 $0xFFFFD900  }
0x4b: {  	[bflag:$0x0] =	sbarrier.arrive $0xFFFF  }
0x4c: {  	s13 =	simm.s32 $0x0;
	s11 =	rddreg [dreg:$0x5]  }
0x4d: {  	[tilespmem:s26], [sflag:$0x1] =	stream.linear.gather [hbm4b:s11+s13], $0x80, $0x38;
	[tilespmem:$0x1E800] =	vst v63  }
0x4e: {  	s14 =	rddreg [dreg:$0x6]  }
0x4f: {  	[tilespmem:s28], [sflag:$0x1] =	stream.linear.gather [hbm4b:s14+s13], $0x80, $0x38;
	[tilespmem:$0x1E800] =	vst v63  }
0x50: {  	_ = 	snop  }
0x51: {  	[tilespmem:s23], [sflag:$0x2] =	stream.indirect.gather [hbm4b:s4+s29], $0x80, s13, s29, $0xb8;
	[tilespmem:$0x1E800] =	vst v63  }
0x52: {  	_ = 	snop  }
0x53: {  	[tilespmem:s30], [sflag:$0x3] =	stream.indirect.gather [hbm4b:s4+s29], $0x80, s29, s29, $0xb8;
	[tilespmem:$0x1E800] =	vst v63  }
0x54: {  	_ =	swait.ge [sflag:s25], $0x80  }
0x55: {  	[sflag:s25] =	ssyncset.done $0x0  }
0x56: {  	[sflag:s25] =	ssyncadd.s32 $0xFFFFFF80  }
0x57: {  	_ =	swait.ge [sflag:s25], $0x80  }
0x58: {  	[sflag:s25] =	ssyncset.done $0x0  }
0x59: {  	[sflag:s25] =	ssyncadd.s32 $0xFFFFFF80  }
0x5a: {  	_ =	swait.ge [sflag:s31], $0x4000  }
0x5b: {  	[sflag:s31] =	ssyncset.done $0x0  }
0x5c: {  	[sflag:s31] =	ssyncadd.s32 $0xFFFFC000  }
0x5d: {  	[spmem:s1] =	stream.indirect.scatter.add.f32 [tilespmem:s23], [sflag:$0x4], $0x80, s26, s29, $0xb8;
	[tilespmem:$0x1E800] =	vst v63  }
0x5e: {  	_ =	swait.ge [sflag:s0], $0x4000  }
0x5f: {  	[sflag:s0] =	ssyncset.done $0x0  }
0x60: {  	s12 =	sadd.s32 $0x0, s21;
	[sflag:s0] =	ssyncadd.s32 $0xFFFFC000  }
0x61: {  	[tilespmem:s26], [sflag:$0x1] =	stream.linear.gather [hbm4b:s12+s3], $0x80, $0x38;
	[tilespmem:$0x1E800] =	vst v63  }
0x62: {  	s5 =	simm.s32 $0x100  }
0x63: {  	[tilespmem:s23], [sflag:$0x2] =	stream.indirect.gather [hbm4b:s4+s29], $0x80, s5, s29, $0xb8;
	[tilespmem:$0x1E800] =	vst v63  }
0x64: {  	_ =	swait.ge [sflag:s24], $0x4000  }
0x65: {  	[sflag:s24] =	ssyncset.done $0x0  }
0x66: {  	[sflag:s24] =	ssyncadd.s32 $0xFFFFC000  }
0x67: {  	[spmem:s1] =	stream.indirect.scatter.add.f32 [tilespmem:s30], [sflag:$0x4], $0x80, s28, s29, $0xb8;
	[tilespmem:$0x1E800] =	vst v63  }
0x68: {  	_ =	swait.ge [sflag:s0], $0x4000  }
0x69: {  	[sflag:s0] =	ssyncset.done $0x0  }
0x6a: {  	s13 =	sadd.s32 $0x0, s22;
	[sflag:s0] =	ssyncadd.s32 $0xFFFFC000  }
0x6b: {  	[tilespmem:s28], [sflag:$0x1] =	stream.linear.gather [hbm4b:s13+s3], $0x80, $0x38;
	[tilespmem:$0x1E800] =	vst v63  }
0x6c: {  	s14 =	simm.s32 $0x180  }
0x6d: {  	[tilespmem:s30], [sflag:$0x3] =	stream.indirect.gather [hbm4b:s4+s29], $0x80, s14, s29, $0xb8;
	[tilespmem:$0x1E800] =	vst v63  }
0x6e: {  	_ =	swait.ge [sflag:s25], $0x80  }
0x6f: {  	[sflag:s25] =	ssyncset.done $0x0  }
0x70: {  	[sflag:s25] =	ssyncadd.s32 $0xFFFFFF80  }
0x71: {  	_ =	swait.ge [sflag:s25], $0x80  }
0x72: {  	s11 =	simm.s32 $0x20;
	[sflag:s25] =	ssyncset.done $0x0  }
.LBB2_4:
0x73: {  	p1 =	sne.s32 s11, $0x4A0;
	[sflag:s25] =	ssyncadd.s32 $0xFFFFFF80;
	s5 =	sadd.s32 $0x100, s5  }
0x74: {  	s12 =	smov.u32 s11;
	s11 =	sadd.s32 $0x20, s11;
	_ =	swait.ge [sflag:s31], $0x4000  }
0x75: {  	[sflag:s31] =	ssyncset.done $0x0  }
0x76: {  	[sflag:s31] =	ssyncadd.s32 $0xFFFFC000  }
0x77: {  	[spmem:s1] =	stream.indirect.scatter.add.f32 [tilespmem:s23], [sflag:$0x4], $0x80, s26, s29, $0xb8;
	[tilespmem:$0x1E800] =	vst v63  }
0x78: {  	_ =	swait.ge [sflag:s0], $0x4000  }
0x79: {  	[sflag:s0] =	ssyncset.done $0x0  }
0x7a: {  	s13 =	sadd.s32 s12, s21;
	[sflag:s0] =	ssyncadd.s32 $0xFFFFC000  }
0x7b: {  	[tilespmem:s26], [sflag:$0x1] =	stream.linear.gather [hbm4b:s13+s3], $0x80, $0x38;
	[tilespmem:$0x1E800] =	vst v63  }
0x7c: {  	_ = 	snop  }
0x7d: {  	[tilespmem:s23], [sflag:$0x2] =	stream.indirect.gather [hbm4b:s4+s29], $0x80, s5, s29, $0xb8;
	[tilespmem:$0x1E800] =	vst v63  }
0x7e: {  	_ =	swait.ge [sflag:s24], $0x4000  }
0x7f: {  	[sflag:s24] =	ssyncset.done $0x0  }
0x80: {  	[sflag:s24] =	ssyncadd.s32 $0xFFFFC000  }
0x81: {  	[spmem:s1] =	stream.indirect.scatter.add.f32 [tilespmem:s30], [sflag:$0x4], $0x80, s28, s29, $0xb8;
	[tilespmem:$0x1E800] =	vst v63  }
0x82: {  	_ =	swait.ge [sflag:s0], $0x4000  }
0x83: {  	[sflag:s0] =	ssyncset.done $0x0  }
0x84: {  	s12 =	sadd.s32 s12, s22;
	[sflag:s0] =	ssyncadd.s32 $0xFFFFC000  }
0x85: {  	[tilespmem:s28], [sflag:$0x1] =	stream.linear.gather [hbm4b:s12+s3], $0x80, $0x38;
	[tilespmem:$0x1E800] =	vst v63  }
0x86: {  	s12 =	sadd.s32 $0x80, s5  }
0x87: {  	[tilespmem:s30], [sflag:$0x3] =	stream.indirect.gather [hbm4b:s4+s29], $0x80, s12, s29, $0xb8;
	[tilespmem:$0x1E800] =	vst v63  }
.Ltmp1:
0x88: {  	_ =	swait.ge [sflag:s25], $0x80;
	(pc) =	sbr.rel @p1 .LBB2_4-.Ltmp1, $4  }
0x89: {  	[sflag:s25] =	ssyncset.done $0x0  }
0x8a: {  	[sflag:s25] =	ssyncadd.s32 $0xFFFFFF80  }
0x8b: {  	_ =	swait.ge [sflag:s25], $0x80  }
0x8c: {  	[sflag:s25] =	ssyncset.done $0x0  }
0x8d: {  	[sflag:s25] =	ssyncadd.s32 $0xFFFFFF80  }
0x8e: {  	_ =	swait.ge [sflag:s31], $0x4000  }
0x8f: {  	[sflag:s31] =	ssyncset.done $0x0  }
0x90: {  	[sflag:s31] =	ssyncadd.s32 $0xFFFFC000  }
0x91: {  	[spmem:s1] =	stream.indirect.scatter.add.f32 [tilespmem:s23], [sflag:$0x4], $0x80, s26, s29, $0xb8;
	[tilespmem:$0x1E800] =	vst v63  }
0x92: {  	_ =	swait.ge [sflag:s0], $0x4000  }
0x93: {  	[sflag:s0] =	ssyncset.done $0x0  }
0x94: {  	[sflag:s0] =	ssyncadd.s32 $0xFFFFC000  }
0x95: {  	_ =	swait.ge [sflag:s24], $0x4000  }
0x96: {  	[sflag:s24] =	ssyncset.done $0x0  }
0x97: {  	[sflag:s24] =	ssyncadd.s32 $0xFFFFC000  }
0x98: {  	[spmem:s1] =	stream.indirect.scatter.add.f32 [tilespmem:s30], [sflag:$0x4], $0x80, s28, s29, $0xb8;
	[tilespmem:$0x1E800] =	vst v63  }
0x99: {  	_ =	swait.ge [sflag:s0], $0x4000  }
0x9a: {  	[sflag:s0] =	ssyncset.done $0x0  }
0x9b: {  	s5 =	simm.s32 @!p0 $0x0;
	s11 =	rddreg [dreg:$0x7];
	[sflag:s0] =	ssyncadd.s32 $0xFFFFC000  }
0x9c: {  	[tilespmem:s5], [sflag:$0x4] =	stream.linear.gather @!p0 [hbm4b:s11+s5], $0x80, $0x38;
	[tilespmem:$0x1E800] =	vst v63  }
0x9d: {  	s11 =	simm.s32 @!p0 $0x4  }
0x9e: {  	_ =	swait.ge @!p0 [sflag:s11], $0x80  }
0x9f: {  	[sflag:s11] =	ssyncset.done @!p0 $0x0  }
0xa0: {  	s12 =	simm.s32 @!p0 $0x2700;
	s13 =	rddreg [dreg:$0x8];
	[sflag:s11] =	ssyncadd.s32 @!p0 $0xFFFFFF80  }
0xa1: {  	[tilespmem:s12], [sflag:$0x4] =	stream.linear.gather @!p0 [hbm4b:s13+s5], $0x80, $0x38;
	[tilespmem:$0x1E800] =	vst v63  }
0xa2: {  	_ =	swait.ge @!p0 [sflag:s11], $0x80  }
0xa3: {  	[sflag:s11] =	ssyncset.done @!p0 $0x0  }
0xa4: {  	s14 =	simm.s32 @!p0 $0x2800;
	s13 =	simm.s32 @!p0 $0x80;
	[sflag:s11] =	ssyncadd.s32 @!p0 $0xFFFFFF80  }
0xa5: {  	[tilespmem:s14], [sflag:$0x4] =	stream.indirect.gather @!p0 [hbm4b:s4+s13], $0x80, s5, s13, $0xb8;
	[tilespmem:$0x1E800] =	vst v63  }
0xa6: {  	_ =	swait.ge @!p0 [sflag:s11], $0x4000  }
0xa7: {  	[sflag:s11] =	ssyncset.done @!p0 $0x0  }
0xa8: {  	[sflag:s11] =	ssyncadd.s32 @!p0 $0xFFFFC000  }
0xa9: {  	[spmem:s1] =	stream.indirect.scatter.add.f32 @!p0 [tilespmem:s14], [sflag:$0x4], $0x80, s12, s13, $0xb8;
	[tilespmem:$0x1E800] =	vst v63  }
0xaa: {  	_ =	swait.ge @!p0 [sflag:s11], $0x4000  }
0xab: {  	s12 =	stileid.u32;
	[sflag:s11] =	ssyncset.done @!p0 $0x0  }
0xac: {  	s13 =	sshrl.u32 s6, $0x3;
	s5 =	sshll.u32 s12, $0x6;
	[sflag:s11] =	ssyncadd.s32 @!p0 $0xFFFFC000  }
0xad: {  	s14 =	sshrl.u32 s7, $0x3;
	s5 =	sor.u32 $0x1C03, s5;
	[bflag:$0x0] =	sbarrier.arrive $0xFFFF  }
0xae: {  	[hbm:s15], [sflag:s5] =	dma.local [spmem:s13], $0x800  }
0xaf: {  	[hbm:s16], [sflag:s5] =	dma.local [spmem:s14], $0x800  }
0xb0: {  	s12 =	sshrl.u32 s8, $0x3;
	s13 =	sshrl.u32 s9, $0x3;
	s14 =	sshrl.u32 s10, $0x3  }
0xb1: {  	[hbm:s17], [sflag:s5] =	dma.local [spmem:s12], $0x800  }
0xb2: {  	[hbm:s18], [sflag:s5] =	dma.local [spmem:s13], $0x800  }
0xb3: {  	[hbm:s19], [sflag:s5] =	dma.local [spmem:s14], $0x800  }
0xb4: {  	_ =	swait.ge [sflag:s24], $0x800  }
0xb5: {  	[sflag:s24] =	ssyncset.done $0x0  }
0xb6: {  	[sflag:s24] =	ssyncadd.s32 $0xFFFFF800  }
0xb7: {  	_ =	swait.ge [sflag:s24], $0x800  }
0xb8: {  	[sflag:s24] =	ssyncset.done $0x0  }
0xb9: {  	[sflag:s24] =	ssyncadd.s32 $0xFFFFF800  }
0xba: {  	_ =	swait.ge [sflag:s24], $0x800  }
0xbb: {  	[sflag:s24] =	ssyncset.done $0x0  }
0xbc: {  	s2 =	sadd.s32 $0x1, s2;
	[sflag:s24] =	ssyncadd.s32 $0xFFFFF800  }
0xbd: {  	p1 =	sne.s32 s2, s20;
	_ =	swait.ge [sflag:s24], $0x800  }
.Ltmp2:
0xbe: {  	[sflag:s24] =	ssyncset.done $0x0;
	(pc) =	sbr.rel @p1 .LBB2_1-.Ltmp2, $4  }
0xbf: {  	[sflag:s24] =	ssyncadd.s32 $0xFFFFF800  }
0xc0: {  	_ =	swait.ge [sflag:s24], $0x800  }
0xc1: {  	[sflag:s24] =	ssyncset.done $0x0  }
0xc2: {  	[sflag:s24] =	ssyncadd.s32 $0xFFFFF800  }
0xc3: {  	_ =	sfence.sel $0x180000  }
0xc4: {  	[bflag:$0x0] =	sbarrier.arrive $0xFFFF  }
0xc5: {  	_ =	strace $0x90000050  }
0xc6: {  	s0 =	stileid.u32;
	[bflag:$0x2] =	sbarrier.arrive $0xFFFF  }
0xc7: {  	p0 =	sne.s32 s0, $0x0;
	s0 =	rddreg [dreg:$0x3]  }
0xc8: {  	s0 =	sadd.s32 @!p0 $0x100000, s0  }
0xc9: {  	[sflag:s0] =	ssyncadd.tile.s32 @!p0 $0x1;
	_ =	shalt  }
.Lfunc_end2:
_tile_overlayer_lowered:
.L_overlay_start_2:
0xca: {  	(tag) =	ssettag $0x2  }
0xcb: {  	s0 =	rddreg [dreg:$0x0];
	s2 =	stileid.u32  }
0xcc: {  	s1 =	rddreg [dreg:$0x1];
	p0 =	sne.s32 s2, $0x0  }
0xcd: {  	s3 =	rddreg [dreg:$0x2];
	[bflag:$0x3] =	sbarrier.arrive $0xFFFF;
	s2 =	simm.s32 @!p0 $0x1C04  }
0xce: {  	[timem:s3], [sflag:s2] =	dma.local @!p0 [hbm:s0], s1  }
0xcf: {  	s0 =	simm.s32 @!p0 $0x4  }
0xd0: {  	_ =	swait.ge @!p0 [sflag:s0], s1  }
0xd1: {  	s1 =	ssub.s32 @!p0 $0x0, s1;
	[sflag:s0] =	ssyncset.done @!p0 $0x0  }
0xd2: {  	[sflag:s0] =	ssyncadd.s32 @!p0 s1  }
0xd3: {  	[bflag:$0x3] =	sbarrier.arrive $0xFFFF  }
0xd4: {  	_ =	shalt  }

</sc_bundles>
